<compile_context>
chip_gen: v7x
topology: tpu7x:2x2x1
jax: 0.10.2.dev20260603
libtpu: 0.0.44.dev20260713+nightly
codegen_flags: <defaults>
</compile_context>

<pallas_src>
import jax
import jax.numpy as jnp
from jax import lax
from jax.experimental import pallas as pl
from jax.experimental.pallas import tpu as pltpu
from jax.experimental.pallas import tpu_sc as plsc

TILE_F = 224.0
EPS = 1e-8
K = 96
NC = 2
NS = 16
NW = NC * NS
BR = 16
GCH = 768


def _discovery_kernel(npad, nchunks):
    rows_per_w = npad // NW
    nbatches = rows_per_w // BR
    mesh = plsc.VectorSubcoreMesh(core_axis_name="c", subcore_axis_name="s")

    def body(x1h, y1h, x2h, y2h, arh, cxh, cyh, bwh, bhh,
             nbr_h, fiou_h, fdx_h, fdy_h, fdw_h, fdh_h,
             x1v, y1v, x2v, y2v, arv, cxv, cyv, bwv, bhv,
             jb, ib, dxb, dyb, dwb, dhb):
        wid = lax.axis_index("s") * NC + lax.axis_index("c")
        pltpu.sync_copy(x1h, x1v.at[pl.ds(0, npad)])
        pltpu.sync_copy(y1h, y1v.at[pl.ds(0, npad)])
        pltpu.sync_copy(x2h, x2v.at[pl.ds(0, npad)])
        pltpu.sync_copy(y2h, y2v.at[pl.ds(0, npad)])
        pltpu.sync_copy(arh, arv.at[pl.ds(0, npad)])
        pltpu.sync_copy(cxh, cxv.at[pl.ds(0, npad)])
        pltpu.sync_copy(cyh, cyv.at[pl.ds(0, npad)])
        pltpu.sync_copy(bwh, bwv.at[pl.ds(0, npad)])
        pltpu.sync_copy(bhh, bhv.at[pl.ds(0, npad)])

        def ld1(refv, i):
            return refv[pl.ds(i, 16)][0]

        def batch_body(b, _):
            row0 = wid * rows_per_w + b * BR

            def row_body(rl, _):
                i = row0 + rl
                wbase = rl * K
                x1i = ld1(x1v, i)
                y1i = ld1(y1v, i)
                x2i = ld1(x2v, i)
                y2i = ld1(y2v, i)
                ai = ld1(arv, i)
                cxi = ld1(cxv, i)
                cyi = ld1(cyv, i)
                bwi = ld1(bwv, i)
                bhi = ld1(bhv, i)
                ai_vec = jnp.zeros((16,), jnp.float32) + ai
                iou_self = ai_vec / (ai_vec + EPS)
                for c in range(K // 16):
                    sl = pl.ds(wbase + c * 16, 16)
                    jb[sl] = jnp.zeros((16,), jnp.int32) + i
                    ib[sl] = iou_self
                    dxb[sl] = jnp.zeros((16,), jnp.float32)
                    dyb[sl] = jnp.zeros((16,), jnp.float32)
                    dwb[sl] = jnp.zeros((16,), jnp.float32)
                    dhb[sl] = jnp.zeros((16,), jnp.float32)

                def chunk_body(g, off):
                    sub = []
                    for u in range(4):
                        base = (g * 4 + u) * 16
                        sl = pl.ds(base, 16)
                        x1j = x1v[sl]
                        y1j = y1v[sl]
                        x2j = x2v[sl]
                        y2j = y2v[sl]
                        aj = arv[sl]
                        iw = jnp.maximum(
                            jnp.minimum(x2j, x2i) - jnp.maximum(x1j, x1i), 0.0)
                        ih = jnp.maximum(
                            jnp.minimum(y2j, y2i) - jnp.maximum(y1j, y1i), 0.0)
                        inter = iw * ih
                        denom = (ai + aj) - inter + EPS
                        pre = inter * 2.2 > denom
                        ppc = plsc.all_reduce_population_count(pre)
                        sub.append((base, sl, inter, denom, ppc))
                    tot = (sub[0][4] + sub[1][4] + sub[2][4] + sub[3][4])[0]

                    def slow_path(off):
                        for base, sl, inter, denom, ppc in sub:
                            iou = inter / denom
                            mask = iou > 0.5
                            cnt = plsc.all_reduce_population_count(mask)[0]

                            def do_write(off, base=base, sl=sl, mask=mask,
                                         iou=iou):
                                ok = off <= K - 16
                                m2 = jnp.logical_and(mask, ok)
                                jvec = lax.iota(jnp.int32, 16) + base
                                dst = pl.ds(wbase + off, 16)
                                plsc.store_compressed(jb.at[dst], jvec, mask=m2)
                                plsc.store_compressed(ib.at[dst], iou, mask=m2)
                                dx = (cxv[sl] - cxi) / TILE_F
                                dy = (cyv[sl] - cyi) / TILE_F
                                dw = (bwv[sl] - bwi) / TILE_F
                                dh = (bhv[sl] - bhi) / TILE_F
                                plsc.store_compressed(dxb.at[dst], dx, mask=m2)
                                plsc.store_compressed(dyb.at[dst], dy, mask=m2)
                                plsc.store_compressed(dwb.at[dst], dw, mask=m2)
                                plsc.store_compressed(dhb.at[dst], dh, mask=m2)
                                return jnp.where(ok, off + cnt, off)

                            off = lax.cond(cnt > 0, do_write, lambda o: o, off)
                        return off

                    return lax.cond(tot > 0, slow_path, lambda o: o, off)

                lax.fori_loop(0, nchunks // 4, chunk_body, jnp.int32(0))
                return 0

            lax.fori_loop(0, BR, row_body, 0)
            out_sl = pl.ds(row0 * K, BR * K)
            pltpu.sync_copy(jb, nbr_h.at[out_sl])
            pltpu.sync_copy(ib, fiou_h.at[out_sl])
            pltpu.sync_copy(dxb, fdx_h.at[out_sl])
            pltpu.sync_copy(dyb, fdy_h.at[out_sl])
            pltpu.sync_copy(dwb, fdw_h.at[out_sl])
            pltpu.sync_copy(dhb, fdh_h.at[out_sl])
            return 0

        lax.fori_loop(0, nbatches, batch_body, 0)

    flat = npad * K
    out_type = (
        jax.ShapeDtypeStruct((flat,), jnp.int32),
        jax.ShapeDtypeStruct((flat,), jnp.float32),
        jax.ShapeDtypeStruct((flat,), jnp.float32),
        jax.ShapeDtypeStruct((flat,), jnp.float32),
        jax.ShapeDtypeStruct((flat,), jnp.float32),
        jax.ShapeDtypeStruct((flat,), jnp.float32),
    )
    scratch = (
        [pltpu.VMEM((npad + 16,), jnp.float32) for _ in range(9)]
        + [pltpu.VMEM((BR * K,), jnp.int32)]
        + [pltpu.VMEM((BR * K,), jnp.float32) for _ in range(5)]
    )
    return pl.kernel(
        body, out_type=out_type, mesh=mesh, scratch_types=scratch,
        compiler_params=pltpu.CompilerParams(needs_layout_passes=False))


def _gather_kernel(npairs, h):
    per_w = npairs // NW
    nch = per_w // GCH
    assert nch % 2 == 0 and nch >= 4
    mesh = plsc.VectorSubcoreMesh(core_axis_name="c", subcore_axis_name="s")

    def body(table_h, idx_h, out_h, idx0, idx1, rows0, rows1,
             semg, semw0, semw1, semi0, semi1):
        wid = lax.axis_index("s") * NC + lax.axis_index("c")
        base = wid * per_w
        last_off = npairs - GCH
        bufs = ((idx0, rows0, semw0, semi0), (idx1, rows1, semw1, semi1))

        for par in range(2):
            idxv, _, _, semi = bufs[par]
            pltpu.async_copy(idx_h.at[pl.ds(base + par * GCH, GCH)], idxv, semi)

        def run_chunk(c, drain):
            for par in range(2):
                idxv, rowsv, semw, semi = bufs[par]
                off = base + (c + par) * GCH
                dst = out_h.at[pl.ds(off, GCH)]
                pltpu.make_async_copy(idx_h.at[pl.ds(base, GCH)], idxv,
                                      semi).wait()
                if drain:
                    pltpu.make_async_copy(rowsv, dst, semw).wait()
                pltpu.async_copy(table_h.at[idxv], rowsv, semg).wait()
                nxt = jnp.minimum(off + 2 * GCH, last_off)
                pltpu.async_copy(idx_h.at[pl.ds(nxt, GCH)], idxv, semi)
                pltpu.async_copy(rowsv, dst, semw)

        run_chunk(0, False)

        def pair(c2, _):
            run_chunk(c2 * 2, True)
            return 0

        lax.fori_loop(1, nch // 2, pair, 0)
        for par in range(2):
            idxv, rowsv, semw, semi = bufs[par]
            pltpu.make_async_copy(rowsv, out_h.at[pl.ds(base, GCH)], semw).wait()
            pltpu.make_async_copy(idx_h.at[pl.ds(base, GCH)], idxv, semi).wait()

    return pl.kernel(
        body,
        out_type=jax.ShapeDtypeStruct((npairs, h), jnp.float32),
        mesh=mesh,
        scratch_types=[
            pltpu.VMEM((GCH,), jnp.int32),
            pltpu.VMEM((GCH,), jnp.int32),
            pltpu.VMEM((GCH, h), jnp.float32),
            pltpu.VMEM((GCH, h), jnp.float32),
            pltpu.SemaphoreType.DMA,
            pltpu.SemaphoreType.DMA,
            pltpu.SemaphoreType.DMA,
            pltpu.SemaphoreType.DMA,
            pltpu.SemaphoreType.DMA,
        ],
        compiler_params=pltpu.CompilerParams(
            needs_layout_passes=False, use_tc_tiling_on_sc=False),
    )


def _proj_kernel(n, f, h):
    def body(x_ref, w_ref, b_ref, o_ref):
        o_ref[...] = (
            jnp.dot(x_ref[...], w_ref[...], preferred_element_type=jnp.float32)
            + b_ref[0:1, :]
        )

    return pl.pallas_call(
        body,
        out_shape=jax.ShapeDtypeStruct((n, h), jnp.float32),
    )


def _block_kernel(n, f, h, r, final_head):
    grid = (n // r,)

    def body(*refs):
        if final_head:
            (x_ref, aj_ref, fi_ref, fdx_ref, fdy_ref, fdw_ref, fdh_ref,
             w1b_ref, w1c_ref, w2_ref, b2_ref, wo_ref, bo_ref,
             wf1_ref, bf1_ref, wf2_ref, bf2_ref, xn_ref, y_ref) = refs
        else:
            (x_ref, aj_ref, fi_ref, fdx_ref, fdy_ref, fdw_ref, fdh_ref,
             w1b_ref, w1c_ref, w2_ref, b2_ref, wo_ref, bo_ref,
             w1an_ref, b1n_ref, xn_ref, an_ref) = refs
        xt = x_ref[...]
        bt = jnp.dot(xt, w1b_ref[...], preferred_element_type=jnp.float32)
        aj = aj_ref[...].reshape(r, K, h)
        w1c = w1c_ref[...]
        pt = (
            fi_ref[...][:, :, None] * w1c[0][None, None, :]
            + fdx_ref[...][:, :, None] * w1c[1][None, None, :]
            + fdy_ref[...][:, :, None] * w1c[2][None, None, :]
            + fdw_ref[...][:, :, None] * w1c[3][None, None, :]
            + fdh_ref[...][:, :, None] * w1c[4][None, None, :]
        )
        h1 = jnp.maximum(aj + bt[:, None, :] + pt, 0.0)
        h2 = jnp.dot(h1.reshape(r * K, h), w2_ref[...],
                     preferred_element_type=jnp.float32) + b2_ref[0:1, :]
        h2 = jnp.maximum(h2, 0.0).reshape(r, K, h)
        pooled = jnp.max(h2, axis=1)
        out = jnp.dot(pooled, wo_ref[...],
                      preferred_element_type=jnp.float32) + bo_ref[0:1, :]
        xn = xt + out
        xn_ref[...] = xn
        if final_head:
            hf = jnp.maximum(
                jnp.dot(xn, wf1_ref[...], preferred_element_type=jnp.float32)
                + bf1_ref[0:1, :], 0.0)
            y_ref[...] = (
                jnp.dot(hf, wf2_ref[...], preferred_element_type=jnp.float32)
                + bf2_ref[0:1, :]
            )
        else:
            an_ref[...] = (
                jnp.dot(xn, w1an_ref[...], preferred_element_type=jnp.float32)
                + b1n_ref[0:1, :]
            )

    row_spec = pl.BlockSpec((r, f), lambda i: (i, 0))
    aj_spec = pl.BlockSpec((r * K, h), lambda i: (i, 0))
    feat_spec = pl.BlockSpec((r, K), lambda i: (i, 0))
    full = lambda shape: pl.BlockSpec(shape, lambda i: tuple(0 for _ in shape))
    in_specs = [
        row_spec, aj_spec, feat_spec, feat_spec, feat_spec, feat_spec, feat_spec,
        full((f, h)), full((8, h)), full((h, h)), full((1, h)),
        full((h, f)), full((1, f)),
    ]
    out_shape = [jax.ShapeDtypeStruct((n, f), jnp.float32)]
    out_specs = [row_spec]
    if final_head:
        in_specs += [full((f, h)), full((1, h)), full((h, 1)), full((1, 1))]
        out_shape.append(jax.ShapeDtypeStruct((n, 1), jnp.float32))
        out_specs.append(pl.BlockSpec((r, 1), lambda i: (i, 0)))
    else:
        in_specs += [full((f, h)), full((1, h))]
        out_shape.append(jax.ShapeDtypeStruct((n, h), jnp.float32))
        out_specs.append(pl.BlockSpec((r, h), lambda i: (i, 0)))

    return pl.pallas_call(
        body,
        grid=grid,
        in_specs=in_specs,
        out_specs=out_specs,
        out_shape=out_shape,
    )


@jax.jit
def kernel(interpolated, rpn_boxes, params):
    n, f = interpolated.shape
    h = params["blocks"][0]["W2"].shape[0]
    npad = ((n + NW * BR - 1) // (NW * BR)) * (NW * BR)
    nchunks = npad // 16

    x1, y1, x2, y2 = (rpn_boxes[:, j] for j in range(4))
    pad = npad - n
    sent = 1e6 + jnp.arange(pad, dtype=jnp.float32)
    x1p = jnp.concatenate([x1, sent])
    y1p = jnp.concatenate([y1, sent])
    x2p = jnp.concatenate([x2, sent])
    y2p = jnp.concatenate([y2, sent])
    arp = (x2p - x1p) * (y2p - y1p)
    cxp = (x1p + x2p) * 0.5
    cyp = (y1p + y2p) * 0.5
    bwp = x2p - x1p
    bhp = y2p - y1p

    nbr, fiou, fdx, fdy, fdw, fdh = _discovery_kernel(npad, nchunks)(
        x1p, y1p, x2p, y2p, arp, cxp, cyp, bwp, bhp)

    npairs = npad * K
    feats = [a.reshape(npad, K) for a in (fiou, fdx, fdy, fdw, fdh)]

    r = 40 if n % 40 == 0 else 8
    x = interpolated
    y = None
    nblocks = len(params["blocks"])
    blk0 = params["blocks"][0]
    a = _proj_kernel(n, f, h)(x, blk0["W1"][:f], blk0["b1"].reshape(1, h))
    for bi, blk in enumerate(params["blocks"]):
        w1b = blk["W1"][f:2 * f]
        w1c = jnp.concatenate(
            [blk["W1"][2 * f:2 * f + 5], jnp.zeros((3, h), jnp.float32)])
        apad = jnp.concatenate([a, jnp.zeros((npad - n, h), jnp.float32)])
        aj = _gather_kernel(npairs, h)(apad, nbr)
        last = bi == nblocks - 1
        args = [x, aj, *feats, w1b, w1c, blk["W2"], blk["b2"].reshape(1, h),
                blk["Wo"], blk["bo"].reshape(1, f)]
        if last:
            fin = params["final"]
            args += [fin["W1"], fin["b1"].reshape(1, h),
                     fin["W2"], fin["b2"].reshape(1, 1)]
            x, y = _block_kernel(n, f, h, r, True)(*args)
        else:
            nxt = params["blocks"][bi + 1]
            args += [nxt["W1"][:f], nxt["b1"].reshape(1, h)]
            x, a = _block_kernel(n, f, h, r, False)(*args)
    return y

# --- scband reference (transcript-rebuilt; emitter-appended) ---
"""Pipeline reference for scband-block-model-9758165696627 (READ-ONLY COPY).

The authoritative reference and input builder live on the scoring server;
editing this copy changes nothing except your own understanding.
"""

import jax, jax.numpy as jnp
import numpy as np

TILE = 224.0
THRESHOLD = 0.5
N = 5000
F = 65
H = 64
NUM_BLOCKS = 2


def _iou_elem(bi, bj):
    x1 = jnp.maximum(bi[:, 0], bj[:, 0])
    y1 = jnp.maximum(bi[:, 1], bj[:, 1])
    x2 = jnp.minimum(bi[:, 2], bj[:, 2])
    y2 = jnp.minimum(bi[:, 3], bj[:, 3])
    iw = jnp.clip(x2 - x1, 0.0)
    ih = jnp.clip(y2 - y1, 0.0)
    inter = iw * ih
    ai = (bi[:, 2] - bi[:, 0]) * (bi[:, 3] - bi[:, 1])
    aj = (bj[:, 2] - bj[:, 0]) * (bj[:, 3] - bj[:, 1])
    return inter / (ai + aj - inter + 1e-8)


def _pair_indices(boxes):
    # dense pairwise IoU; neighborhoods are rows of the (iou > threshold) mask.
    x1, y1, x2, y2 = boxes[:, 0], boxes[:, 1], boxes[:, 2], boxes[:, 3]
    area = (x2 - x1) * (y2 - y1)
    ix1 = jnp.maximum(x1[:, None], x1[None, :])
    iy1 = jnp.maximum(y1[:, None], y1[None, :])
    ix2 = jnp.minimum(x2[:, None], x2[None, :])
    iy2 = jnp.minimum(y2[:, None], y2[None, :])
    inter = jnp.clip(ix2 - ix1, 0.0) * jnp.clip(iy2 - iy1, 0.0)
    iou = inter / (area[:, None] + area[None, :] - inter + 1e-8)
    return iou > THRESHOLD


def _add_info(bi, bj):
    # per-pair geometric features: iou + normalized center/size deltas
    iou = _iou_elem(bi, bj)
    cxi = (bi[:, 0] + bi[:, 2]) * 0.5
    cyi = (bi[:, 1] + bi[:, 3]) * 0.5
    cxj = (bj[:, 0] + bj[:, 2]) * 0.5
    cyj = (bj[:, 1] + bj[:, 3]) * 0.5
    dx = (cxj - cxi) / TILE
    dy = (cyj - cyi) / TILE
    dw = ((bj[:, 2] - bj[:, 0]) - (bi[:, 2] - bi[:, 0])) / TILE
    dh = ((bj[:, 3] - bj[:, 1]) - (bi[:, 3] - bi[:, 1])) / TILE
    return jnp.stack([iou, dx, dy, dw, dh], axis=1)


def setup_inputs(seed: int = 0):
    key = jax.random.key(seed)
    ks = jax.random.split(key, 24)
    interpolated = jax.random.normal(ks[0], (N, F), dtype=jnp.float32) * 0.1
    u = jax.random.uniform(ks[1], (N, 4), dtype=jnp.float32)
    cx = u[:, 0] * TILE
    cy = u[:, 1] * TILE
    w = 20.0 + u[:, 2] * 40.0
    h = 20.0 + u[:, 3] * 40.0
    rpn_boxes = jnp.stack([cx - w / 2, cy - h / 2, cx + w / 2, cy + h / 2], axis=1)
    Din = 2 * F + 5
    blocks = []
    kidx = 2
    for _ in range(NUM_BLOCKS):
        W1 = jax.random.normal(ks[kidx], (Din, H), dtype=jnp.float32) / np.sqrt(Din); kidx += 1
        b1 = jnp.zeros((H,), dtype=jnp.float32)
        W2 = jax.random.normal(ks[kidx], (H, H), dtype=jnp.float32) / np.sqrt(H); kidx += 1
        b2 = jnp.zeros((H,), dtype=jnp.float32)
        Wo = jax.random.normal(ks[kidx], (H, F), dtype=jnp.float32) / np.sqrt(H); kidx += 1
        bo = jnp.zeros((F,), dtype=jnp.float32)
        blocks.append({"W1": W1, "b1": b1, "W2": W2, "b2": b2, "Wo": Wo, "bo": bo})
    Wf1 = jax.random.normal(ks[kidx], (F, H), dtype=jnp.float32) / np.sqrt(F); kidx += 1
    bf1 = jnp.zeros((H,), dtype=jnp.float32)
    Wf2 = jax.random.normal(ks[kidx], (H, 1), dtype=jnp.float32) / np.sqrt(H); kidx += 1
    bf2 = jnp.zeros((1,), dtype=jnp.float32)
    params = {"blocks": blocks, "final": {"W1": Wf1, "b1": bf1, "W2": Wf2, "b2": bf2}}
    return {"interpolated": interpolated, "rpn_boxes": rpn_boxes, "params": params}


def reference(interpolated, rpn_boxes, params):
    mask = _pair_indices(rpn_boxes)
    x = interpolated
    n = x.shape[0]
    for blk in params["blocks"]:
        def body(i, pooled):
            bi = jnp.broadcast_to(rpn_boxes[i], (n, 4))
            add_info = _add_info(bi, rpn_boxes)
            neigh = x
            main = jnp.broadcast_to(x[i], (n, x.shape[1]))
            nb = jnp.concatenate([neigh, main, add_info], axis=1)
            hdd = jax.nn.relu(nb @ blk["W1"] + blk["b1"])
            hdd = jax.nn.relu(hdd @ blk["W2"] + blk["b2"])
            # max-pool each neighborhood back to a single representation
            row = jnp.max(jnp.where(mask[i][:, None], hdd, -jnp.inf), axis=0)
            return pooled.at[i].set(row)
        pooled = jax.lax.fori_loop(0, n, body, jnp.zeros((n, H), dtype=x.dtype))
        out = pooled @ blk["Wo"] + blk["bo"]
        x = x + out
    f = params["final"]
    hf = jax.nn.relu(x @ f["W1"] + f["b1"])
    return hf @ f["W2"] + f["b2"]

if __name__ == "__main__":
    import jax
    _d = setup_inputs()
    print(jax.jit(kernel)(*tuple(_d.values())))

</pallas_src>

<mosaic_0001>
#map = affine_map<(d0, d1) -> (0)>
module attributes {stable_mosaic.version = 14 : i64} {
  func.func @body(%arg0: i32, %arg1: i32, %arg2: memref<5120xf32, #tpu.memory_space<hbm>>, %arg3: memref<5120xf32, #tpu.memory_space<hbm>>, %arg4: memref<5120xf32, #tpu.memory_space<hbm>>, %arg5: memref<5120xf32, #tpu.memory_space<hbm>>, %arg6: memref<5120xf32, #tpu.memory_space<hbm>>, %arg7: memref<5120xf32, #tpu.memory_space<hbm>>, %arg8: memref<5120xf32, #tpu.memory_space<hbm>>, %arg9: memref<5120xf32, #tpu.memory_space<hbm>>, %arg10: memref<5120xf32, #tpu.memory_space<hbm>>, %arg11: memref<491520xi32, #tpu.memory_space<hbm>>, %arg12: memref<491520xf32, #tpu.memory_space<hbm>>, %arg13: memref<491520xf32, #tpu.memory_space<hbm>>, %arg14: memref<491520xf32, #tpu.memory_space<hbm>>, %arg15: memref<491520xf32, #tpu.memory_space<hbm>>, %arg16: memref<491520xf32, #tpu.memory_space<hbm>>, %arg17: memref<5136xf32, #tpu.memory_space<vmem>>, %arg18: memref<5136xf32, #tpu.memory_space<vmem>>, %arg19: memref<5136xf32, #tpu.memory_space<vmem>>, %arg20: memref<5136xf32, #tpu.memory_space<vmem>>, %arg21: memref<5136xf32, #tpu.memory_space<vmem>>, %arg22: memref<5136xf32, #tpu.memory_space<vmem>>, %arg23: memref<5136xf32, #tpu.memory_space<vmem>>, %arg24: memref<5136xf32, #tpu.memory_space<vmem>>, %arg25: memref<5136xf32, #tpu.memory_space<vmem>>, %arg26: memref<1536xi32, #tpu.memory_space<vmem>>, %arg27: memref<1536xf32, #tpu.memory_space<vmem>>, %arg28: memref<1536xf32, #tpu.memory_space<vmem>>, %arg29: memref<1536xf32, #tpu.memory_space<vmem>>, %arg30: memref<1536xf32, #tpu.memory_space<vmem>>, %arg31: memref<1536xf32, #tpu.memory_space<vmem>>) attributes {dimension_semantics = [#tpu.dimension_semantics<core_parallel>, #tpu.dimension_semantics<subcore_parallel>], iteration_bounds = array<i64: 2, 16>, scalar_prefetch = 0 : i64, scratch_operands = 15 : i64, tpu.core_type = #tpu.core_type<sc_vector_subcore>, window_params = [{transform_indices = #map}, {transform_indices = #map}, {transform_indices = #map}, {transform_indices = #map}, {transform_indices = #map}, {transform_indices = #map}, {transform_indices = #map}, {transform_indices = #map}, {transform_indices = #map}, {transform_indices = #map}, {transform_indices = #map}, {transform_indices = #map}, {transform_indices = #map}, {transform_indices = #map}, {transform_indices = #map}]} {
    %mul3A = arith.constant 2 : i32
    %mul3A_0 = arith.muli %arg1, %mul3A : i32
    %add3A = arith.addi %mul3A_0, %arg0 : i32
    "tpu.region"() ({
      %run_scoped3A = tpu.sem_alloc : memref<!tpu.dma_semaphore, #tpu.memory_space<semaphore_mem>>
      %dma_start3A = arith.constant 0 : i32
      %dma_start3A_7 = tpu.memref_slice %arg17[%dma_start3A] : memref<5136xf32, #tpu.memory_space<vmem>> -> memref<5120xf32, #tpu.memory_space<vmem>>
      %dma_start3A_8 = arith.constant 0 : i32
      %dma_start3A_9 = tpu.memref_slice %arg17[%dma_start3A_8] : memref<5136xf32, #tpu.memory_space<vmem>> -> memref<5120xf32, #tpu.memory_space<vmem>>
      tpu.enqueue_dma source(%arg2 : memref<5120xf32, #tpu.memory_space<hbm>>) target(%dma_start3A_9 : memref<5120xf32, #tpu.memory_space<vmem>>) target_semaphore(%run_scoped3A : memref<!tpu.dma_semaphore, #tpu.memory_space<semaphore_mem>>)
      %dma_wait3A = arith.constant 0 : i32
      %dma_wait3A_10 = tpu.memref_slice %arg17[%dma_wait3A] : memref<5136xf32, #tpu.memory_space<vmem>> -> memref<5120xf32, #tpu.memory_space<vmem>>
      %dma_wait3A_11 = arith.constant 0 : i32
      %dma_wait3A_12 = tpu.memref_slice %arg17[%dma_wait3A_11] : memref<5136xf32, #tpu.memory_space<vmem>> -> memref<5120xf32, #tpu.memory_space<vmem>>
      tpu.wait_dma2 semaphore(%run_scoped3A : memref<!tpu.dma_semaphore, #tpu.memory_space<semaphore_mem>>) src(%arg2 : memref<5120xf32, #tpu.memory_space<hbm>>) dst(%dma_wait3A_12 : memref<5120xf32, #tpu.memory_space<vmem>>)
      tpu.yield
    }) : () -> ()
    "tpu.region"() ({
      %run_scoped3A = tpu.sem_alloc : memref<!tpu.dma_semaphore, #tpu.memory_space<semaphore_mem>>
      %dma_start3A = arith.constant 0 : i32
      %dma_start3A_7 = tpu.memref_slice %arg18[%dma_start3A] : memref<5136xf32, #tpu.memory_space<vmem>> -> memref<5120xf32, #tpu.memory_space<vmem>>
      %dma_start3A_8 = arith.constant 0 : i32
      %dma_start3A_9 = tpu.memref_slice %arg18[%dma_start3A_8] : memref<5136xf32, #tpu.memory_space<vmem>> -> memref<5120xf32, #tpu.memory_space<vmem>>
      tpu.enqueue_dma source(%arg3 : memref<5120xf32, #tpu.memory_space<hbm>>) target(%dma_start3A_9 : memref<5120xf32, #tpu.memory_space<vmem>>) target_semaphore(%run_scoped3A : memref<!tpu.dma_semaphore, #tpu.memory_space<semaphore_mem>>)
      %dma_wait3A = arith.constant 0 : i32
      %dma_wait3A_10 = tpu.memref_slice %arg18[%dma_wait3A] : memref<5136xf32, #tpu.memory_space<vmem>> -> memref<5120xf32, #tpu.memory_space<vmem>>
      %dma_wait3A_11 = arith.constant 0 : i32
      %dma_wait3A_12 = tpu.memref_slice %arg18[%dma_wait3A_11] : memref<5136xf32, #tpu.memory_space<vmem>> -> memref<5120xf32, #tpu.memory_space<vmem>>
      tpu.wait_dma2 semaphore(%run_scoped3A : memref<!tpu.dma_semaphore, #tpu.memory_space<semaphore_mem>>) src(%arg3 : memref<5120xf32, #tpu.memory_space<hbm>>) dst(%dma_wait3A_12 : memref<5120xf32, #tpu.memory_space<vmem>>)
      tpu.yield
    }) : () -> ()
    "tpu.region"() ({
      %run_scoped3A = tpu.sem_alloc : memref<!tpu.dma_semaphore, #tpu.memory_space<semaphore_mem>>
      %dma_start3A = arith.constant 0 : i32
      %dma_start3A_7 = tpu.memref_slice %arg19[%dma_start3A] : memref<5136xf32, #tpu.memory_space<vmem>> -> memref<5120xf32, #tpu.memory_space<vmem>>
      %dma_start3A_8 = arith.constant 0 : i32
      %dma_start3A_9 = tpu.memref_slice %arg19[%dma_start3A_8] : memref<5136xf32, #tpu.memory_space<vmem>> -> memref<5120xf32, #tpu.memory_space<vmem>>
      tpu.enqueue_dma source(%arg4 : memref<5120xf32, #tpu.memory_space<hbm>>) target(%dma_start3A_9 : memref<5120xf32, #tpu.memory_space<vmem>>) target_semaphore(%run_scoped3A : memref<!tpu.dma_semaphore, #tpu.memory_space<semaphore_mem>>)
      %dma_wait3A = arith.constant 0 : i32
      %dma_wait3A_10 = tpu.memref_slice %arg19[%dma_wait3A] : memref<5136xf32, #tpu.memory_space<vmem>> -> memref<5120xf32, #tpu.memory_space<vmem>>
      %dma_wait3A_11 = arith.constant 0 : i32
      %dma_wait3A_12 = tpu.memref_slice %arg19[%dma_wait3A_11] : memref<5136xf32, #tpu.memory_space<vmem>> -> memref<5120xf32, #tpu.memory_space<vmem>>
      tpu.wait_dma2 semaphore(%run_scoped3A : memref<!tpu.dma_semaphore, #tpu.memory_space<semaphore_mem>>) src(%arg4 : memref<5120xf32, #tpu.memory_space<hbm>>) dst(%dma_wait3A_12 : memref<5120xf32, #tpu.memory_space<vmem>>)
      tpu.yield
    }) : () -> ()
    "tpu.region"() ({
      %run_scoped3A = tpu.sem_alloc : memref<!tpu.dma_semaphore, #tpu.memory_space<semaphore_mem>>
      %dma_start3A = arith.constant 0 : i32
      %dma_start3A_7 = tpu.memref_slice %arg20[%dma_start3A] : memref<5136xf32, #tpu.memory_space<vmem>> -> memref<5120xf32, #tpu.memory_space<vmem>>
      %dma_start3A_8 = arith.constant 0 : i32
      %dma_start3A_9 = tpu.memref_slice %arg20[%dma_start3A_8] : memref<5136xf32, #tpu.memory_space<vmem>> -> memref<5120xf32, #tpu.memory_space<vmem>>
      tpu.enqueue_dma source(%arg5 : memref<5120xf32, #tpu.memory_space<hbm>>) target(%dma_start3A_9 : memref<5120xf32, #tpu.memory_space<vmem>>) target_semaphore(%run_scoped3A : memref<!tpu.dma_semaphore, #tpu.memory_space<semaphore_mem>>)
      %dma_wait3A = arith.constant 0 : i32
      %dma_wait3A_10 = tpu.memref_slice %arg20[%dma_wait3A] : memref<5136xf32, #tpu.memory_space<vmem>> -> memref<5120xf32, #tpu.memory_space<vmem>>
      %dma_wait3A_11 = arith.constant 0 : i32
      %dma_wait3A_12 = tpu.memref_slice %arg20[%dma_wait3A_11] : memref<5136xf32, #tpu.memory_space<vmem>> -> memref<5120xf32, #tpu.memory_space<vmem>>
      tpu.wait_dma2 semaphore(%run_scoped3A : memref<!tpu.dma_semaphore, #tpu.memory_space<semaphore_mem>>) src(%arg5 : memref<5120xf32, #tpu.memory_space<hbm>>) dst(%dma_wait3A_12 : memref<5120xf32, #tpu.memory_space<vmem>>)
      tpu.yield
    }) : () -> ()
    "tpu.region"() ({
      %run_scoped3A = tpu.sem_alloc : memref<!tpu.dma_semaphore, #tpu.memory_space<semaphore_mem>>
      %dma_start3A = arith.constant 0 : i32
      %dma_start3A_7 = tpu.memref_slice %arg21[%dma_start3A] : memref<5136xf32, #tpu.memory_space<vmem>> -> memref<5120xf32, #tpu.memory_space<vmem>>
      %dma_start3A_8 = arith.constant 0 : i32
      %dma_start3A_9 = tpu.memref_slice %arg21[%dma_start3A_8] : memref<5136xf32, #tpu.memory_space<vmem>> -> memref<5120xf32, #tpu.memory_space<vmem>>
      tpu.enqueue_dma source(%arg6 : memref<5120xf32, #tpu.memory_space<hbm>>) target(%dma_start3A_9 : memref<5120xf32, #tpu.memory_space<vmem>>) target_semaphore(%run_scoped3A : memref<!tpu.dma_semaphore, #tpu.memory_space<semaphore_mem>>)
      %dma_wait3A = arith.constant 0 : i32
      %dma_wait3A_10 = tpu.memref_slice %arg21[%dma_wait3A] : memref<5136xf32, #tpu.memory_space<vmem>> -> memref<5120xf32, #tpu.memory_space<vmem>>
      %dma_wait3A_11 = arith.constant 0 : i32
      %dma_wait3A_12 = tpu.memref_slice %arg21[%dma_wait3A_11] : memref<5136xf32, #tpu.memory_space<vmem>> -> memref<5120xf32, #tpu.memory_space<vmem>>
      tpu.wait_dma2 semaphore(%run_scoped3A : memref<!tpu.dma_semaphore, #tpu.memory_space<semaphore_mem>>) src(%arg6 : memref<5120xf32, #tpu.memory_space<hbm>>) dst(%dma_wait3A_12 : memref<5120xf32, #tpu.memory_space<vmem>>)
      tpu.yield
    }) : () -> ()
    "tpu.region"() ({
      %run_scoped3A = tpu.sem_alloc : memref<!tpu.dma_semaphore, #tpu.memory_space<semaphore_mem>>
      %dma_start3A = arith.constant 0 : i32
      %dma_start3A_7 = tpu.memref_slice %arg22[%dma_start3A] : memref<5136xf32, #tpu.memory_space<vmem>> -> memref<5120xf32, #tpu.memory_space<vmem>>
      %dma_start3A_8 = arith.constant 0 : i32
      %dma_start3A_9 = tpu.memref_slice %arg22[%dma_start3A_8] : memref<5136xf32, #tpu.memory_space<vmem>> -> memref<5120xf32, #tpu.memory_space<vmem>>
      tpu.enqueue_dma source(%arg7 : memref<5120xf32, #tpu.memory_space<hbm>>) target(%dma_start3A_9 : memref<5120xf32, #tpu.memory_space<vmem>>) target_semaphore(%run_scoped3A : memref<!tpu.dma_semaphore, #tpu.memory_space<semaphore_mem>>)
      %dma_wait3A = arith.constant 0 : i32
      %dma_wait3A_10 = tpu.memref_slice %arg22[%dma_wait3A] : memref<5136xf32, #tpu.memory_space<vmem>> -> memref<5120xf32, #tpu.memory_space<vmem>>
      %dma_wait3A_11 = arith.constant 0 : i32
      %dma_wait3A_12 = tpu.memref_slice %arg22[%dma_wait3A_11] : memref<5136xf32, #tpu.memory_space<vmem>> -> memref<5120xf32, #tpu.memory_space<vmem>>
      tpu.wait_dma2 semaphore(%run_scoped3A : memref<!tpu.dma_semaphore, #tpu.memory_space<semaphore_mem>>) src(%arg7 : memref<5120xf32, #tpu.memory_space<hbm>>) dst(%dma_wait3A_12 : memref<5120xf32, #tpu.memory_space<vmem>>)
      tpu.yield
    }) : () -> ()
    "tpu.region"() ({
      %run_scoped3A = tpu.sem_alloc : memref<!tpu.dma_semaphore, #tpu.memory_space<semaphore_mem>>
      %dma_start3A = arith.constant 0 : i32
      %dma_start3A_7 = tpu.memref_slice %arg23[%dma_start3A] : memref<5136xf32, #tpu.memory_space<vmem>> -> memref<5120xf32, #tpu.memory_space<vmem>>
      %dma_start3A_8 = arith.constant 0 : i32
      %dma_start3A_9 = tpu.memref_slice %arg23[%dma_start3A_8] : memref<5136xf32, #tpu.memory_space<vmem>> -> memref<5120xf32, #tpu.memory_space<vmem>>
      tpu.enqueue_dma source(%arg8 : memref<5120xf32, #tpu.memory_space<hbm>>) target(%dma_start3A_9 : memref<5120xf32, #tpu.memory_space<vmem>>) target_semaphore(%run_scoped3A : memref<!tpu.dma_semaphore, #tpu.memory_space<semaphore_mem>>)
      %dma_wait3A = arith.constant 0 : i32
      %dma_wait3A_10 = tpu.memref_slice %arg23[%dma_wait3A] : memref<5136xf32, #tpu.memory_space<vmem>> -> memref<5120xf32, #tpu.memory_space<vmem>>
      %dma_wait3A_11 = arith.constant 0 : i32
      %dma_wait3A_12 = tpu.memref_slice %arg23[%dma_wait3A_11] : memref<5136xf32, #tpu.memory_space<vmem>> -> memref<5120xf32, #tpu.memory_space<vmem>>
      tpu.wait_dma2 semaphore(%run_scoped3A : memref<!tpu.dma_semaphore, #tpu.memory_space<semaphore_mem>>) src(%arg8 : memref<5120xf32, #tpu.memory_space<hbm>>) dst(%dma_wait3A_12 : memref<5120xf32, #tpu.memory_space<vmem>>)
      tpu.yield
    }) : () -> ()
    "tpu.region"() ({
      %run_scoped3A = tpu.sem_alloc : memref<!tpu.dma_semaphore, #tpu.memory_space<semaphore_mem>>
      %dma_start3A = arith.constant 0 : i32
      %dma_start3A_7 = tpu.memref_slice %arg24[%dma_start3A] : memref<5136xf32, #tpu.memory_space<vmem>> -> memref<5120xf32, #tpu.memory_space<vmem>>
      %dma_start3A_8 = arith.constant 0 : i32
      %dma_start3A_9 = tpu.memref_slice %arg24[%dma_start3A_8] : memref<5136xf32, #tpu.memory_space<vmem>> -> memref<5120xf32, #tpu.memory_space<vmem>>
      tpu.enqueue_dma source(%arg9 : memref<5120xf32, #tpu.memory_space<hbm>>) target(%dma_start3A_9 : memref<5120xf32, #tpu.memory_space<vmem>>) target_semaphore(%run_scoped3A : memref<!tpu.dma_semaphore, #tpu.memory_space<semaphore_mem>>)
      %dma_wait3A = arith.constant 0 : i32
      %dma_wait3A_10 = tpu.memref_slice %arg24[%dma_wait3A] : memref<5136xf32, #tpu.memory_space<vmem>> -> memref<5120xf32, #tpu.memory_space<vmem>>
      %dma_wait3A_11 = arith.constant 0 : i32
      %dma_wait3A_12 = tpu.memref_slice %arg24[%dma_wait3A_11] : memref<5136xf32, #tpu.memory_space<vmem>> -> memref<5120xf32, #tpu.memory_space<vmem>>
      tpu.wait_dma2 semaphore(%run_scoped3A : memref<!tpu.dma_semaphore, #tpu.memory_space<semaphore_mem>>) src(%arg9 : memref<5120xf32, #tpu.memory_space<hbm>>) dst(%dma_wait3A_12 : memref<5120xf32, #tpu.memory_space<vmem>>)
      tpu.yield
    }) : () -> ()
    "tpu.region"() ({
      %run_scoped3A = tpu.sem_alloc : memref<!tpu.dma_semaphore, #tpu.memory_space<semaphore_mem>>
      %dma_start3A = arith.constant 0 : i32
      %dma_start3A_7 = tpu.memref_slice %arg25[%dma_start3A] : memref<5136xf32, #tpu.memory_space<vmem>> -> memref<5120xf32, #tpu.memory_space<vmem>>
      %dma_start3A_8 = arith.constant 0 : i32
      %dma_start3A_9 = tpu.memref_slice %arg25[%dma_start3A_8] : memref<5136xf32, #tpu.memory_space<vmem>> -> memref<5120xf32, #tpu.memory_space<vmem>>
      tpu.enqueue_dma source(%arg10 : memref<5120xf32, #tpu.memory_space<hbm>>) target(%dma_start3A_9 : memref<5120xf32, #tpu.memory_space<vmem>>) target_semaphore(%run_scoped3A : memref<!tpu.dma_semaphore, #tpu.memory_space<semaphore_mem>>)
      %dma_wait3A = arith.constant 0 : i32
      %dma_wait3A_10 = tpu.memref_slice %arg25[%dma_wait3A] : memref<5136xf32, #tpu.memory_space<vmem>> -> memref<5120xf32, #tpu.memory_space<vmem>>
      %dma_wait3A_11 = arith.constant 0 : i32
      %dma_wait3A_12 = tpu.memref_slice %arg25[%dma_wait3A_11] : memref<5136xf32, #tpu.memory_space<vmem>> -> memref<5120xf32, #tpu.memory_space<vmem>>
      tpu.wait_dma2 semaphore(%run_scoped3A : memref<!tpu.dma_semaphore, #tpu.memory_space<semaphore_mem>>) src(%arg10 : memref<5120xf32, #tpu.memory_space<hbm>>) dst(%dma_wait3A_12 : memref<5120xf32, #tpu.memory_space<vmem>>)
      tpu.yield
    }) : () -> ()
    %scan3A = arith.constant 0 : i32
    %scan3A_1 = arith.constant 0 : i32
    %scan3A_2 = arith.constant 10 : i32
    %scan3A_3 = arith.addi %scan3A_1, %scan3A_2 : i32
    %scan3A_4 = arith.constant 1 : i32
    %scan3A_5 = scf.for %scan3A_7 = %scan3A_1 to %scan3A_3 step %scan3A_4 iter_args(%scan3A_8 = %scan3A) -> (i32)  : i32 {
      %mul3A_9 = arith.constant 160 : i32
      %mul3A_10 = arith.muli %add3A, %mul3A_9 : i32
      %mul3A_11 = arith.constant 16 : i32
      %mul3A_12 = arith.muli %scan3A_7, %mul3A_11 : i32
      %add3A_13 = arith.addi %mul3A_10, %mul3A_12 : i32
      %scan3A_14 = arith.constant 0 : i32
      %scan3A_15 = arith.constant 0 : i32
      %scan3A_16 = arith.constant 16 : i32
      %scan3A_17 = arith.addi %scan3A_15, %scan3A_16 : i32
      %scan3A_18 = arith.constant 1 : i32
      %scan3A_19 = scf.for %scan3A_24 = %scan3A_15 to %scan3A_17 step %scan3A_18 iter_args(%scan3A_25 = %scan3A_14) -> (i32)  : i32 {
        %add3A_26 = arith.addi %add3A_13, %scan3A_24 : i32
        %mul3A_27 = arith.constant 96 : i32
        %mul3A_28 = arith.muli %scan3A_24, %mul3A_27 : i32
        %get3A = arith.index_cast %add3A_26 : i32 to index
        %get3A_29 = tpu.vector_load %arg17[%get3A] {strides = array<i32>} : memref<5136xf32, #tpu.memory_space<vmem>>, vector<16xf32>,
        %slice3A = vector.extract_strided_slice %get3A_29 {offsets = [0], sizes = [1], strides = [1]} : vector<16xf32> to vector<1xf32>
        %squeeze3A = vector.extract %slice3A[0] : f32 from vector<1xf32>
        %get3A_30 = arith.index_cast %add3A_26 : i32 to index
        %get3A_31 = tpu.vector_load %arg18[%get3A_30] {strides = array<i32>} : memref<5136xf32, #tpu.memory_space<vmem>>, vector<16xf32>,
        %slice3A_32 = vector.extract_strided_slice %get3A_31 {offsets = [0], sizes = [1], strides = [1]} : vector<16xf32> to vector<1xf32>
        %squeeze3A_33 = vector.extract %slice3A_32[0] : f32 from vector<1xf32>
        %get3A_34 = arith.index_cast %add3A_26 : i32 to index
        %get3A_35 = tpu.vector_load %arg19[%get3A_34] {strides = array<i32>} : memref<5136xf32, #tpu.memory_space<vmem>>, vector<16xf32>,
        %slice3A_36 = vector.extract_strided_slice %get3A_35 {offsets = [0], sizes = [1], strides = [1]} : vector<16xf32> to vector<1xf32>
        %squeeze3A_37 = vector.extract %slice3A_36[0] : f32 from vector<1xf32>
        %get3A_38 = arith.index_cast %add3A_26 : i32 to index
        %get3A_39 = tpu.vector_load %arg20[%get3A_38] {strides = array<i32>} : memref<5136xf32, #tpu.memory_space<vmem>>, vector<16xf32>,
        %slice3A_40 = vector.extract_strided_slice %get3A_39 {offsets = [0], sizes = [1], strides = [1]} : vector<16xf32> to vector<1xf32>
        %squeeze3A_41 = vector.extract %slice3A_40[0] : f32 from vector<1xf32>
        %get3A_42 = arith.index_cast %add3A_26 : i32 to index
        %get3A_43 = tpu.vector_load %arg21[%get3A_42] {strides = array<i32>} : memref<5136xf32, #tpu.memory_space<vmem>>, vector<16xf32>,
        %slice3A_44 = vector.extract_strided_slice %get3A_43 {offsets = [0], sizes = [1], strides = [1]} : vector<16xf32> to vector<1xf32>
        %squeeze3A_45 = vector.extract %slice3A_44[0] : f32 from vector<1xf32>
        %get3A_46 = arith.index_cast %add3A_26 : i32 to index
        %get3A_47 = tpu.vector_load %arg22[%get3A_46] {strides = array<i32>} : memref<5136xf32, #tpu.memory_space<vmem>>, vector<16xf32>,
        %slice3A_48 = vector.extract_strided_slice %get3A_47 {offsets = [0], sizes = [1], strides = [1]} : vector<16xf32> to vector<1xf32>
        %squeeze3A_49 = vector.extract %slice3A_48[0] : f32 from vector<1xf32>
        %get3A_50 = arith.index_cast %add3A_26 : i32 to index
        %get3A_51 = tpu.vector_load %arg23[%get3A_50] {strides = array<i32>} : memref<5136xf32, #tpu.memory_space<vmem>>, vector<16xf32>,
        %slice3A_52 = vector.extract_strided_slice %get3A_51 {offsets = [0], sizes = [1], strides = [1]} : vector<16xf32> to vector<1xf32>
        %squeeze3A_53 = vector.extract %slice3A_52[0] : f32 from vector<1xf32>
        %get3A_54 = arith.index_cast %add3A_26 : i32 to index
        %get3A_55 = tpu.vector_load %arg24[%get3A_54] {strides = array<i32>} : memref<5136xf32, #tpu.memory_space<vmem>>, vector<16xf32>,
        %slice3A_56 = vector.extract_strided_slice %get3A_55 {offsets = [0], sizes = [1], strides = [1]} : vector<16xf32> to vector<1xf32>
        %squeeze3A_57 = vector.extract %slice3A_56[0] : f32 from vector<1xf32>
        %get3A_58 = arith.index_cast %add3A_26 : i32 to index
        %get3A_59 = tpu.vector_load %arg25[%get3A_58] {strides = array<i32>} : memref<5136xf32, #tpu.memory_space<vmem>>, vector<16xf32>,
        %slice3A_60 = vector.extract_strided_slice %get3A_59 {offsets = [0], sizes = [1], strides = [1]} : vector<16xf32> to vector<1xf32>
        %squeeze3A_61 = vector.extract %slice3A_60[0] : f32 from vector<1xf32>
        %broadcast_in_dim3A = arith.constant 0.000000e+00 : f32
        %broadcast_in_dim3A_62 = vector.broadcast %broadcast_in_dim3A : f32 to vector<16xf32>
        %add3A_63 = vector.broadcast %squeeze3A_45 : f32 to vector<16xf32>
        %add3A_64 = arith.addf %broadcast_in_dim3A_62, %add3A_63 : vector<16xf32>
        %add3A_65 = arith.constant 9.99999993E-9 : f32
        %add3A_66 = vector.broadcast %add3A_65 : f32 to vector<16xf32>
        %add3A_67 = arith.addf %add3A_64, %add3A_66 : vector<16xf32>
        %div3A = arith.divf %add3A_64, %add3A_67 : vector<16xf32>
        %add3A_68 = arith.constant 0 : i32
        %add3A_69 = arith.addi %mul3A_28, %add3A_68 : i32
        %broadcast_in_dim3A_70 = arith.constant 0 : i32
        %broadcast_in_dim3A_71 = vector.broadcast %broadcast_in_dim3A_70 : i32 to vector<16xi32>
        %add3A_72 = vector.broadcast %add3A_26 : i32 to vector<16xi32>
        %add3A_73 = arith.addi %broadcast_in_dim3A_71, %add3A_72 : vector<16xi32>
        %swap3A = arith.index_cast %add3A_69 : i32 to index
        %swap3A_74 = tpu.vector_load %arg26[%swap3A] {strides = array<i32>} : memref<1536xi32, #tpu.memory_space<vmem>>, vector<16xi32>,
        tpu.vector_store %arg26[%swap3A], %add3A_73 {strides = array<i32>} : memref<1536xi32, #tpu.memory_space<vmem>>, vector<16xi32>,
        %swap3A_75 = arith.index_cast %add3A_69 : i32 to index
        %swap3A_76 = tpu.vector_load %arg27[%swap3A_75] {strides = array<i32>} : memref<1536xf32, #tpu.memory_space<vmem>>, vector<16xf32>,
        tpu.vector_store %arg27[%swap3A_75], %div3A {strides = array<i32>} : memref<1536xf32, #tpu.memory_space<vmem>>, vector<16xf32>,
        %broadcast_in_dim3A_77 = arith.constant 0.000000e+00 : f32
        %broadcast_in_dim3A_78 = vector.broadcast %broadcast_in_dim3A_77 : f32 to vector<16xf32>
        %swap3A_79 = arith.index_cast %add3A_69 : i32 to index
        %swap3A_80 = tpu.vector_load %arg28[%swap3A_79] {strides = array<i32>} : memref<1536xf32, #tpu.memory_space<vmem>>, vector<16xf32>,
        tpu.vector_store %arg28[%swap3A_79], %broadcast_in_dim3A_78 {strides = array<i32>} : memref<1536xf32, #tpu.memory_space<vmem>>, vector<16xf32>,
        %broadcast_in_dim3A_81 = arith.constant 0.000000e+00 : f32
        %broadcast_in_dim3A_82 = vector.broadcast %broadcast_in_dim3A_81 : f32 to vector<16xf32>
        %swap3A_83 = arith.index_cast %add3A_69 : i32 to index
        %swap3A_84 = tpu.vector_load %arg29[%swap3A_83] {strides = array<i32>} : memref<1536xf32, #tpu.memory_space<vmem>>, vector<16xf32>,
        tpu.vector_store %arg29[%swap3A_83], %broadcast_in_dim3A_82 {strides = array<i32>} : memref<1536xf32, #tpu.memory_space<vmem>>, vector<16xf32>,
        %broadcast_in_dim3A_85 = arith.constant 0.000000e+00 : f32
        %broadcast_in_dim3A_86 = vector.broadcast %broadcast_in_dim3A_85 : f32 to vector<16xf32>
        %swap3A_87 = arith.index_cast %add3A_69 : i32 to index
        %swap3A_88 = tpu.vector_load %arg30[%swap3A_87] {strides = array<i32>} : memref<1536xf32, #tpu.memory_space<vmem>>, vector<16xf32>,
        tpu.vector_store %arg30[%swap3A_87], %broadcast_in_dim3A_86 {strides = array<i32>} : memref<1536xf32, #tpu.memory_space<vmem>>, vector<16xf32>,
        %broadcast_in_dim3A_89 = arith.constant 0.000000e+00 : f32
        %broadcast_in_dim3A_90 = vector.broadcast %broadcast_in_dim3A_89 : f32 to vector<16xf32>
        %swap3A_91 = arith.index_cast %add3A_69 : i32 to index
        %swap3A_92 = tpu.vector_load %arg31[%swap3A_91] {strides = array<i32>} : memref<1536xf32, #tpu.memory_space<vmem>>, vector<16xf32>,
        tpu.vector_store %arg31[%swap3A_91], %broadcast_in_dim3A_90 {strides = array<i32>} : memref<1536xf32, #tpu.memory_space<vmem>>, vector<16xf32>,
        %add3A_93 = arith.constant 16 : i32
        %add3A_94 = arith.addi %mul3A_28, %add3A_93 : i32
        %broadcast_in_dim3A_95 = arith.constant 0 : i32
        %broadcast_in_dim3A_96 = vector.broadcast %broadcast_in_dim3A_95 : i32 to vector<16xi32>
        %add3A_97 = vector.broadcast %add3A_26 : i32 to vector<16xi32>
        %add3A_98 = arith.addi %broadcast_in_dim3A_96, %add3A_97 : vector<16xi32>
        %swap3A_99 = arith.index_cast %add3A_94 : i32 to index
        %swap3A_100 = tpu.vector_load %arg26[%swap3A_99] {strides = array<i32>} : memref<1536xi32, #tpu.memory_space<vmem>>, vector<16xi32>,
        tpu.vector_store %arg26[%swap3A_99], %add3A_98 {strides = array<i32>} : memref<1536xi32, #tpu.memory_space<vmem>>, vector<16xi32>,
        %swap3A_101 = arith.index_cast %add3A_94 : i32 to index
        %swap3A_102 = tpu.vector_load %arg27[%swap3A_101] {strides = array<i32>} : memref<1536xf32, #tpu.memory_space<vmem>>, vector<16xf32>,
        tpu.vector_store %arg27[%swap3A_101], %div3A {strides = array<i32>} : memref<1536xf32, #tpu.memory_space<vmem>>, vector<16xf32>,
        %broadcast_in_dim3A_103 = arith.constant 0.000000e+00 : f32
        %broadcast_in_dim3A_104 = vector.broadcast %broadcast_in_dim3A_103 : f32 to vector<16xf32>
        %swap3A_105 = arith.index_cast %add3A_94 : i32 to index
        %swap3A_106 = tpu.vector_load %arg28[%swap3A_105] {strides = array<i32>} : memref<1536xf32, #tpu.memory_space<vmem>>, vector<16xf32>,
        tpu.vector_store %arg28[%swap3A_105], %broadcast_in_dim3A_104 {strides = array<i32>} : memref<1536xf32, #tpu.memory_space<vmem>>, vector<16xf32>,
        %broadcast_in_dim3A_107 = arith.constant 0.000000e+00 : f32
        %broadcast_in_dim3A_108 = vector.broadcast %broadcast_in_dim3A_107 : f32 to vector<16xf32>
        %swap3A_109 = arith.index_cast %add3A_94 : i32 to index
        %swap3A_110 = tpu.vector_load %arg29[%swap3A_109] {strides = array<i32>} : memref<1536xf32, #tpu.memory_space<vmem>>, vector<16xf32>,
        tpu.vector_store %arg29[%swap3A_109], %broadcast_in_dim3A_108 {strides = array<i32>} : memref<1536xf32, #tpu.memory_space<vmem>>, vector<16xf32>,
        %broadcast_in_dim3A_111 = arith.constant 0.000000e+00 : f32
        %broadcast_in_dim3A_112 = vector.broadcast %broadcast_in_dim3A_111 : f32 to vector<16xf32>
        %swap3A_113 = arith.index_cast %add3A_94 : i32 to index
        %swap3A_114 = tpu.vector_load %arg30[%swap3A_113] {strides = array<i32>} : memref<1536xf32, #tpu.memory_space<vmem>>, vector<16xf32>,
        tpu.vector_store %arg30[%swap3A_113], %broadcast_in_dim3A_112 {strides = array<i32>} : memref<1536xf32, #tpu.memory_space<vmem>>, vector<16xf32>,
        %broadcast_in_dim3A_115 = arith.constant 0.000000e+00 : f32
        %broadcast_in_dim3A_116 = vector.broadcast %broadcast_in_dim3A_115 : f32 to vector<16xf32>
        %swap3A_117 = arith.index_cast %add3A_94 : i32 to index
        %swap3A_118 = tpu.vector_load %arg31[%swap3A_117] {strides = array<i32>} : memref<1536xf32, #tpu.memory_space<vmem>>, vector<16xf32>,
        tpu.vector_store %arg31[%swap3A_117], %broadcast_in_dim3A_116 {strides = array<i32>} : memref<1536xf32, #tpu.memory_space<vmem>>, vector<16xf32>,
        %add3A_119 = arith.constant 32 : i32
        %add3A_120 = arith.addi %mul3A_28, %add3A_119 : i32
        %broadcast_in_dim3A_121 = arith.constant 0 : i32
        %broadcast_in_dim3A_122 = vector.broadcast %broadcast_in_dim3A_121 : i32 to vector<16xi32>
        %add3A_123 = vector.broadcast %add3A_26 : i32 to vector<16xi32>
        %add3A_124 = arith.addi %broadcast_in_dim3A_122, %add3A_123 : vector<16xi32>
        %swap3A_125 = arith.index_cast %add3A_120 : i32 to index
        %swap3A_126 = tpu.vector_load %arg26[%swap3A_125] {strides = array<i32>} : memref<1536xi32, #tpu.memory_space<vmem>>, vector<16xi32>,
        tpu.vector_store %arg26[%swap3A_125], %add3A_124 {strides = array<i32>} : memref<1536xi32, #tpu.memory_space<vmem>>, vector<16xi32>,
        %swap3A_127 = arith.index_cast %add3A_120 : i32 to index
        %swap3A_128 = tpu.vector_load %arg27[%swap3A_127] {strides = array<i32>} : memref<1536xf32, #tpu.memory_space<vmem>>, vector<16xf32>,
        tpu.vector_store %arg27[%swap3A_127], %div3A {strides = array<i32>} : memref<1536xf32, #tpu.memory_space<vmem>>, vector<16xf32>,
        %broadcast_in_dim3A_129 = arith.constant 0.000000e+00 : f32
        %broadcast_in_dim3A_130 = vector.broadcast %broadcast_in_dim3A_129 : f32 to vector<16xf32>
        %swap3A_131 = arith.index_cast %add3A_120 : i32 to index
        %swap3A_132 = tpu.vector_load %arg28[%swap3A_131] {strides = array<i32>} : memref<1536xf32, #tpu.memory_space<vmem>>, vector<16xf32>,
        tpu.vector_store %arg28[%swap3A_131], %broadcast_in_dim3A_130 {strides = array<i32>} : memref<1536xf32, #tpu.memory_space<vmem>>, vector<16xf32>,
        %broadcast_in_dim3A_133 = arith.constant 0.000000e+00 : f32
        %broadcast_in_dim3A_134 = vector.broadcast %broadcast_in_dim3A_133 : f32 to vector<16xf32>
        %swap3A_135 = arith.index_cast %add3A_120 : i32 to index
        %swap3A_136 = tpu.vector_load %arg29[%swap3A_135] {strides = array<i32>} : memref<1536xf32, #tpu.memory_space<vmem>>, vector<16xf32>,
        tpu.vector_store %arg29[%swap3A_135], %broadcast_in_dim3A_134 {strides = array<i32>} : memref<1536xf32, #tpu.memory_space<vmem>>, vector<16xf32>,
        %broadcast_in_dim3A_137 = arith.constant 0.000000e+00 : f32
        %broadcast_in_dim3A_138 = vector.broadcast %broadcast_in_dim3A_137 : f32 to vector<16xf32>
        %swap3A_139 = arith.index_cast %add3A_120 : i32 to index
        %swap3A_140 = tpu.vector_load %arg30[%swap3A_139] {strides = array<i32>} : memref<1536xf32, #tpu.memory_space<vmem>>, vector<16xf32>,
        tpu.vector_store %arg30[%swap3A_139], %broadcast_in_dim3A_138 {strides = array<i32>} : memref<1536xf32, #tpu.memory_space<vmem>>, vector<16xf32>,
        %broadcast_in_dim3A_141 = arith.constant 0.000000e+00 : f32
        %broadcast_in_dim3A_142 = vector.broadcast %broadcast_in_dim3A_141 : f32 to vector<16xf32>
        %swap3A_143 = arith.index_cast %add3A_120 : i32 to index
        %swap3A_144 = tpu.vector_load %arg31[%swap3A_143] {strides = array<i32>} : memref<1536xf32, #tpu.memory_space<vmem>>, vector<16xf32>,
        tpu.vector_store %arg31[%swap3A_143], %broadcast_in_dim3A_142 {strides = array<i32>} : memref<1536xf32, #tpu.memory_space<vmem>>, vector<16xf32>,
        %add3A_145 = arith.constant 48 : i32
        %add3A_146 = arith.addi %mul3A_28, %add3A_145 : i32
        %broadcast_in_dim3A_147 = arith.constant 0 : i32
        %broadcast_in_dim3A_148 = vector.broadcast %broadcast_in_dim3A_147 : i32 to vector<16xi32>
        %add3A_149 = vector.broadcast %add3A_26 : i32 to vector<16xi32>
        %add3A_150 = arith.addi %broadcast_in_dim3A_148, %add3A_149 : vector<16xi32>
        %swap3A_151 = arith.index_cast %add3A_146 : i32 to index
        %swap3A_152 = tpu.vector_load %arg26[%swap3A_151] {strides = array<i32>} : memref<1536xi32, #tpu.memory_space<vmem>>, vector<16xi32>,
        tpu.vector_store %arg26[%swap3A_151], %add3A_150 {strides = array<i32>} : memref<1536xi32, #tpu.memory_space<vmem>>, vector<16xi32>,
        %swap3A_153 = arith.index_cast %add3A_146 : i32 to index
        %swap3A_154 = tpu.vector_load %arg27[%swap3A_153] {strides = array<i32>} : memref<1536xf32, #tpu.memory_space<vmem>>, vector<16xf32>,
        tpu.vector_store %arg27[%swap3A_153], %div3A {strides = array<i32>} : memref<1536xf32, #tpu.memory_space<vmem>>, vector<16xf32>,
        %broadcast_in_dim3A_155 = arith.constant 0.000000e+00 : f32
        %broadcast_in_dim3A_156 = vector.broadcast %broadcast_in_dim3A_155 : f32 to vector<16xf32>
        %swap3A_157 = arith.index_cast %add3A_146 : i32 to index
        %swap3A_158 = tpu.vector_load %arg28[%swap3A_157] {strides = array<i32>} : memref<1536xf32, #tpu.memory_space<vmem>>, vector<16xf32>,
        tpu.vector_store %arg28[%swap3A_157], %broadcast_in_dim3A_156 {strides = array<i32>} : memref<1536xf32, #tpu.memory_space<vmem>>, vector<16xf32>,
        %broadcast_in_dim3A_159 = arith.constant 0.000000e+00 : f32
        %broadcast_in_dim3A_160 = vector.broadcast %broadcast_in_dim3A_159 : f32 to vector<16xf32>
        %swap3A_161 = arith.index_cast %add3A_146 : i32 to index
        %swap3A_162 = tpu.vector_load %arg29[%swap3A_161] {strides = array<i32>} : memref<1536xf32, #tpu.memory_space<vmem>>, vector<16xf32>,
        tpu.vector_store %arg29[%swap3A_161], %broadcast_in_dim3A_160 {strides = array<i32>} : memref<1536xf32, #tpu.memory_space<vmem>>, vector<16xf32>,
        %broadcast_in_dim3A_163 = arith.constant 0.000000e+00 : f32
        %broadcast_in_dim3A_164 = vector.broadcast %broadcast_in_dim3A_163 : f32 to vector<16xf32>
        %swap3A_165 = arith.index_cast %add3A_146 : i32 to index
        %swap3A_166 = tpu.vector_load %arg30[%swap3A_165] {strides = array<i32>} : memref<1536xf32, #tpu.memory_space<vmem>>, vector<16xf32>,
        tpu.vector_store %arg30[%swap3A_165], %broadcast_in_dim3A_164 {strides = array<i32>} : memref<1536xf32, #tpu.memory_space<vmem>>, vector<16xf32>,
        %broadcast_in_dim3A_167 = arith.constant 0.000000e+00 : f32
        %broadcast_in_dim3A_168 = vector.broadcast %broadcast_in_dim3A_167 : f32 to vector<16xf32>
        %swap3A_169 = arith.index_cast %add3A_146 : i32 to index
        %swap3A_170 = tpu.vector_load %arg31[%swap3A_169] {strides = array<i32>} : memref<1536xf32, #tpu.memory_space<vmem>>, vector<16xf32>,
        tpu.vector_store %arg31[%swap3A_169], %broadcast_in_dim3A_168 {strides = array<i32>} : memref<1536xf32, #tpu.memory_space<vmem>>, vector<16xf32>,
        %add3A_171 = arith.constant 64 : i32
        %add3A_172 = arith.addi %mul3A_28, %add3A_171 : i32
        %broadcast_in_dim3A_173 = arith.constant 0 : i32
        %broadcast_in_dim3A_174 = vector.broadcast %broadcast_in_dim3A_173 : i32 to vector<16xi32>
        %add3A_175 = vector.broadcast %add3A_26 : i32 to vector<16xi32>
        %add3A_176 = arith.addi %broadcast_in_dim3A_174, %add3A_175 : vector<16xi32>
        %swap3A_177 = arith.index_cast %add3A_172 : i32 to index
        %swap3A_178 = tpu.vector_load %arg26[%swap3A_177] {strides = array<i32>} : memref<1536xi32, #tpu.memory_space<vmem>>, vector<16xi32>,
        tpu.vector_store %arg26[%swap3A_177], %add3A_176 {strides = array<i32>} : memref<1536xi32, #tpu.memory_space<vmem>>, vector<16xi32>,
        %swap3A_179 = arith.index_cast %add3A_172 : i32 to index
        %swap3A_180 = tpu.vector_load %arg27[%swap3A_179] {strides = array<i32>} : memref<1536xf32, #tpu.memory_space<vmem>>, vector<16xf32>,
        tpu.vector_store %arg27[%swap3A_179], %div3A {strides = array<i32>} : memref<1536xf32, #tpu.memory_space<vmem>>, vector<16xf32>,
        %broadcast_in_dim3A_181 = arith.constant 0.000000e+00 : f32
        %broadcast_in_dim3A_182 = vector.broadcast %broadcast_in_dim3A_181 : f32 to vector<16xf32>
        %swap3A_183 = arith.index_cast %add3A_172 : i32 to index
        %swap3A_184 = tpu.vector_load %arg28[%swap3A_183] {strides = array<i32>} : memref<1536xf32, #tpu.memory_space<vmem>>, vector<16xf32>,
        tpu.vector_store %arg28[%swap3A_183], %broadcast_in_dim3A_182 {strides = array<i32>} : memref<1536xf32, #tpu.memory_space<vmem>>, vector<16xf32>,
        %broadcast_in_dim3A_185 = arith.constant 0.000000e+00 : f32
        %broadcast_in_dim3A_186 = vector.broadcast %broadcast_in_dim3A_185 : f32 to vector<16xf32>
        %swap3A_187 = arith.index_cast %add3A_172 : i32 to index
        %swap3A_188 = tpu.vector_load %arg29[%swap3A_187] {strides = array<i32>} : memref<1536xf32, #tpu.memory_space<vmem>>, vector<16xf32>,
        tpu.vector_store %arg29[%swap3A_187], %broadcast_in_dim3A_186 {strides = array<i32>} : memref<1536xf32, #tpu.memory_space<vmem>>, vector<16xf32>,
        %broadcast_in_dim3A_189 = arith.constant 0.000000e+00 : f32
        %broadcast_in_dim3A_190 = vector.broadcast %broadcast_in_dim3A_189 : f32 to vector<16xf32>
        %swap3A_191 = arith.index_cast %add3A_172 : i32 to index
        %swap3A_192 = tpu.vector_load %arg30[%swap3A_191] {strides = array<i32>} : memref<1536xf32, #tpu.memory_space<vmem>>, vector<16xf32>,
        tpu.vector_store %arg30[%swap3A_191], %broadcast_in_dim3A_190 {strides = array<i32>} : memref<1536xf32, #tpu.memory_space<vmem>>, vector<16xf32>,
        %broadcast_in_dim3A_193 = arith.constant 0.000000e+00 : f32
        %broadcast_in_dim3A_194 = vector.broadcast %broadcast_in_dim3A_193 : f32 to vector<16xf32>
        %swap3A_195 = arith.index_cast %add3A_172 : i32 to index
        %swap3A_196 = tpu.vector_load %arg31[%swap3A_195] {strides = array<i32>} : memref<1536xf32, #tpu.memory_space<vmem>>, vector<16xf32>,
        tpu.vector_store %arg31[%swap3A_195], %broadcast_in_dim3A_194 {strides = array<i32>} : memref<1536xf32, #tpu.memory_space<vmem>>, vector<16xf32>,
        %add3A_197 = arith.constant 80 : i32
        %add3A_198 = arith.addi %mul3A_28, %add3A_197 : i32
        %broadcast_in_dim3A_199 = arith.constant 0 : i32
        %broadcast_in_dim3A_200 = vector.broadcast %broadcast_in_dim3A_199 : i32 to vector<16xi32>
        %add3A_201 = vector.broadcast %add3A_26 : i32 to vector<16xi32>
        %add3A_202 = arith.addi %broadcast_in_dim3A_200, %add3A_201 : vector<16xi32>
        %swap3A_203 = arith.index_cast %add3A_198 : i32 to index
        %swap3A_204 = tpu.vector_load %arg26[%swap3A_203] {strides = array<i32>} : memref<1536xi32, #tpu.memory_space<vmem>>, vector<16xi32>,
        tpu.vector_store %arg26[%swap3A_203], %add3A_202 {strides = array<i32>} : memref<1536xi32, #tpu.memory_space<vmem>>, vector<16xi32>,
        %swap3A_205 = arith.index_cast %add3A_198 : i32 to index
        %swap3A_206 = tpu.vector_load %arg27[%swap3A_205] {strides = array<i32>} : memref<1536xf32, #tpu.memory_space<vmem>>, vector<16xf32>,
        tpu.vector_store %arg27[%swap3A_205], %div3A {strides = array<i32>} : memref<1536xf32, #tpu.memory_space<vmem>>, vector<16xf32>,
        %broadcast_in_dim3A_207 = arith.constant 0.000000e+00 : f32
        %broadcast_in_dim3A_208 = vector.broadcast %broadcast_in_dim3A_207 : f32 to vector<16xf32>
        %swap3A_209 = arith.index_cast %add3A_198 : i32 to index
        %swap3A_210 = tpu.vector_load %arg28[%swap3A_209] {strides = array<i32>} : memref<1536xf32, #tpu.memory_space<vmem>>, vector<16xf32>,
        tpu.vector_store %arg28[%swap3A_209], %broadcast_in_dim3A_208 {strides = array<i32>} : memref<1536xf32, #tpu.memory_space<vmem>>, vector<16xf32>,
        %broadcast_in_dim3A_211 = arith.constant 0.000000e+00 : f32
        %broadcast_in_dim3A_212 = vector.broadcast %broadcast_in_dim3A_211 : f32 to vector<16xf32>
        %swap3A_213 = arith.index_cast %add3A_198 : i32 to index
        %swap3A_214 = tpu.vector_load %arg29[%swap3A_213] {strides = array<i32>} : memref<1536xf32, #tpu.memory_space<vmem>>, vector<16xf32>,
        tpu.vector_store %arg29[%swap3A_213], %broadcast_in_dim3A_212 {strides = array<i32>} : memref<1536xf32, #tpu.memory_space<vmem>>, vector<16xf32>,
        %broadcast_in_dim3A_215 = arith.constant 0.000000e+00 : f32
        %broadcast_in_dim3A_216 = vector.broadcast %broadcast_in_dim3A_215 : f32 to vector<16xf32>
        %swap3A_217 = arith.index_cast %add3A_198 : i32 to index
        %swap3A_218 = tpu.vector_load %arg30[%swap3A_217] {strides = array<i32>} : memref<1536xf32, #tpu.memory_space<vmem>>, vector<16xf32>,
        tpu.vector_store %arg30[%swap3A_217], %broadcast_in_dim3A_216 {strides = array<i32>} : memref<1536xf32, #tpu.memory_space<vmem>>, vector<16xf32>,
        %broadcast_in_dim3A_219 = arith.constant 0.000000e+00 : f32
        %broadcast_in_dim3A_220 = vector.broadcast %broadcast_in_dim3A_219 : f32 to vector<16xf32>
        %swap3A_221 = arith.index_cast %add3A_198 : i32 to index
        %swap3A_222 = tpu.vector_load %arg31[%swap3A_221] {strides = array<i32>} : memref<1536xf32, #tpu.memory_space<vmem>>, vector<16xf32>,
        tpu.vector_store %arg31[%swap3A_221], %broadcast_in_dim3A_220 {strides = array<i32>} : memref<1536xf32, #tpu.memory_space<vmem>>, vector<16xf32>,
        %scan3A_223 = arith.constant 0 : i32
        %scan3A_224 = arith.constant 0 : i32
        %scan3A_225 = arith.constant 80 : i32
        %scan3A_226 = arith.addi %scan3A_224, %scan3A_225 : i32
        %scan3A_227 = arith.constant 1 : i32
        %scan3A_228 = scf.for %scan3A_231 = %scan3A_224 to %scan3A_226 step %scan3A_227 iter_args(%scan3A_232 = %scan3A_223) -> (i32)  : i32 {
          %mul3A_233 = arith.constant 4 : i32
          %mul3A_234 = arith.muli %scan3A_231, %mul3A_233 : i32
          %add3A_235 = arith.constant 0 : i32
          %add3A_236 = arith.addi %mul3A_234, %add3A_235 : i32
          %mul3A_237 = arith.constant 16 : i32
          %mul3A_238 = arith.muli %add3A_236, %mul3A_237 : i32
          %get3A_239 = arith.index_cast %mul3A_238 : i32 to index
          %get3A_240 = tpu.vector_load %arg17[%get3A_239] {strides = array<i32>} : memref<5136xf32, #tpu.memory_space<vmem>>, vector<16xf32>,
          %get3A_241 = arith.index_cast %mul3A_238 : i32 to index
          %get3A_242 = tpu.vector_load %arg18[%get3A_241] {strides = array<i32>} : memref<5136xf32, #tpu.memory_space<vmem>>, vector<16xf32>,
          %get3A_243 = arith.index_cast %mul3A_238 : i32 to index
          %get3A_244 = tpu.vector_load %arg19[%get3A_243] {strides = array<i32>} : memref<5136xf32, #tpu.memory_space<vmem>>, vector<16xf32>,
          %get3A_245 = arith.index_cast %mul3A_238 : i32 to index
          %get3A_246 = tpu.vector_load %arg20[%get3A_245] {strides = array<i32>} : memref<5136xf32, #tpu.memory_space<vmem>>, vector<16xf32>,
          %get3A_247 = arith.index_cast %mul3A_238 : i32 to index
          %get3A_248 = tpu.vector_load %arg21[%get3A_247] {strides = array<i32>} : memref<5136xf32, #tpu.memory_space<vmem>>, vector<16xf32>,
          %min3A = vector.broadcast %squeeze3A_37 : f32 to vector<16xf32>
          %min3A_249 = arith.minimumf %get3A_244, %min3A : vector<16xf32>
          %max3A = vector.broadcast %squeeze3A : f32 to vector<16xf32>
          %max3A_250 = arith.maximumf %get3A_240, %max3A : vector<16xf32>
          %sub3A = arith.subf %min3A_249, %max3A_250 : vector<16xf32>
          %max3A_251 = arith.constant 0.000000e+00 : f32
          %max3A_252 = vector.broadcast %max3A_251 : f32 to vector<16xf32>
          %max3A_253 = arith.maximumf %sub3A, %max3A_252 : vector<16xf32>
          %min3A_254 = vector.broadcast %squeeze3A_41 : f32 to vector<16xf32>
          %min3A_255 = arith.minimumf %get3A_246, %min3A_254 : vector<16xf32>
          %max3A_256 = vector.broadcast %squeeze3A_33 : f32 to vector<16xf32>
          %max3A_257 = arith.maximumf %get3A_242, %max3A_256 : vector<16xf32>
          %sub3A_258 = arith.subf %min3A_255, %max3A_257 : vector<16xf32>
          %max3A_259 = arith.constant 0.000000e+00 : f32
          %max3A_260 = vector.broadcast %max3A_259 : f32 to vector<16xf32>
          %max3A_261 = arith.maximumf %sub3A_258, %max3A_260 : vector<16xf32>
          %mul3A_262 = arith.mulf %max3A_253, %max3A_261 : vector<16xf32>
          %add3A_263 = vector.broadcast %squeeze3A_45 : f32 to vector<16xf32>
          %add3A_264 = arith.addf %add3A_263, %get3A_248 : vector<16xf32>
          %sub3A_265 = arith.subf %add3A_264, %mul3A_262 : vector<16xf32>
          %add3A_266 = arith.constant 9.99999993E-9 : f32
          %add3A_267 = vector.broadcast %add3A_266 : f32 to vector<16xf32>
          %add3A_268 = arith.addf %sub3A_265, %add3A_267 : vector<16xf32>
          %mul3A_269 = arith.constant 2.200000e+00 : f32
          %mul3A_270 = vector.broadcast %mul3A_269 : f32 to vector<16xf32>
          %mul3A_271 = arith.mulf %mul3A_262, %mul3A_270 : vector<16xf32>
          %gt3A = arith.cmpf ogt, %mul3A_271, %add3A_268 : vector<16xf32>
          %all_reduce_population_count3A = tpu.all_reduce %gt3A {dim = 0 : i64, kind = #tpu.reduction_kind<sum>} : vector<16xi1> -> vector<16xi32>
          %mul3A_272 = arith.constant 4 : i32
          %mul3A_273 = arith.muli %scan3A_231, %mul3A_272 : i32
          %add3A_274 = arith.constant 1 : i32
          %add3A_275 = arith.addi %mul3A_273, %add3A_274 : i32
          %mul3A_276 = arith.constant 16 : i32
          %mul3A_277 = arith.muli %add3A_275, %mul3A_276 : i32
          %get3A_278 = arith.index_cast %mul3A_277 : i32 to index
          %get3A_279 = tpu.vector_load %arg17[%get3A_278] {strides = array<i32>} : memref<5136xf32, #tpu.memory_space<vmem>>, vector<16xf32>,
          %get3A_280 = arith.index_cast %mul3A_277 : i32 to index
          %get3A_281 = tpu.vector_load %arg18[%get3A_280] {strides = array<i32>} : memref<5136xf32, #tpu.memory_space<vmem>>, vector<16xf32>,
          %get3A_282 = arith.index_cast %mul3A_277 : i32 to index
          %get3A_283 = tpu.vector_load %arg19[%get3A_282] {strides = array<i32>} : memref<5136xf32, #tpu.memory_space<vmem>>, vector<16xf32>,
          %get3A_284 = arith.index_cast %mul3A_277 : i32 to index
          %get3A_285 = tpu.vector_load %arg20[%get3A_284] {strides = array<i32>} : memref<5136xf32, #tpu.memory_space<vmem>>, vector<16xf32>,
          %get3A_286 = arith.index_cast %mul3A_277 : i32 to index
          %get3A_287 = tpu.vector_load %arg21[%get3A_286] {strides = array<i32>} : memref<5136xf32, #tpu.memory_space<vmem>>, vector<16xf32>,
          %min3A_288 = vector.broadcast %squeeze3A_37 : f32 to vector<16xf32>
          %min3A_289 = arith.minimumf %get3A_283, %min3A_288 : vector<16xf32>
          %max3A_290 = vector.broadcast %squeeze3A : f32 to vector<16xf32>
          %max3A_291 = arith.maximumf %get3A_279, %max3A_290 : vector<16xf32>
          %sub3A_292 = arith.subf %min3A_289, %max3A_291 : vector<16xf32>
          %max3A_293 = arith.constant 0.000000e+00 : f32
          %max3A_294 = vector.broadcast %max3A_293 : f32 to vector<16xf32>
          %max3A_295 = arith.maximumf %sub3A_292, %max3A_294 : vector<16xf32>
          %min3A_296 = vector.broadcast %squeeze3A_41 : f32 to vector<16xf32>
          %min3A_297 = arith.minimumf %get3A_285, %min3A_296 : vector<16xf32>
          %max3A_298 = vector.broadcast %squeeze3A_33 : f32 to vector<16xf32>
          %max3A_299 = arith.maximumf %get3A_281, %max3A_298 : vector<16xf32>
          %sub3A_300 = arith.subf %min3A_297, %max3A_299 : vector<16xf32>
          %max3A_301 = arith.constant 0.000000e+00 : f32
          %max3A_302 = vector.broadcast %max3A_301 : f32 to vector<16xf32>
          %max3A_303 = arith.maximumf %sub3A_300, %max3A_302 : vector<16xf32>
          %mul3A_304 = arith.mulf %max3A_295, %max3A_303 : vector<16xf32>
          %add3A_305 = vector.broadcast %squeeze3A_45 : f32 to vector<16xf32>
          %add3A_306 = arith.addf %add3A_305, %get3A_287 : vector<16xf32>
          %sub3A_307 = arith.subf %add3A_306, %mul3A_304 : vector<16xf32>
          %add3A_308 = arith.constant 9.99999993E-9 : f32
          %add3A_309 = vector.broadcast %add3A_308 : f32 to vector<16xf32>
          %add3A_310 = arith.addf %sub3A_307, %add3A_309 : vector<16xf32>
          %mul3A_311 = arith.constant 2.200000e+00 : f32
          %mul3A_312 = vector.broadcast %mul3A_311 : f32 to vector<16xf32>
          %mul3A_313 = arith.mulf %mul3A_304, %mul3A_312 : vector<16xf32>
          %gt3A_314 = arith.cmpf ogt, %mul3A_313, %add3A_310 : vector<16xf32>
          %all_reduce_population_count3A_315 = tpu.all_reduce %gt3A_314 {dim = 0 : i64, kind = #tpu.reduction_kind<sum>} : vector<16xi1> -> vector<16xi32>
          %mul3A_316 = arith.constant 4 : i32
          %mul3A_317 = arith.muli %scan3A_231, %mul3A_316 : i32
          %add3A_318 = arith.constant 2 : i32
          %add3A_319 = arith.addi %mul3A_317, %add3A_318 : i32
          %mul3A_320 = arith.constant 16 : i32
          %mul3A_321 = arith.muli %add3A_319, %mul3A_320 : i32
          %get3A_322 = arith.index_cast %mul3A_321 : i32 to index
          %get3A_323 = tpu.vector_load %arg17[%get3A_322] {strides = array<i32>} : memref<5136xf32, #tpu.memory_space<vmem>>, vector<16xf32>,
          %get3A_324 = arith.index_cast %mul3A_321 : i32 to index
          %get3A_325 = tpu.vector_load %arg18[%get3A_324] {strides = array<i32>} : memref<5136xf32, #tpu.memory_space<vmem>>, vector<16xf32>,
          %get3A_326 = arith.index_cast %mul3A_321 : i32 to index
          %get3A_327 = tpu.vector_load %arg19[%get3A_326] {strides = array<i32>} : memref<5136xf32, #tpu.memory_space<vmem>>, vector<16xf32>,
          %get3A_328 = arith.index_cast %mul3A_321 : i32 to index
          %get3A_329 = tpu.vector_load %arg20[%get3A_328] {strides = array<i32>} : memref<5136xf32, #tpu.memory_space<vmem>>, vector<16xf32>,
          %get3A_330 = arith.index_cast %mul3A_321 : i32 to index
          %get3A_331 = tpu.vector_load %arg21[%get3A_330] {strides = array<i32>} : memref<5136xf32, #tpu.memory_space<vmem>>, vector<16xf32>,
          %min3A_332 = vector.broadcast %squeeze3A_37 : f32 to vector<16xf32>
          %min3A_333 = arith.minimumf %get3A_327, %min3A_332 : vector<16xf32>
          %max3A_334 = vector.broadcast %squeeze3A : f32 to vector<16xf32>
          %max3A_335 = arith.maximumf %get3A_323, %max3A_334 : vector<16xf32>
          %sub3A_336 = arith.subf %min3A_333, %max3A_335 : vector<16xf32>
          %max3A_337 = arith.constant 0.000000e+00 : f32
          %max3A_338 = vector.broadcast %max3A_337 : f32 to vector<16xf32>
          %max3A_339 = arith.maximumf %sub3A_336, %max3A_338 : vector<16xf32>
          %min3A_340 = vector.broadcast %squeeze3A_41 : f32 to vector<16xf32>
          %min3A_341 = arith.minimumf %get3A_329, %min3A_340 : vector<16xf32>
          %max3A_342 = vector.broadcast %squeeze3A_33 : f32 to vector<16xf32>
          %max3A_343 = arith.maximumf %get3A_325, %max3A_342 : vector<16xf32>
          %sub3A_344 = arith.subf %min3A_341, %max3A_343 : vector<16xf32>
          %max3A_345 = arith.constant 0.000000e+00 : f32
          %max3A_346 = vector.broadcast %max3A_345 : f32 to vector<16xf32>
          %max3A_347 = arith.maximumf %sub3A_344, %max3A_346 : vector<16xf32>
          %mul3A_348 = arith.mulf %max3A_339, %max3A_347 : vector<16xf32>
          %add3A_349 = vector.broadcast %squeeze3A_45 : f32 to vector<16xf32>
          %add3A_350 = arith.addf %add3A_349, %get3A_331 : vector<16xf32>
          %sub3A_351 = arith.subf %add3A_350, %mul3A_348 : vector<16xf32>
          %add3A_352 = arith.constant 9.99999993E-9 : f32
          %add3A_353 = vector.broadcast %add3A_352 : f32 to vector<16xf32>
          %add3A_354 = arith.addf %sub3A_351, %add3A_353 : vector<16xf32>
          %mul3A_355 = arith.constant 2.200000e+00 : f32
          %mul3A_356 = vector.broadcast %mul3A_355 : f32 to vector<16xf32>
          %mul3A_357 = arith.mulf %mul3A_348, %mul3A_356 : vector<16xf32>
          %gt3A_358 = arith.cmpf ogt, %mul3A_357, %add3A_354 : vector<16xf32>
          %all_reduce_population_count3A_359 = tpu.all_reduce %gt3A_358 {dim = 0 : i64, kind = #tpu.reduction_kind<sum>} : vector<16xi1> -> vector<16xi32>
          %mul3A_360 = arith.constant 4 : i32
          %mul3A_361 = arith.muli %scan3A_231, %mul3A_360 : i32
          %add3A_362 = arith.constant 3 : i32
          %add3A_363 = arith.addi %mul3A_361, %add3A_362 : i32
          %mul3A_364 = arith.constant 16 : i32
          %mul3A_365 = arith.muli %add3A_363, %mul3A_364 : i32
          %get3A_366 = arith.index_cast %mul3A_365 : i32 to index
          %get3A_367 = tpu.vector_load %arg17[%get3A_366] {strides = array<i32>} : memref<5136xf32, #tpu.memory_space<vmem>>, vector<16xf32>,
          %get3A_368 = arith.index_cast %mul3A_365 : i32 to index
          %get3A_369 = tpu.vector_load %arg18[%get3A_368] {strides = array<i32>} : memref<5136xf32, #tpu.memory_space<vmem>>, vector<16xf32>,
          %get3A_370 = arith.index_cast %mul3A_365 : i32 to index
          %get3A_371 = tpu.vector_load %arg19[%get3A_370] {strides = array<i32>} : memref<5136xf32, #tpu.memory_space<vmem>>, vector<16xf32>,
          %get3A_372 = arith.index_cast %mul3A_365 : i32 to index
          %get3A_373 = tpu.vector_load %arg20[%get3A_372] {strides = array<i32>} : memref<5136xf32, #tpu.memory_space<vmem>>, vector<16xf32>,
          %get3A_374 = arith.index_cast %mul3A_365 : i32 to index
          %get3A_375 = tpu.vector_load %arg21[%get3A_374] {strides = array<i32>} : memref<5136xf32, #tpu.memory_space<vmem>>, vector<16xf32>,
          %min3A_376 = vector.broadcast %squeeze3A_37 : f32 to vector<16xf32>
          %min3A_377 = arith.minimumf %get3A_371, %min3A_376 : vector<16xf32>
          %max3A_378 = vector.broadcast %squeeze3A : f32 to vector<16xf32>
          %max3A_379 = arith.maximumf %get3A_367, %max3A_378 : vector<16xf32>
          %sub3A_380 = arith.subf %min3A_377, %max3A_379 : vector<16xf32>
          %max3A_381 = arith.constant 0.000000e+00 : f32
          %max3A_382 = vector.broadcast %max3A_381 : f32 to vector<16xf32>
          %max3A_383 = arith.maximumf %sub3A_380, %max3A_382 : vector<16xf32>
          %min3A_384 = vector.broadcast %squeeze3A_41 : f32 to vector<16xf32>
          %min3A_385 = arith.minimumf %get3A_373, %min3A_384 : vector<16xf32>
          %max3A_386 = vector.broadcast %squeeze3A_33 : f32 to vector<16xf32>
          %max3A_387 = arith.maximumf %get3A_369, %max3A_386 : vector<16xf32>
          %sub3A_388 = arith.subf %min3A_385, %max3A_387 : vector<16xf32>
          %max3A_389 = arith.constant 0.000000e+00 : f32
          %max3A_390 = vector.broadcast %max3A_389 : f32 to vector<16xf32>
          %max3A_391 = arith.maximumf %sub3A_388, %max3A_390 : vector<16xf32>
          %mul3A_392 = arith.mulf %max3A_383, %max3A_391 : vector<16xf32>
          %add3A_393 = vector.broadcast %squeeze3A_45 : f32 to vector<16xf32>
          %add3A_394 = arith.addf %add3A_393, %get3A_375 : vector<16xf32>
          %sub3A_395 = arith.subf %add3A_394, %mul3A_392 : vector<16xf32>
          %add3A_396 = arith.constant 9.99999993E-9 : f32
          %add3A_397 = vector.broadcast %add3A_396 : f32 to vector<16xf32>
          %add3A_398 = arith.addf %sub3A_395, %add3A_397 : vector<16xf32>
          %mul3A_399 = arith.constant 2.200000e+00 : f32
          %mul3A_400 = vector.broadcast %mul3A_399 : f32 to vector<16xf32>
          %mul3A_401 = arith.mulf %mul3A_392, %mul3A_400 : vector<16xf32>
          %gt3A_402 = arith.cmpf ogt, %mul3A_401, %add3A_398 : vector<16xf32>
          %all_reduce_population_count3A_403 = tpu.all_reduce %gt3A_402 {dim = 0 : i64, kind = #tpu.reduction_kind<sum>} : vector<16xi1> -> vector<16xi32>
          %add3A_404 = arith.addi %all_reduce_population_count3A, %all_reduce_population_count3A_315 : vector<16xi32>
          %add3A_405 = arith.addi %add3A_404, %all_reduce_population_count3A_359 : vector<16xi32>
          %add3A_406 = arith.addi %add3A_405, %all_reduce_population_count3A_403 : vector<16xi32>
          %slice3A_407 = vector.extract_strided_slice %add3A_406 {offsets = [0], sizes = [1], strides = [1]} : vector<16xi32> to vector<1xi32>
          %squeeze3A_408 = vector.extract %slice3A_407[0] : i32 from vector<1xi32>
          %gt3A_409 = arith.constant 0 : i32
          %gt3A_410 = arith.cmpi sgt, %squeeze3A_408, %gt3A_409 : i32
          %convert_element_type3A = arith.extui %gt3A_410 : i1 to i32
          %cond3A = arith.constant 0 : i32
          %cond3A_411 = arith.cmpi ne, %convert_element_type3A, %cond3A : i32
          %cond3A_412 = scf.if %cond3A_411 -> (i32) {
            %div3A_413 = arith.divf %mul3A_262, %add3A_268 : vector<16xf32>
            %gt3A_414 = arith.constant 5.000000e-01 : f32
            %gt3A_415 = vector.broadcast %gt3A_414 : f32 to vector<16xf32>
            %gt3A_416 = arith.cmpf ogt, %div3A_413, %gt3A_415 : vector<16xf32>
            %all_reduce_population_count3A_417 = tpu.all_reduce %gt3A_416 {dim = 0 : i64, kind = #tpu.reduction_kind<sum>} : vector<16xi1> -> vector<16xi32>
            %slice3A_418 = vector.extract_strided_slice %all_reduce_population_count3A_417 {offsets = [0], sizes = [1], strides = [1]} : vector<16xi32> to vector<1xi32>
            %squeeze3A_419 = vector.extract %slice3A_418[0] : i32 from vector<1xi32>
            %gt3A_420 = arith.constant 0 : i32
            %gt3A_421 = arith.cmpi sgt, %squeeze3A_419, %gt3A_420 : i32
            %convert_element_type3A_422 = arith.extui %gt3A_421 : i1 to i32
            %cond3A_423 = arith.constant 0 : i32
            %cond3A_424 = arith.cmpi ne, %convert_element_type3A_422, %cond3A_423 : i32
            %cond3A_425 = scf.if %cond3A_424 -> (i32) {
              %le3A = arith.constant 80 : i32
              %le3A_465 = arith.cmpi sle, %scan3A_232, %le3A : i32
              %and3A = vector.broadcast %le3A_465 : i1 to vector<16xi1>
              %and3A_466 = arith.andi %gt3A_416, %and3A : vector<16xi1>
              %iota3A = tpu.iota {dimensions = array<i32: 0>} : vector<16xi32>
              %add3A_467 = vector.broadcast %mul3A_238 : i32 to vector<16xi32>
              %add3A_468 = arith.addi %iota3A, %add3A_467 : vector<16xi32>
              %add3A_469 = arith.addi %mul3A_28, %scan3A_232 : i32
              %swap3A_470 = arith.index_cast %add3A_469 : i32 to index
              %swap3A_471 = tpu.vector_load %arg26[%swap3A_470] masked %and3A_466 {strides = array<i32>} : memref<1536xi32, #tpu.memory_space<vmem>>, vector<16xi32>, vector<16xi1>
              tpu.vector_store %arg26[%swap3A_470], %add3A_468 masked %and3A_466 {strides = array<i32>} : memref<1536xi32, #tpu.memory_space<vmem>>, vector<16xi32>, vector<16xi1>
              %swap3A_472 = arith.index_cast %add3A_469 : i32 to index
              %swap3A_473 = tpu.vector_load %arg27[%swap3A_472] masked %and3A_466 {strides = array<i32>} : memref<1536xf32, #tpu.memory_space<vmem>>, vector<16xf32>, vector<16xi1>
              tpu.vector_store %arg27[%swap3A_472], %div3A_413 masked %and3A_466 {strides = array<i32>} : memref<1536xf32, #tpu.memory_space<vmem>>, vector<16xf32>, vector<16xi1>
              %get3A_474 = arith.index_cast %mul3A_238 : i32 to index
              %get3A_475 = tpu.vector_load %arg22[%get3A_474] {strides = array<i32>} : memref<5136xf32, #tpu.memory_space<vmem>>, vector<16xf32>,
              %sub3A_476 = vector.broadcast %squeeze3A_49 : f32 to vector<16xf32>
              %sub3A_477 = arith.subf %get3A_475, %sub3A_476 : vector<16xf32>
              %div3A_478 = arith.constant 2.240000e+02 : f32
              %div3A_479 = vector.broadcast %div3A_478 : f32 to vector<16xf32>
              %div3A_480 = arith.divf %sub3A_477, %div3A_479 : vector<16xf32>
              %get3A_481 = arith.index_cast %mul3A_238 : i32 to index
              %get3A_482 = tpu.vector_load %arg23[%get3A_481] {strides = array<i32>} : memref<5136xf32, #tpu.memory_space<vmem>>, vector<16xf32>,
              %sub3A_483 = vector.broadcast %squeeze3A_53 : f32 to vector<16xf32>
              %sub3A_484 = arith.subf %get3A_482, %sub3A_483 : vector<16xf32>
              %div3A_485 = arith.constant 2.240000e+02 : f32
              %div3A_486 = vector.broadcast %div3A_485 : f32 to vector<16xf32>
              %div3A_487 = arith.divf %sub3A_484, %div3A_486 : vector<16xf32>
              %get3A_488 = arith.index_cast %mul3A_238 : i32 to index
              %get3A_489 = tpu.vector_load %arg24[%get3A_488] {strides = array<i32>} : memref<5136xf32, #tpu.memory_space<vmem>>, vector<16xf32>,
              %sub3A_490 = vector.broadcast %squeeze3A_57 : f32 to vector<16xf32>
              %sub3A_491 = arith.subf %get3A_489, %sub3A_490 : vector<16xf32>
              %div3A_492 = arith.constant 2.240000e+02 : f32
              %div3A_493 = vector.broadcast %div3A_492 : f32 to vector<16xf32>
              %div3A_494 = arith.divf %sub3A_491, %div3A_493 : vector<16xf32>
              %get3A_495 = arith.index_cast %mul3A_238 : i32 to index
              %get3A_496 = tpu.vector_load %arg25[%get3A_495] {strides = array<i32>} : memref<5136xf32, #tpu.memory_space<vmem>>, vector<16xf32>,
              %sub3A_497 = vector.broadcast %squeeze3A_61 : f32 to vector<16xf32>
              %sub3A_498 = arith.subf %get3A_496, %sub3A_497 : vector<16xf32>
              %div3A_499 = arith.constant 2.240000e+02 : f32
              %div3A_500 = vector.broadcast %div3A_499 : f32 to vector<16xf32>
              %div3A_501 = arith.divf %sub3A_498, %div3A_500 : vector<16xf32>
              %swap3A_502 = arith.index_cast %add3A_469 : i32 to index
              %swap3A_503 = tpu.vector_load %arg28[%swap3A_502] masked %and3A_466 {strides = array<i32>} : memref<1536xf32, #tpu.memory_space<vmem>>, vector<16xf32>, vector<16xi1>
              tpu.vector_store %arg28[%swap3A_502], %div3A_480 masked %and3A_466 {strides = array<i32>} : memref<1536xf32, #tpu.memory_space<vmem>>, vector<16xf32>, vector<16xi1>
              %swap3A_504 = arith.index_cast %add3A_469 : i32 to index
              %swap3A_505 = tpu.vector_load %arg29[%swap3A_504] masked %and3A_466 {strides = array<i32>} : memref<1536xf32, #tpu.memory_space<vmem>>, vector<16xf32>, vector<16xi1>
              tpu.vector_store %arg29[%swap3A_504], %div3A_487 masked %and3A_466 {strides = array<i32>} : memref<1536xf32, #tpu.memory_space<vmem>>, vector<16xf32>, vector<16xi1>
              %swap3A_506 = arith.index_cast %add3A_469 : i32 to index
              %swap3A_507 = tpu.vector_load %arg30[%swap3A_506] masked %and3A_466 {strides = array<i32>} : memref<1536xf32, #tpu.memory_space<vmem>>, vector<16xf32>, vector<16xi1>
              tpu.vector_store %arg30[%swap3A_506], %div3A_494 masked %and3A_466 {strides = array<i32>} : memref<1536xf32, #tpu.memory_space<vmem>>, vector<16xf32>, vector<16xi1>
              %swap3A_508 = arith.index_cast %add3A_469 : i32 to index
              %swap3A_509 = tpu.vector_load %arg31[%swap3A_508] masked %and3A_466 {strides = array<i32>} : memref<1536xf32, #tpu.memory_space<vmem>>, vector<16xf32>, vector<16xi1>
              tpu.vector_store %arg31[%swap3A_508], %div3A_501 masked %and3A_466 {strides = array<i32>} : memref<1536xf32, #tpu.memory_space<vmem>>, vector<16xf32>, vector<16xi1>
              %add3A_510 = arith.addi %scan3A_232, %squeeze3A_419 : i32
              %select_n3A = arith.select %le3A_465, %add3A_510, %scan3A_232 : i32
              scf.yield %select_n3A : i32
            } else {
              scf.yield %scan3A_232 : i32
            }
            %div3A_426 = arith.divf %mul3A_304, %add3A_310 : vector<16xf32>
            %gt3A_427 = arith.constant 5.000000e-01 : f32
            %gt3A_428 = vector.broadcast %gt3A_427 : f32 to vector<16xf32>
            %gt3A_429 = arith.cmpf ogt, %div3A_426, %gt3A_428 : vector<16xf32>
            %all_reduce_population_count3A_430 = tpu.all_reduce %gt3A_429 {dim = 0 : i64, kind = #tpu.reduction_kind<sum>} : vector<16xi1> -> vector<16xi32>
            %slice3A_431 = vector.extract_strided_slice %all_reduce_population_count3A_430 {offsets = [0], sizes = [1], strides = [1]} : vector<16xi32> to vector<1xi32>
            %squeeze3A_432 = vector.extract %slice3A_431[0] : i32 from vector<1xi32>
            %gt3A_433 = arith.constant 0 : i32
            %gt3A_434 = arith.cmpi sgt, %squeeze3A_432, %gt3A_433 : i32
            %convert_element_type3A_435 = arith.extui %gt3A_434 : i1 to i32
            %cond3A_436 = arith.constant 0 : i32
            %cond3A_437 = arith.cmpi ne, %convert_element_type3A_435, %cond3A_436 : i32
            %cond3A_438 = scf.if %cond3A_437 -> (i32) {
              %le3A = arith.constant 80 : i32
              %le3A_465 = arith.cmpi sle, %cond3A_425, %le3A : i32
              %and3A = vector.broadcast %le3A_465 : i1 to vector<16xi1>
              %and3A_466 = arith.andi %gt3A_429, %and3A : vector<16xi1>
              %iota3A = tpu.iota {dimensions = array<i32: 0>} : vector<16xi32>
              %add3A_467 = vector.broadcast %mul3A_277 : i32 to vector<16xi32>
              %add3A_468 = arith.addi %iota3A, %add3A_467 : vector<16xi32>
              %add3A_469 = arith.addi %mul3A_28, %cond3A_425 : i32
              %swap3A_470 = arith.index_cast %add3A_469 : i32 to index
              %swap3A_471 = tpu.vector_load %arg26[%swap3A_470] masked %and3A_466 {strides = array<i32>} : memref<1536xi32, #tpu.memory_space<vmem>>, vector<16xi32>, vector<16xi1>
              tpu.vector_store %arg26[%swap3A_470], %add3A_468 masked %and3A_466 {strides = array<i32>} : memref<1536xi32, #tpu.memory_space<vmem>>, vector<16xi32>, vector<16xi1>
              %swap3A_472 = arith.index_cast %add3A_469 : i32 to index
              %swap3A_473 = tpu.vector_load %arg27[%swap3A_472] masked %and3A_466 {strides = array<i32>} : memref<1536xf32, #tpu.memory_space<vmem>>, vector<16xf32>, vector<16xi1>
              tpu.vector_store %arg27[%swap3A_472], %div3A_426 masked %and3A_466 {strides = array<i32>} : memref<1536xf32, #tpu.memory_space<vmem>>, vector<16xf32>, vector<16xi1>
              %get3A_474 = arith.index_cast %mul3A_277 : i32 to index
              %get3A_475 = tpu.vector_load %arg22[%get3A_474] {strides = array<i32>} : memref<5136xf32, #tpu.memory_space<vmem>>, vector<16xf32>,
              %sub3A_476 = vector.broadcast %squeeze3A_49 : f32 to vector<16xf32>
              %sub3A_477 = arith.subf %get3A_475, %sub3A_476 : vector<16xf32>
              %div3A_478 = arith.constant 2.240000e+02 : f32
              %div3A_479 = vector.broadcast %div3A_478 : f32 to vector<16xf32>
              %div3A_480 = arith.divf %sub3A_477, %div3A_479 : vector<16xf32>
              %get3A_481 = arith.index_cast %mul3A_277 : i32 to index
              %get3A_482 = tpu.vector_load %arg23[%get3A_481] {strides = array<i32>} : memref<5136xf32, #tpu.memory_space<vmem>>, vector<16xf32>,
              %sub3A_483 = vector.broadcast %squeeze3A_53 : f32 to vector<16xf32>
              %sub3A_484 = arith.subf %get3A_482, %sub3A_483 : vector<16xf32>
              %div3A_485 = arith.constant 2.240000e+02 : f32
              %div3A_486 = vector.broadcast %div3A_485 : f32 to vector<16xf32>
              %div3A_487 = arith.divf %sub3A_484, %div3A_486 : vector<16xf32>
              %get3A_488 = arith.index_cast %mul3A_277 : i32 to index
              %get3A_489 = tpu.vector_load %arg24[%get3A_488] {strides = array<i32>} : memref<5136xf32, #tpu.memory_space<vmem>>, vector<16xf32>,
              %sub3A_490 = vector.broadcast %squeeze3A_57 : f32 to vector<16xf32>
              %sub3A_491 = arith.subf %get3A_489, %sub3A_490 : vector<16xf32>
              %div3A_492 = arith.constant 2.240000e+02 : f32
              %div3A_493 = vector.broadcast %div3A_492 : f32 to vector<16xf32>
              %div3A_494 = arith.divf %sub3A_491, %div3A_493 : vector<16xf32>
              %get3A_495 = arith.index_cast %mul3A_277 : i32 to index
              %get3A_496 = tpu.vector_load %arg25[%get3A_495] {strides = array<i32>} : memref<5136xf32, #tpu.memory_space<vmem>>, vector<16xf32>,
              %sub3A_497 = vector.broadcast %squeeze3A_61 : f32 to vector<16xf32>
              %sub3A_498 = arith.subf %get3A_496, %sub3A_497 : vector<16xf32>
              %div3A_499 = arith.constant 2.240000e+02 : f32
              %div3A_500 = vector.broadcast %div3A_499 : f32 to vector<16xf32>
              %div3A_501 = arith.divf %sub3A_498, %div3A_500 : vector<16xf32>
              %swap3A_502 = arith.index_cast %add3A_469 : i32 to index
              %swap3A_503 = tpu.vector_load %arg28[%swap3A_502] masked %and3A_466 {strides = array<i32>} : memref<1536xf32, #tpu.memory_space<vmem>>, vector<16xf32>, vector<16xi1>
              tpu.vector_store %arg28[%swap3A_502], %div3A_480 masked %and3A_466 {strides = array<i32>} : memref<1536xf32, #tpu.memory_space<vmem>>, vector<16xf32>, vector<16xi1>
              %swap3A_504 = arith.index_cast %add3A_469 : i32 to index
              %swap3A_505 = tpu.vector_load %arg29[%swap3A_504] masked %and3A_466 {strides = array<i32>} : memref<1536xf32, #tpu.memory_space<vmem>>, vector<16xf32>, vector<16xi1>
              tpu.vector_store %arg29[%swap3A_504], %div3A_487 masked %and3A_466 {strides = array<i32>} : memref<1536xf32, #tpu.memory_space<vmem>>, vector<16xf32>, vector<16xi1>
              %swap3A_506 = arith.index_cast %add3A_469 : i32 to index
              %swap3A_507 = tpu.vector_load %arg30[%swap3A_506] masked %and3A_466 {strides = array<i32>} : memref<1536xf32, #tpu.memory_space<vmem>>, vector<16xf32>, vector<16xi1>
              tpu.vector_store %arg30[%swap3A_506], %div3A_494 masked %and3A_466 {strides = array<i32>} : memref<1536xf32, #tpu.memory_space<vmem>>, vector<16xf32>, vector<16xi1>
              %swap3A_508 = arith.index_cast %add3A_469 : i32 to index
              %swap3A_509 = tpu.vector_load %arg31[%swap3A_508] masked %and3A_466 {strides = array<i32>} : memref<1536xf32, #tpu.memory_space<vmem>>, vector<16xf32>, vector<16xi1>
              tpu.vector_store %arg31[%swap3A_508], %div3A_501 masked %and3A_466 {strides = array<i32>} : memref<1536xf32, #tpu.memory_space<vmem>>, vector<16xf32>, vector<16xi1>
              %add3A_510 = arith.addi %cond3A_425, %squeeze3A_432 : i32
              %select_n3A = arith.select %le3A_465, %add3A_510, %cond3A_425 : i32
              scf.yield %select_n3A : i32
            } else {
              scf.yield %cond3A_425 : i32
            }
            %div3A_439 = arith.divf %mul3A_348, %add3A_354 : vector<16xf32>
            %gt3A_440 = arith.constant 5.000000e-01 : f32
            %gt3A_441 = vector.broadcast %gt3A_440 : f32 to vector<16xf32>
            %gt3A_442 = arith.cmpf ogt, %div3A_439, %gt3A_441 : vector<16xf32>
            %all_reduce_population_count3A_443 = tpu.all_reduce %gt3A_442 {dim = 0 : i64, kind = #tpu.reduction_kind<sum>} : vector<16xi1> -> vector<16xi32>
            %slice3A_444 = vector.extract_strided_slice %all_reduce_population_count3A_443 {offsets = [0], sizes = [1], strides = [1]} : vector<16xi32> to vector<1xi32>
            %squeeze3A_445 = vector.extract %slice3A_444[0] : i32 from vector<1xi32>
            %gt3A_446 = arith.constant 0 : i32
            %gt3A_447 = arith.cmpi sgt, %squeeze3A_445, %gt3A_446 : i32
            %convert_element_type3A_448 = arith.extui %gt3A_447 : i1 to i32
            %cond3A_449 = arith.constant 0 : i32
            %cond3A_450 = arith.cmpi ne, %convert_element_type3A_448, %cond3A_449 : i32
            %cond3A_451 = scf.if %cond3A_450 -> (i32) {
              %le3A = arith.constant 80 : i32
              %le3A_465 = arith.cmpi sle, %cond3A_438, %le3A : i32
              %and3A = vector.broadcast %le3A_465 : i1 to vector<16xi1>
              %and3A_466 = arith.andi %gt3A_442, %and3A : vector<16xi1>
              %iota3A = tpu.iota {dimensions = array<i32: 0>} : vector<16xi32>
              %add3A_467 = vector.broadcast %mul3A_321 : i32 to vector<16xi32>
              %add3A_468 = arith.addi %iota3A, %add3A_467 : vector<16xi32>
              %add3A_469 = arith.addi %mul3A_28, %cond3A_438 : i32
              %swap3A_470 = arith.index_cast %add3A_469 : i32 to index
              %swap3A_471 = tpu.vector_load %arg26[%swap3A_470] masked %and3A_466 {strides = array<i32>} : memref<1536xi32, #tpu.memory_space<vmem>>, vector<16xi32>, vector<16xi1>
              tpu.vector_store %arg26[%swap3A_470], %add3A_468 masked %and3A_466 {strides = array<i32>} : memref<1536xi32, #tpu.memory_space<vmem>>, vector<16xi32>, vector<16xi1>
              %swap3A_472 = arith.index_cast %add3A_469 : i32 to index
              %swap3A_473 = tpu.vector_load %arg27[%swap3A_472] masked %and3A_466 {strides = array<i32>} : memref<1536xf32, #tpu.memory_space<vmem>>, vector<16xf32>, vector<16xi1>
              tpu.vector_store %arg27[%swap3A_472], %div3A_439 masked %and3A_466 {strides = array<i32>} : memref<1536xf32, #tpu.memory_space<vmem>>, vector<16xf32>, vector<16xi1>
              %get3A_474 = arith.index_cast %mul3A_321 : i32 to index
              %get3A_475 = tpu.vector_load %arg22[%get3A_474] {strides = array<i32>} : memref<5136xf32, #tpu.memory_space<vmem>>, vector<16xf32>,
              %sub3A_476 = vector.broadcast %squeeze3A_49 : f32 to vector<16xf32>
              %sub3A_477 = arith.subf %get3A_475, %sub3A_476 : vector<16xf32>
              %div3A_478 = arith.constant 2.240000e+02 : f32
              %div3A_479 = vector.broadcast %div3A_478 : f32 to vector<16xf32>
              %div3A_480 = arith.divf %sub3A_477, %div3A_479 : vector<16xf32>
              %get3A_481 = arith.index_cast %mul3A_321 : i32 to index
              %get3A_482 = tpu.vector_load %arg23[%get3A_481] {strides = array<i32>} : memref<5136xf32, #tpu.memory_space<vmem>>, vector<16xf32>,
              %sub3A_483 = vector.broadcast %squeeze3A_53 : f32 to vector<16xf32>
              %sub3A_484 = arith.subf %get3A_482, %sub3A_483 : vector<16xf32>
              %div3A_485 = arith.constant 2.240000e+02 : f32
              %div3A_486 = vector.broadcast %div3A_485 : f32 to vector<16xf32>
              %div3A_487 = arith.divf %sub3A_484, %div3A_486 : vector<16xf32>
              %get3A_488 = arith.index_cast %mul3A_321 : i32 to index
              %get3A_489 = tpu.vector_load %arg24[%get3A_488] {strides = array<i32>} : memref<5136xf32, #tpu.memory_space<vmem>>, vector<16xf32>,
              %sub3A_490 = vector.broadcast %squeeze3A_57 : f32 to vector<16xf32>
              %sub3A_491 = arith.subf %get3A_489, %sub3A_490 : vector<16xf32>
              %div3A_492 = arith.constant 2.240000e+02 : f32
              %div3A_493 = vector.broadcast %div3A_492 : f32 to vector<16xf32>
              %div3A_494 = arith.divf %sub3A_491, %div3A_493 : vector<16xf32>
              %get3A_495 = arith.index_cast %mul3A_321 : i32 to index
              %get3A_496 = tpu.vector_load %arg25[%get3A_495] {strides = array<i32>} : memref<5136xf32, #tpu.memory_space<vmem>>, vector<16xf32>,
              %sub3A_497 = vector.broadcast %squeeze3A_61 : f32 to vector<16xf32>
              %sub3A_498 = arith.subf %get3A_496, %sub3A_497 : vector<16xf32>
              %div3A_499 = arith.constant 2.240000e+02 : f32
              %div3A_500 = vector.broadcast %div3A_499 : f32 to vector<16xf32>
              %div3A_501 = arith.divf %sub3A_498, %div3A_500 : vector<16xf32>
              %swap3A_502 = arith.index_cast %add3A_469 : i32 to index
              %swap3A_503 = tpu.vector_load %arg28[%swap3A_502] masked %and3A_466 {strides = array<i32>} : memref<1536xf32, #tpu.memory_space<vmem>>, vector<16xf32>, vector<16xi1>
              tpu.vector_store %arg28[%swap3A_502], %div3A_480 masked %and3A_466 {strides = array<i32>} : memref<1536xf32, #tpu.memory_space<vmem>>, vector<16xf32>, vector<16xi1>
              %swap3A_504 = arith.index_cast %add3A_469 : i32 to index
              %swap3A_505 = tpu.vector_load %arg29[%swap3A_504] masked %and3A_466 {strides = array<i32>} : memref<1536xf32, #tpu.memory_space<vmem>>, vector<16xf32>, vector<16xi1>
              tpu.vector_store %arg29[%swap3A_504], %div3A_487 masked %and3A_466 {strides = array<i32>} : memref<1536xf32, #tpu.memory_space<vmem>>, vector<16xf32>, vector<16xi1>
              %swap3A_506 = arith.index_cast %add3A_469 : i32 to index
              %swap3A_507 = tpu.vector_load %arg30[%swap3A_506] masked %and3A_466 {strides = array<i32>} : memref<1536xf32, #tpu.memory_space<vmem>>, vector<16xf32>, vector<16xi1>
              tpu.vector_store %arg30[%swap3A_506], %div3A_494 masked %and3A_466 {strides = array<i32>} : memref<1536xf32, #tpu.memory_space<vmem>>, vector<16xf32>, vector<16xi1>
              %swap3A_508 = arith.index_cast %add3A_469 : i32 to index
              %swap3A_509 = tpu.vector_load %arg31[%swap3A_508] masked %and3A_466 {strides = array<i32>} : memref<1536xf32, #tpu.memory_space<vmem>>, vector<16xf32>, vector<16xi1>
              tpu.vector_store %arg31[%swap3A_508], %div3A_501 masked %and3A_466 {strides = array<i32>} : memref<1536xf32, #tpu.memory_space<vmem>>, vector<16xf32>, vector<16xi1>
              %add3A_510 = arith.addi %cond3A_438, %squeeze3A_445 : i32
              %select_n3A = arith.select %le3A_465, %add3A_510, %cond3A_438 : i32
              scf.yield %select_n3A : i32
            } else {
              scf.yield %cond3A_438 : i32
            }
            %div3A_452 = arith.divf %mul3A_392, %add3A_398 : vector<16xf32>
            %gt3A_453 = arith.constant 5.000000e-01 : f32
            %gt3A_454 = vector.broadcast %gt3A_453 : f32 to vector<16xf32>
            %gt3A_455 = arith.cmpf ogt, %div3A_452, %gt3A_454 : vector<16xf32>
            %all_reduce_population_count3A_456 = tpu.all_reduce %gt3A_455 {dim = 0 : i64, kind = #tpu.reduction_kind<sum>} : vector<16xi1> -> vector<16xi32>
            %slice3A_457 = vector.extract_strided_slice %all_reduce_population_count3A_456 {offsets = [0], sizes = [1], strides = [1]} : vector<16xi32> to vector<1xi32>
            %squeeze3A_458 = vector.extract %slice3A_457[0] : i32 from vector<1xi32>
            %gt3A_459 = arith.constant 0 : i32
            %gt3A_460 = arith.cmpi sgt, %squeeze3A_458, %gt3A_459 : i32
            %convert_element_type3A_461 = arith.extui %gt3A_460 : i1 to i32
            %cond3A_462 = arith.constant 0 : i32
            %cond3A_463 = arith.cmpi ne, %convert_element_type3A_461, %cond3A_462 : i32
            %cond3A_464 = scf.if %cond3A_463 -> (i32) {
              %le3A = arith.constant 80 : i32
              %le3A_465 = arith.cmpi sle, %cond3A_451, %le3A : i32
              %and3A = vector.broadcast %le3A_465 : i1 to vector<16xi1>
              %and3A_466 = arith.andi %gt3A_455, %and3A : vector<16xi1>
              %iota3A = tpu.iota {dimensions = array<i32: 0>} : vector<16xi32>
              %add3A_467 = vector.broadcast %mul3A_365 : i32 to vector<16xi32>
              %add3A_468 = arith.addi %iota3A, %add3A_467 : vector<16xi32>
              %add3A_469 = arith.addi %mul3A_28, %cond3A_451 : i32
              %swap3A_470 = arith.index_cast %add3A_469 : i32 to index
              %swap3A_471 = tpu.vector_load %arg26[%swap3A_470] masked %and3A_466 {strides = array<i32>} : memref<1536xi32, #tpu.memory_space<vmem>>, vector<16xi32>, vector<16xi1>
              tpu.vector_store %arg26[%swap3A_470], %add3A_468 masked %and3A_466 {strides = array<i32>} : memref<1536xi32, #tpu.memory_space<vmem>>, vector<16xi32>, vector<16xi1>
              %swap3A_472 = arith.index_cast %add3A_469 : i32 to index
              %swap3A_473 = tpu.vector_load %arg27[%swap3A_472] masked %and3A_466 {strides = array<i32>} : memref<1536xf32, #tpu.memory_space<vmem>>, vector<16xf32>, vector<16xi1>
              tpu.vector_store %arg27[%swap3A_472], %div3A_452 masked %and3A_466 {strides = array<i32>} : memref<1536xf32, #tpu.memory_space<vmem>>, vector<16xf32>, vector<16xi1>
              %get3A_474 = arith.index_cast %mul3A_365 : i32 to index
              %get3A_475 = tpu.vector_load %arg22[%get3A_474] {strides = array<i32>} : memref<5136xf32, #tpu.memory_space<vmem>>, vector<16xf32>,
              %sub3A_476 = vector.broadcast %squeeze3A_49 : f32 to vector<16xf32>
              %sub3A_477 = arith.subf %get3A_475, %sub3A_476 : vector<16xf32>
              %div3A_478 = arith.constant 2.240000e+02 : f32
              %div3A_479 = vector.broadcast %div3A_478 : f32 to vector<16xf32>
              %div3A_480 = arith.divf %sub3A_477, %div3A_479 : vector<16xf32>
              %get3A_481 = arith.index_cast %mul3A_365 : i32 to index
              %get3A_482 = tpu.vector_load %arg23[%get3A_481] {strides = array<i32>} : memref<5136xf32, #tpu.memory_space<vmem>>, vector<16xf32>,
              %sub3A_483 = vector.broadcast %squeeze3A_53 : f32 to vector<16xf32>
              %sub3A_484 = arith.subf %get3A_482, %sub3A_483 : vector<16xf32>
              %div3A_485 = arith.constant 2.240000e+02 : f32
              %div3A_486 = vector.broadcast %div3A_485 : f32 to vector<16xf32>
              %div3A_487 = arith.divf %sub3A_484, %div3A_486 : vector<16xf32>
              %get3A_488 = arith.index_cast %mul3A_365 : i32 to index
              %get3A_489 = tpu.vector_load %arg24[%get3A_488] {strides = array<i32>} : memref<5136xf32, #tpu.memory_space<vmem>>, vector<16xf32>,
              %sub3A_490 = vector.broadcast %squeeze3A_57 : f32 to vector<16xf32>
              %sub3A_491 = arith.subf %get3A_489, %sub3A_490 : vector<16xf32>
              %div3A_492 = arith.constant 2.240000e+02 : f32
              %div3A_493 = vector.broadcast %div3A_492 : f32 to vector<16xf32>
              %div3A_494 = arith.divf %sub3A_491, %div3A_493 : vector<16xf32>
              %get3A_495 = arith.index_cast %mul3A_365 : i32 to index
              %get3A_496 = tpu.vector_load %arg25[%get3A_495] {strides = array<i32>} : memref<5136xf32, #tpu.memory_space<vmem>>, vector<16xf32>,
              %sub3A_497 = vector.broadcast %squeeze3A_61 : f32 to vector<16xf32>
              %sub3A_498 = arith.subf %get3A_496, %sub3A_497 : vector<16xf32>
              %div3A_499 = arith.constant 2.240000e+02 : f32
              %div3A_500 = vector.broadcast %div3A_499 : f32 to vector<16xf32>
              %div3A_501 = arith.divf %sub3A_498, %div3A_500 : vector<16xf32>
              %swap3A_502 = arith.index_cast %add3A_469 : i32 to index
              %swap3A_503 = tpu.vector_load %arg28[%swap3A_502] masked %and3A_466 {strides = array<i32>} : memref<1536xf32, #tpu.memory_space<vmem>>, vector<16xf32>, vector<16xi1>
              tpu.vector_store %arg28[%swap3A_502], %div3A_480 masked %and3A_466 {strides = array<i32>} : memref<1536xf32, #tpu.memory_space<vmem>>, vector<16xf32>, vector<16xi1>
              %swap3A_504 = arith.index_cast %add3A_469 : i32 to index
              %swap3A_505 = tpu.vector_load %arg29[%swap3A_504] masked %and3A_466 {strides = array<i32>} : memref<1536xf32, #tpu.memory_space<vmem>>, vector<16xf32>, vector<16xi1>
              tpu.vector_store %arg29[%swap3A_504], %div3A_487 masked %and3A_466 {strides = array<i32>} : memref<1536xf32, #tpu.memory_space<vmem>>, vector<16xf32>, vector<16xi1>
              %swap3A_506 = arith.index_cast %add3A_469 : i32 to index
              %swap3A_507 = tpu.vector_load %arg30[%swap3A_506] masked %and3A_466 {strides = array<i32>} : memref<1536xf32, #tpu.memory_space<vmem>>, vector<16xf32>, vector<16xi1>
              tpu.vector_store %arg30[%swap3A_506], %div3A_494 masked %and3A_466 {strides = array<i32>} : memref<1536xf32, #tpu.memory_space<vmem>>, vector<16xf32>, vector<16xi1>
              %swap3A_508 = arith.index_cast %add3A_469 : i32 to index
              %swap3A_509 = tpu.vector_load %arg31[%swap3A_508] masked %and3A_466 {strides = array<i32>} : memref<1536xf32, #tpu.memory_space<vmem>>, vector<16xf32>, vector<16xi1>
              tpu.vector_store %arg31[%swap3A_508], %div3A_501 masked %and3A_466 {strides = array<i32>} : memref<1536xf32, #tpu.memory_space<vmem>>, vector<16xf32>, vector<16xi1>
              %add3A_510 = arith.addi %cond3A_451, %squeeze3A_458 : i32
              %select_n3A = arith.select %le3A_465, %add3A_510, %cond3A_451 : i32
              scf.yield %select_n3A : i32
            } else {
              scf.yield %cond3A_451 : i32
            }
            scf.yield %cond3A_464 : i32
          } else {
            scf.yield %scan3A_232 : i32
          }
          scf.yield %cond3A_412 : i32
        }
        %scan3A_229 = arith.constant 80 : i32
        %scan3A_230 = arith.constant 0 : i32
        scf.yield %scan3A_230 : i32
      }
      %scan3A_20 = arith.constant 16 : i32
      %mul3A_21 = arith.constant 96 : i32
      %mul3A_22 = arith.muli %add3A_13, %mul3A_21 : i32
      "tpu.region"() ({
        %run_scoped3A = tpu.sem_alloc : memref<!tpu.dma_semaphore, #tpu.memory_space<semaphore_mem>>
        %dma_start3A = tpu.memref_slice %arg11[%mul3A_22] : memref<491520xi32, #tpu.memory_space<hbm>> -> memref<1536xi32, #tpu.memory_space<hbm>>
        %dma_start3A_24 = tpu.memref_slice %arg11[%mul3A_22] : memref<491520xi32, #tpu.memory_space<hbm>> -> memref<1536xi32, #tpu.memory_space<hbm>>
        tpu.enqueue_dma source(%arg26 : memref<1536xi32, #tpu.memory_space<vmem>>) target(%dma_start3A_24 : memref<1536xi32, #tpu.memory_space<hbm>>) target_semaphore(%run_scoped3A : memref<!tpu.dma_semaphore, #tpu.memory_space<semaphore_mem>>)
        %dma_wait3A = tpu.memref_slice %arg11[%mul3A_22] : memref<491520xi32, #tpu.memory_space<hbm>> -> memref<1536xi32, #tpu.memory_space<hbm>>
        %dma_wait3A_25 = tpu.memref_slice %arg11[%mul3A_22] : memref<491520xi32, #tpu.memory_space<hbm>> -> memref<1536xi32, #tpu.memory_space<hbm>>
        tpu.wait_dma2 semaphore(%run_scoped3A : memref<!tpu.dma_semaphore, #tpu.memory_space<semaphore_mem>>) src(%arg26 : memref<1536xi32, #tpu.memory_space<vmem>>) dst(%dma_wait3A_25 : memref<1536xi32, #tpu.memory_space<hbm>>)
        tpu.yield
      }) : () -> ()
      "tpu.region"() ({
        %run_scoped3A = tpu.sem_alloc : memref<!tpu.dma_semaphore, #tpu.memory_space<semaphore_mem>>
        %dma_start3A = tpu.memref_slice %arg12[%mul3A_22] : memref<491520xf32, #tpu.memory_space<hbm>> -> memref<1536xf32, #tpu.memory_space<hbm>>
        %dma_start3A_24 = tpu.memref_slice %arg12[%mul3A_22] : memref<491520xf32, #tpu.memory_space<hbm>> -> memref<1536xf32, #tpu.memory_space<hbm>>
        tpu.enqueue_dma source(%arg27 : memref<1536xf32, #tpu.memory_space<vmem>>) target(%dma_start3A_24 : memref<1536xf32, #tpu.memory_space<hbm>>) target_semaphore(%run_scoped3A : memref<!tpu.dma_semaphore, #tpu.memory_space<semaphore_mem>>)
        %dma_wait3A = tpu.memref_slice %arg12[%mul3A_22] : memref<491520xf32, #tpu.memory_space<hbm>> -> memref<1536xf32, #tpu.memory_space<hbm>>
        %dma_wait3A_25 = tpu.memref_slice %arg12[%mul3A_22] : memref<491520xf32, #tpu.memory_space<hbm>> -> memref<1536xf32, #tpu.memory_space<hbm>>
        tpu.wait_dma2 semaphore(%run_scoped3A : memref<!tpu.dma_semaphore, #tpu.memory_space<semaphore_mem>>) src(%arg27 : memref<1536xf32, #tpu.memory_space<vmem>>) dst(%dma_wait3A_25 : memref<1536xf32, #tpu.memory_space<hbm>>)
        tpu.yield
      }) : () -> ()
      "tpu.region"() ({
        %run_scoped3A = tpu.sem_alloc : memref<!tpu.dma_semaphore, #tpu.memory_space<semaphore_mem>>
        %dma_start3A = tpu.memref_slice %arg13[%mul3A_22] : memref<491520xf32, #tpu.memory_space<hbm>> -> memref<1536xf32, #tpu.memory_space<hbm>>
        %dma_start3A_24 = tpu.memref_slice %arg13[%mul3A_22] : memref<491520xf32, #tpu.memory_space<hbm>> -> memref<1536xf32, #tpu.memory_space<hbm>>
        tpu.enqueue_dma source(%arg28 : memref<1536xf32, #tpu.memory_space<vmem>>) target(%dma_start3A_24 : memref<1536xf32, #tpu.memory_space<hbm>>) target_semaphore(%run_scoped3A : memref<!tpu.dma_semaphore, #tpu.memory_space<semaphore_mem>>)
        %dma_wait3A = tpu.memref_slice %arg13[%mul3A_22] : memref<491520xf32, #tpu.memory_space<hbm>> -> memref<1536xf32, #tpu.memory_space<hbm>>
        %dma_wait3A_25 = tpu.memref_slice %arg13[%mul3A_22] : memref<491520xf32, #tpu.memory_space<hbm>> -> memref<1536xf32, #tpu.memory_space<hbm>>
        tpu.wait_dma2 semaphore(%run_scoped3A : memref<!tpu.dma_semaphore, #tpu.memory_space<semaphore_mem>>) src(%arg28 : memref<1536xf32, #tpu.memory_space<vmem>>) dst(%dma_wait3A_25 : memref<1536xf32, #tpu.memory_space<hbm>>)
        tpu.yield
      }) : () -> ()
      "tpu.region"() ({
        %run_scoped3A = tpu.sem_alloc : memref<!tpu.dma_semaphore, #tpu.memory_space<semaphore_mem>>
        %dma_start3A = tpu.memref_slice %arg14[%mul3A_22] : memref<491520xf32, #tpu.memory_space<hbm>> -> memref<1536xf32, #tpu.memory_space<hbm>>
        %dma_start3A_24 = tpu.memref_slice %arg14[%mul3A_22] : memref<491520xf32, #tpu.memory_space<hbm>> -> memref<1536xf32, #tpu.memory_space<hbm>>
        tpu.enqueue_dma source(%arg29 : memref<1536xf32, #tpu.memory_space<vmem>>) target(%dma_start3A_24 : memref<1536xf32, #tpu.memory_space<hbm>>) target_semaphore(%run_scoped3A : memref<!tpu.dma_semaphore, #tpu.memory_space<semaphore_mem>>)
        %dma_wait3A = tpu.memref_slice %arg14[%mul3A_22] : memref<491520xf32, #tpu.memory_space<hbm>> -> memref<1536xf32, #tpu.memory_space<hbm>>
        %dma_wait3A_25 = tpu.memref_slice %arg14[%mul3A_22] : memref<491520xf32, #tpu.memory_space<hbm>> -> memref<1536xf32, #tpu.memory_space<hbm>>
        tpu.wait_dma2 semaphore(%run_scoped3A : memref<!tpu.dma_semaphore, #tpu.memory_space<semaphore_mem>>) src(%arg29 : memref<1536xf32, #tpu.memory_space<vmem>>) dst(%dma_wait3A_25 : memref<1536xf32, #tpu.memory_space<hbm>>)
        tpu.yield
      }) : () -> ()
      "tpu.region"() ({
        %run_scoped3A = tpu.sem_alloc : memref<!tpu.dma_semaphore, #tpu.memory_space<semaphore_mem>>
        %dma_start3A = tpu.memref_slice %arg15[%mul3A_22] : memref<491520xf32, #tpu.memory_space<hbm>> -> memref<1536xf32, #tpu.memory_space<hbm>>
        %dma_start3A_24 = tpu.memref_slice %arg15[%mul3A_22] : memref<491520xf32, #tpu.memory_space<hbm>> -> memref<1536xf32, #tpu.memory_space<hbm>>
        tpu.enqueue_dma source(%arg30 : memref<1536xf32, #tpu.memory_space<vmem>>) target(%dma_start3A_24 : memref<1536xf32, #tpu.memory_space<hbm>>) target_semaphore(%run_scoped3A : memref<!tpu.dma_semaphore, #tpu.memory_space<semaphore_mem>>)
        %dma_wait3A = tpu.memref_slice %arg15[%mul3A_22] : memref<491520xf32, #tpu.memory_space<hbm>> -> memref<1536xf32, #tpu.memory_space<hbm>>
        %dma_wait3A_25 = tpu.memref_slice %arg15[%mul3A_22] : memref<491520xf32, #tpu.memory_space<hbm>> -> memref<1536xf32, #tpu.memory_space<hbm>>
        tpu.wait_dma2 semaphore(%run_scoped3A : memref<!tpu.dma_semaphore, #tpu.memory_space<semaphore_mem>>) src(%arg30 : memref<1536xf32, #tpu.memory_space<vmem>>) dst(%dma_wait3A_25 : memref<1536xf32, #tpu.memory_space<hbm>>)
        tpu.yield
      }) : () -> ()
      "tpu.region"() ({
        %run_scoped3A = tpu.sem_alloc : memref<!tpu.dma_semaphore, #tpu.memory_space<semaphore_mem>>
        %dma_start3A = tpu.memref_slice %arg16[%mul3A_22] : memref<491520xf32, #tpu.memory_space<hbm>> -> memref<1536xf32, #tpu.memory_space<hbm>>
        %dma_start3A_24 = tpu.memref_slice %arg16[%mul3A_22] : memref<491520xf32, #tpu.memory_space<hbm>> -> memref<1536xf32, #tpu.memory_space<hbm>>
        tpu.enqueue_dma source(%arg31 : memref<1536xf32, #tpu.memory_space<vmem>>) target(%dma_start3A_24 : memref<1536xf32, #tpu.memory_space<hbm>>) target_semaphore(%run_scoped3A : memref<!tpu.dma_semaphore, #tpu.memory_space<semaphore_mem>>)
        %dma_wait3A = tpu.memref_slice %arg16[%mul3A_22] : memref<491520xf32, #tpu.memory_space<hbm>> -> memref<1536xf32, #tpu.memory_space<hbm>>
        %dma_wait3A_25 = tpu.memref_slice %arg16[%mul3A_22] : memref<491520xf32, #tpu.memory_space<hbm>> -> memref<1536xf32, #tpu.memory_space<hbm>>
        tpu.wait_dma2 semaphore(%run_scoped3A : memref<!tpu.dma_semaphore, #tpu.memory_space<semaphore_mem>>) src(%arg31 : memref<1536xf32, #tpu.memory_space<vmem>>) dst(%dma_wait3A_25 : memref<1536xf32, #tpu.memory_space<hbm>>)
        tpu.yield
      }) : () -> ()
      %scan3A_23 = arith.constant 0 : i32
      scf.yield %scan3A_23 : i32
    }
    %scan3A_6 = arith.constant 10 : i32
    return
  }
}

#map = affine_map<(d0, d1) -> (0, 0)>
#map1 = affine_map<(d0, d1) -> (0)>
module attributes {stable_mosaic.version = 14 : i64} {
  func.func @body(%arg0: i32, %arg1: i32, %arg2: memref<5120x64xf32, #tpu.memory_space<hbm>>, %arg3: memref<491520xi32, #tpu.memory_space<hbm>>, %arg4: memref<491520x64xf32, #tpu.memory_space<hbm>>, %arg5: memref<768xi32, #tpu.memory_space<vmem>>, %arg6: memref<768xi32, #tpu.memory_space<vmem>>, %arg7: memref<768x64xf32, #tpu.memory_space<vmem>>, %arg8: memref<768x64xf32, #tpu.memory_space<vmem>>, %arg9: memref<!tpu.dma_semaphore, #tpu.memory_space<semaphore_mem>>, %arg10: memref<!tpu.dma_semaphore, #tpu.memory_space<semaphore_mem>>, %arg11: memref<!tpu.dma_semaphore, #tpu.memory_space<semaphore_mem>>, %arg12: memref<!tpu.dma_semaphore, #tpu.memory_space<semaphore_mem>>, %arg13: memref<!tpu.dma_semaphore, #tpu.memory_space<semaphore_mem>>) attributes {dimension_semantics = [#tpu.dimension_semantics<core_parallel>, #tpu.dimension_semantics<subcore_parallel>], iteration_bounds = array<i64: 2, 16>, scalar_prefetch = 0 : i64, scratch_operands = 9 : i64, tpu.core_type = #tpu.core_type<sc_vector_subcore>, window_params = [{transform_indices = #map}, {transform_indices = #map1}, {transform_indices = #map}]} {
    %mul3A = arith.constant 2 : i32
    %mul3A_0 = arith.muli %arg1, %mul3A : i32
    %add3A = arith.addi %mul3A_0, %arg0 : i32
    %mul3A_1 = arith.constant 15360 : i32
    %mul3A_2 = arith.muli %add3A, %mul3A_1 : i32
    %add3A_3 = arith.constant 0 : i32
    %add3A_4 = arith.addi %mul3A_2, %add3A_3 : i32
    %dma_start3A = tpu.memref_slice %arg3[%add3A_4] : memref<491520xi32, #tpu.memory_space<hbm>> -> memref<768xi32, #tpu.memory_space<hbm>>
    %dma_start3A_5 = tpu.memref_slice %arg3[%add3A_4] : memref<491520xi32, #tpu.memory_space<hbm>> -> memref<768xi32, #tpu.memory_space<hbm>>
    tpu.enqueue_dma source(%dma_start3A_5 : memref<768xi32, #tpu.memory_space<hbm>>) target(%arg5 : memref<768xi32, #tpu.memory_space<vmem>>) target_semaphore(%arg12 : memref<!tpu.dma_semaphore, #tpu.memory_space<semaphore_mem>>)
    %add3A_6 = arith.constant 768 : i32
    %add3A_7 = arith.addi %mul3A_2, %add3A_6 : i32
    %dma_start3A_8 = tpu.memref_slice %arg3[%add3A_7] : memref<491520xi32, #tpu.memory_space<hbm>> -> memref<768xi32, #tpu.memory_space<hbm>>
    %dma_start3A_9 = tpu.memref_slice %arg3[%add3A_7] : memref<491520xi32, #tpu.memory_space<hbm>> -> memref<768xi32, #tpu.memory_space<hbm>>
    tpu.enqueue_dma source(%dma_start3A_9 : memref<768xi32, #tpu.memory_space<hbm>>) target(%arg6 : memref<768xi32, #tpu.memory_space<vmem>>) target_semaphore(%arg13 : memref<!tpu.dma_semaphore, #tpu.memory_space<semaphore_mem>>)
    %add3A_10 = arith.constant 0 : i32
    %add3A_11 = arith.addi %mul3A_2, %add3A_10 : i32
    %dma_wait3A = tpu.memref_slice %arg3[%mul3A_2] : memref<491520xi32, #tpu.memory_space<hbm>> -> memref<768xi32, #tpu.memory_space<hbm>>
    %dma_wait3A_12 = tpu.memref_slice %arg3[%mul3A_2] : memref<491520xi32, #tpu.memory_space<hbm>> -> memref<768xi32, #tpu.memory_space<hbm>>
    tpu.wait_dma2 semaphore(%arg12 : memref<!tpu.dma_semaphore, #tpu.memory_space<semaphore_mem>>) src(%dma_wait3A_12 : memref<768xi32, #tpu.memory_space<hbm>>) dst(%arg5 : memref<768xi32, #tpu.memory_space<vmem>>)
    %dma_start3A_13 = arith.constant 0 : i32
    %dma_start3A_14 = arith.constant 0 : i32
    %dma_start3A_15 = tpu.memref_slice %arg2[%dma_start3A_13, %dma_start3A_14] : memref<5120x64xf32, #tpu.memory_space<hbm>> -> memref<5120x64xf32, #tpu.memory_space<hbm>>
    tpu.enqueue_indirect_dma source(%dma_start3A_15 : memref<5120x64xf32, #tpu.memory_space<hbm>>) target(%arg7 : memref<768x64xf32, #tpu.memory_space<vmem>>) offsets(%arg5 : memref<768xi32, #tpu.memory_space<vmem>>) semaphore(%arg9 : memref<!tpu.dma_semaphore, #tpu.memory_space<semaphore_mem>>)
    %dma_wait3A_16 = arith.constant 0 : i32
    %dma_wait3A_17 = arith.constant 0 : i32
    %dma_wait3A_18 = tpu.memref_slice %arg2[%dma_wait3A_16, %dma_wait3A_17] : memref<5120x64xf32, #tpu.memory_space<hbm>> -> memref<5120x64xf32, #tpu.memory_space<hbm>>
    tpu.wait_indirect_dma semaphore(%arg9 : memref<!tpu.dma_semaphore, #tpu.memory_space<semaphore_mem>>) src(%dma_wait3A_18 : memref<5120x64xf32, #tpu.memory_space<hbm>>) dst(%arg7 : memref<768x64xf32, #tpu.memory_space<vmem>>)
    %add3A_19 = arith.constant 1536 : i32
    %add3A_20 = arith.addi %add3A_11, %add3A_19 : i32
    %min3A = arith.constant 490752 : i32
    %min3A_21 = arith.minsi %add3A_20, %min3A : i32
    %dma_start3A_22 = tpu.memref_slice %arg3[%min3A_21] : memref<491520xi32, #tpu.memory_space<hbm>> -> memref<768xi32, #tpu.memory_space<hbm>>
    %dma_start3A_23 = tpu.memref_slice %arg3[%min3A_21] : memref<491520xi32, #tpu.memory_space<hbm>> -> memref<768xi32, #tpu.memory_space<hbm>>
    tpu.enqueue_dma source(%dma_start3A_23 : memref<768xi32, #tpu.memory_space<hbm>>) target(%arg5 : memref<768xi32, #tpu.memory_space<vmem>>) target_semaphore(%arg12 : memref<!tpu.dma_semaphore, #tpu.memory_space<semaphore_mem>>)
    %dma_start3A_24 = arith.constant 0 : i32
    %dma_start3A_25 = tpu.memref_slice %arg4[%add3A_11, %dma_start3A_24] : memref<491520x64xf32, #tpu.memory_space<hbm>> -> memref<768x64xf32, #tpu.memory_space<hbm>>
    %dma_start3A_26 = arith.constant 0 : i32
    %dma_start3A_27 = tpu.memref_slice %arg4[%add3A_11, %dma_start3A_26] : memref<491520x64xf32, #tpu.memory_space<hbm>> -> memref<768x64xf32, #tpu.memory_space<hbm>>
    tpu.enqueue_dma source(%arg7 : memref<768x64xf32, #tpu.memory_space<vmem>>) target(%dma_start3A_27 : memref<768x64xf32, #tpu.memory_space<hbm>>) target_semaphore(%arg10 : memref<!tpu.dma_semaphore, #tpu.memory_space<semaphore_mem>>)
    %add3A_28 = arith.constant 768 : i32
    %add3A_29 = arith.addi %mul3A_2, %add3A_28 : i32
    %dma_wait3A_30 = tpu.memref_slice %arg3[%mul3A_2] : memref<491520xi32, #tpu.memory_space<hbm>> -> memref<768xi32, #tpu.memory_space<hbm>>
    %dma_wait3A_31 = tpu.memref_slice %arg3[%mul3A_2] : memref<491520xi32, #tpu.memory_space<hbm>> -> memref<768xi32, #tpu.memory_space<hbm>>
    tpu.wait_dma2 semaphore(%arg13 : memref<!tpu.dma_semaphore, #tpu.memory_space<semaphore_mem>>) src(%dma_wait3A_31 : memref<768xi32, #tpu.memory_space<hbm>>) dst(%arg6 : memref<768xi32, #tpu.memory_space<vmem>>)
    %dma_start3A_32 = arith.constant 0 : i32
    %dma_start3A_33 = arith.constant 0 : i32
    %dma_start3A_34 = tpu.memref_slice %arg2[%dma_start3A_32, %dma_start3A_33] : memref<5120x64xf32, #tpu.memory_space<hbm>> -> memref<5120x64xf32, #tpu.memory_space<hbm>>
    tpu.enqueue_indirect_dma source(%dma_start3A_34 : memref<5120x64xf32, #tpu.memory_space<hbm>>) target(%arg8 : memref<768x64xf32, #tpu.memory_space<vmem>>) offsets(%arg6 : memref<768xi32, #tpu.memory_space<vmem>>) semaphore(%arg9 : memref<!tpu.dma_semaphore, #tpu.memory_space<semaphore_mem>>)
    %dma_wait3A_35 = arith.constant 0 : i32
    %dma_wait3A_36 = arith.constant 0 : i32
    %dma_wait3A_37 = tpu.memref_slice %arg2[%dma_wait3A_35, %dma_wait3A_36] : memref<5120x64xf32, #tpu.memory_space<hbm>> -> memref<5120x64xf32, #tpu.memory_space<hbm>>
    tpu.wait_indirect_dma semaphore(%arg9 : memref<!tpu.dma_semaphore, #tpu.memory_space<semaphore_mem>>) src(%dma_wait3A_37 : memref<5120x64xf32, #tpu.memory_space<hbm>>) dst(%arg8 : memref<768x64xf32, #tpu.memory_space<vmem>>)
    %add3A_38 = arith.constant 1536 : i32
    %add3A_39 = arith.addi %add3A_29, %add3A_38 : i32
    %min3A_40 = arith.constant 490752 : i32
    %min3A_41 = arith.minsi %add3A_39, %min3A_40 : i32
    %dma_start3A_42 = tpu.memref_slice %arg3[%min3A_41] : memref<491520xi32, #tpu.memory_space<hbm>> -> memref<768xi32, #tpu.memory_space<hbm>>
    %dma_start3A_43 = tpu.memref_slice %arg3[%min3A_41] : memref<491520xi32, #tpu.memory_space<hbm>> -> memref<768xi32, #tpu.memory_space<hbm>>
    tpu.enqueue_dma source(%dma_start3A_43 : memref<768xi32, #tpu.memory_space<hbm>>) target(%arg6 : memref<768xi32, #tpu.memory_space<vmem>>) target_semaphore(%arg13 : memref<!tpu.dma_semaphore, #tpu.memory_space<semaphore_mem>>)
    %dma_start3A_44 = arith.constant 0 : i32
    %dma_start3A_45 = tpu.memref_slice %arg4[%add3A_29, %dma_start3A_44] : memref<491520x64xf32, #tpu.memory_space<hbm>> -> memref<768x64xf32, #tpu.memory_space<hbm>>
    %dma_start3A_46 = arith.constant 0 : i32
    %dma_start3A_47 = tpu.memref_slice %arg4[%add3A_29, %dma_start3A_46] : memref<491520x64xf32, #tpu.memory_space<hbm>> -> memref<768x64xf32, #tpu.memory_space<hbm>>
    tpu.enqueue_dma source(%arg8 : memref<768x64xf32, #tpu.memory_space<vmem>>) target(%dma_start3A_47 : memref<768x64xf32, #tpu.memory_space<hbm>>) target_semaphore(%arg11 : memref<!tpu.dma_semaphore, #tpu.memory_space<semaphore_mem>>)
    %scan3A = arith.constant 0 : i32
    %scan3A_48 = arith.constant 1 : i32
    %scan3A_49 = arith.constant 9 : i32
    %scan3A_50 = arith.addi %scan3A_48, %scan3A_49 : i32
    %scan3A_51 = arith.constant 1 : i32
    %scan3A_52 = scf.for %scan3A_66 = %scan3A_48 to %scan3A_50 step %scan3A_51 iter_args(%scan3A_67 = %scan3A) -> (i32)  : i32 {
      %mul3A_68 = arith.constant 2 : i32
      %mul3A_69 = arith.muli %scan3A_66, %mul3A_68 : i32
      %add3A_70 = arith.constant 0 : i32
      %add3A_71 = arith.addi %mul3A_69, %add3A_70 : i32
      %mul3A_72 = arith.constant 768 : i32
      %mul3A_73 = arith.muli %add3A_71, %mul3A_72 : i32
      %add3A_74 = arith.addi %mul3A_2, %mul3A_73 : i32
      %dma_wait3A_75 = tpu.memref_slice %arg3[%mul3A_2] : memref<491520xi32, #tpu.memory_space<hbm>> -> memref<768xi32, #tpu.memory_space<hbm>>
      %dma_wait3A_76 = tpu.memref_slice %arg3[%mul3A_2] : memref<491520xi32, #tpu.memory_space<hbm>> -> memref<768xi32, #tpu.memory_space<hbm>>
      tpu.wait_dma2 semaphore(%arg12 : memref<!tpu.dma_semaphore, #tpu.memory_space<semaphore_mem>>) src(%dma_wait3A_76 : memref<768xi32, #tpu.memory_space<hbm>>) dst(%arg5 : memref<768xi32, #tpu.memory_space<vmem>>)
      %dma_wait3A_77 = arith.constant 0 : i32
      %dma_wait3A_78 = tpu.memref_slice %arg4[%add3A_74, %dma_wait3A_77] : memref<491520x64xf32, #tpu.memory_space<hbm>> -> memref<768x64xf32, #tpu.memory_space<hbm>>
      %dma_wait3A_79 = arith.constant 0 : i32
      %dma_wait3A_80 = tpu.memref_slice %arg4[%add3A_74, %dma_wait3A_79] : memref<491520x64xf32, #tpu.memory_space<hbm>> -> memref<768x64xf32, #tpu.memory_space<hbm>>
      tpu.wait_dma2 semaphore(%arg10 : memref<!tpu.dma_semaphore, #tpu.memory_space<semaphore_mem>>) src(%arg7 : memref<768x64xf32, #tpu.memory_space<vmem>>) dst(%dma_wait3A_80 : memref<768x64xf32, #tpu.memory_space<hbm>>)
      %dma_start3A_81 = arith.constant 0 : i32
      %dma_start3A_82 = arith.constant 0 : i32
      %dma_start3A_83 = tpu.memref_slice %arg2[%dma_start3A_81, %dma_start3A_82] : memref<5120x64xf32, #tpu.memory_space<hbm>> -> memref<5120x64xf32, #tpu.memory_space<hbm>>
      tpu.enqueue_indirect_dma source(%dma_start3A_83 : memref<5120x64xf32, #tpu.memory_space<hbm>>) target(%arg7 : memref<768x64xf32, #tpu.memory_space<vmem>>) offsets(%arg5 : memref<768xi32, #tpu.memory_space<vmem>>) semaphore(%arg9 : memref<!tpu.dma_semaphore, #tpu.memory_space<semaphore_mem>>)
      %dma_wait3A_84 = arith.constant 0 : i32
      %dma_wait3A_85 = arith.constant 0 : i32
      %dma_wait3A_86 = tpu.memref_slice %arg2[%dma_wait3A_84, %dma_wait3A_85] : memref<5120x64xf32, #tpu.memory_space<hbm>> -> memref<5120x64xf32, #tpu.memory_space<hbm>>
      tpu.wait_indirect_dma semaphore(%arg9 : memref<!tpu.dma_semaphore, #tpu.memory_space<semaphore_mem>>) src(%dma_wait3A_86 : memref<5120x64xf32, #tpu.memory_space<hbm>>) dst(%arg7 : memref<768x64xf32, #tpu.memory_space<vmem>>)
      %add3A_87 = arith.constant 1536 : i32
      %add3A_88 = arith.addi %add3A_74, %add3A_87 : i32
      %min3A_89 = arith.constant 490752 : i32
      %min3A_90 = arith.minsi %add3A_88, %min3A_89 : i32
      %dma_start3A_91 = tpu.memref_slice %arg3[%min3A_90] : memref<491520xi32, #tpu.memory_space<hbm>> -> memref<768xi32, #tpu.memory_space<hbm>>
      %dma_start3A_92 = tpu.memref_slice %arg3[%min3A_90] : memref<491520xi32, #tpu.memory_space<hbm>> -> memref<768xi32, #tpu.memory_space<hbm>>
      tpu.enqueue_dma source(%dma_start3A_92 : memref<768xi32, #tpu.memory_space<hbm>>) target(%arg5 : memref<768xi32, #tpu.memory_space<vmem>>) target_semaphore(%arg12 : memref<!tpu.dma_semaphore, #tpu.memory_space<semaphore_mem>>)
      %dma_start3A_93 = arith.constant 0 : i32
      %dma_start3A_94 = tpu.memref_slice %arg4[%add3A_74, %dma_start3A_93] : memref<491520x64xf32, #tpu.memory_space<hbm>> -> memref<768x64xf32, #tpu.memory_space<hbm>>
      %dma_start3A_95 = arith.constant 0 : i32
      %dma_start3A_96 = tpu.memref_slice %arg4[%add3A_74, %dma_start3A_95] : memref<491520x64xf32, #tpu.memory_space<hbm>> -> memref<768x64xf32, #tpu.memory_space<hbm>>
      tpu.enqueue_dma source(%arg7 : memref<768x64xf32, #tpu.memory_space<vmem>>) target(%dma_start3A_96 : memref<768x64xf32, #tpu.memory_space<hbm>>) target_semaphore(%arg10 : memref<!tpu.dma_semaphore, #tpu.memory_space<semaphore_mem>>)
      %add3A_97 = arith.constant 1 : i32
      %add3A_98 = arith.addi %mul3A_69, %add3A_97 : i32
      %mul3A_99 = arith.constant 768 : i32
      %mul3A_100 = arith.muli %add3A_98, %mul3A_99 : i32
      %add3A_101 = arith.addi %mul3A_2, %mul3A_100 : i32
      %dma_wait3A_102 = tpu.memref_slice %arg3[%mul3A_2] : memref<491520xi32, #tpu.memory_space<hbm>> -> memref<768xi32, #tpu.memory_space<hbm>>
      %dma_wait3A_103 = tpu.memref_slice %arg3[%mul3A_2] : memref<491520xi32, #tpu.memory_space<hbm>> -> memref<768xi32, #tpu.memory_space<hbm>>
      tpu.wait_dma2 semaphore(%arg13 : memref<!tpu.dma_semaphore, #tpu.memory_space<semaphore_mem>>) src(%dma_wait3A_103 : memref<768xi32, #tpu.memory_space<hbm>>) dst(%arg6 : memref<768xi32, #tpu.memory_space<vmem>>)
      %dma_wait3A_104 = arith.constant 0 : i32
      %dma_wait3A_105 = tpu.memref_slice %arg4[%add3A_101, %dma_wait3A_104] : memref<491520x64xf32, #tpu.memory_space<hbm>> -> memref<768x64xf32, #tpu.memory_space<hbm>>
      %dma_wait3A_106 = arith.constant 0 : i32
      %dma_wait3A_107 = tpu.memref_slice %arg4[%add3A_101, %dma_wait3A_106] : memref<491520x64xf32, #tpu.memory_space<hbm>> -> memref<768x64xf32, #tpu.memory_space<hbm>>
      tpu.wait_dma2 semaphore(%arg11 : memref<!tpu.dma_semaphore, #tpu.memory_space<semaphore_mem>>) src(%arg8 : memref<768x64xf32, #tpu.memory_space<vmem>>) dst(%dma_wait3A_107 : memref<768x64xf32, #tpu.memory_space<hbm>>)
      %dma_start3A_108 = arith.constant 0 : i32
      %dma_start3A_109 = arith.constant 0 : i32
      %dma_start3A_110 = tpu.memref_slice %arg2[%dma_start3A_108, %dma_start3A_109] : memref<5120x64xf32, #tpu.memory_space<hbm>> -> memref<5120x64xf32, #tpu.memory_space<hbm>>
      tpu.enqueue_indirect_dma source(%dma_start3A_110 : memref<5120x64xf32, #tpu.memory_space<hbm>>) target(%arg8 : memref<768x64xf32, #tpu.memory_space<vmem>>) offsets(%arg6 : memref<768xi32, #tpu.memory_space<vmem>>) semaphore(%arg9 : memref<!tpu.dma_semaphore, #tpu.memory_space<semaphore_mem>>)
      %dma_wait3A_111 = arith.constant 0 : i32
      %dma_wait3A_112 = arith.constant 0 : i32
      %dma_wait3A_113 = tpu.memref_slice %arg2[%dma_wait3A_111, %dma_wait3A_112] : memref<5120x64xf32, #tpu.memory_space<hbm>> -> memref<5120x64xf32, #tpu.memory_space<hbm>>
      tpu.wait_indirect_dma semaphore(%arg9 : memref<!tpu.dma_semaphore, #tpu.memory_space<semaphore_mem>>) src(%dma_wait3A_113 : memref<5120x64xf32, #tpu.memory_space<hbm>>) dst(%arg8 : memref<768x64xf32, #tpu.memory_space<vmem>>)
      %add3A_114 = arith.constant 1536 : i32
      %add3A_115 = arith.addi %add3A_101, %add3A_114 : i32
      %min3A_116 = arith.constant 490752 : i32
      %min3A_117 = arith.minsi %add3A_115, %min3A_116 : i32
      %dma_start3A_118 = tpu.memref_slice %arg3[%min3A_117] : memref<491520xi32, #tpu.memory_space<hbm>> -> memref<768xi32, #tpu.memory_space<hbm>>
      %dma_start3A_119 = tpu.memref_slice %arg3[%min3A_117] : memref<491520xi32, #tpu.memory_space<hbm>> -> memref<768xi32, #tpu.memory_space<hbm>>
      tpu.enqueue_dma source(%dma_start3A_119 : memref<768xi32, #tpu.memory_space<hbm>>) target(%arg6 : memref<768xi32, #tpu.memory_space<vmem>>) target_semaphore(%arg13 : memref<!tpu.dma_semaphore, #tpu.memory_space<semaphore_mem>>)
      %dma_start3A_120 = arith.constant 0 : i32
      %dma_start3A_121 = tpu.memref_slice %arg4[%add3A_101, %dma_start3A_120] : memref<491520x64xf32, #tpu.memory_space<hbm>> -> memref<768x64xf32, #tpu.memory_space<hbm>>
      %dma_start3A_122 = arith.constant 0 : i32
      %dma_start3A_123 = tpu.memref_slice %arg4[%add3A_101, %dma_start3A_122] : memref<491520x64xf32, #tpu.memory_space<hbm>> -> memref<768x64xf32, #tpu.memory_space<hbm>>
      tpu.enqueue_dma source(%arg8 : memref<768x64xf32, #tpu.memory_space<vmem>>) target(%dma_start3A_123 : memref<768x64xf32, #tpu.memory_space<hbm>>) target_semaphore(%arg11 : memref<!tpu.dma_semaphore, #tpu.memory_space<semaphore_mem>>)
      %scan3A_124 = arith.constant 0 : i32
      scf.yield %scan3A_124 : i32
    }
    %scan3A_53 = arith.constant 9 : i32
    %dma_wait3A_54 = arith.constant 0 : i32
    %dma_wait3A_55 = tpu.memref_slice %arg4[%mul3A_2, %dma_wait3A_54] : memref<491520x64xf32, #tpu.memory_space<hbm>> -> memref<768x64xf32, #tpu.memory_space<hbm>>
    %dma_wait3A_56 = arith.constant 0 : i32
    %dma_wait3A_57 = tpu.memref_slice %arg4[%mul3A_2, %dma_wait3A_56] : memref<491520x64xf32, #tpu.memory_space<hbm>> -> memref<768x64xf32, #tpu.memory_space<hbm>>
    tpu.wait_dma2 semaphore(%arg10 : memref<!tpu.dma_semaphore, #tpu.memory_space<semaphore_mem>>) src(%arg7 : memref<768x64xf32, #tpu.memory_space<vmem>>) dst(%dma_wait3A_57 : memref<768x64xf32, #tpu.memory_space<hbm>>)
    %dma_wait3A_58 = tpu.memref_slice %arg3[%mul3A_2] : memref<491520xi32, #tpu.memory_space<hbm>> -> memref<768xi32, #tpu.memory_space<hbm>>
    %dma_wait3A_59 = tpu.memref_slice %arg3[%mul3A_2] : memref<491520xi32, #tpu.memory_space<hbm>> -> memref<768xi32, #tpu.memory_space<hbm>>
    tpu.wait_dma2 semaphore(%arg12 : memref<!tpu.dma_semaphore, #tpu.memory_space<semaphore_mem>>) src(%dma_wait3A_59 : memref<768xi32, #tpu.memory_space<hbm>>) dst(%arg5 : memref<768xi32, #tpu.memory_space<vmem>>)
    %dma_wait3A_60 = arith.constant 0 : i32
    %dma_wait3A_61 = tpu.memref_slice %arg4[%mul3A_2, %dma_wait3A_60] : memref<491520x64xf32, #tpu.memory_space<hbm>> -> memref<768x64xf32, #tpu.memory_space<hbm>>
    %dma_wait3A_62 = arith.constant 0 : i32
    %dma_wait3A_63 = tpu.memref_slice %arg4[%mul3A_2, %dma_wait3A_62] : memref<491520x64xf32, #tpu.memory_space<hbm>> -> memref<768x64xf32, #tpu.memory_space<hbm>>
    tpu.wait_dma2 semaphore(%arg11 : memref<!tpu.dma_semaphore, #tpu.memory_space<semaphore_mem>>) src(%arg8 : memref<768x64xf32, #tpu.memory_space<vmem>>) dst(%dma_wait3A_63 : memref<768x64xf32, #tpu.memory_space<hbm>>)
    %dma_wait3A_64 = tpu.memref_slice %arg3[%mul3A_2] : memref<491520xi32, #tpu.memory_space<hbm>> -> memref<768xi32, #tpu.memory_space<hbm>>
    %dma_wait3A_65 = tpu.memref_slice %arg3[%mul3A_2] : memref<491520xi32, #tpu.memory_space<hbm>> -> memref<768xi32, #tpu.memory_space<hbm>>
    tpu.wait_dma2 semaphore(%arg13 : memref<!tpu.dma_semaphore, #tpu.memory_space<semaphore_mem>>) src(%dma_wait3A_65 : memref<768xi32, #tpu.memory_space<hbm>>) dst(%arg6 : memref<768xi32, #tpu.memory_space<vmem>>)
    return
  }
}

#map = affine_map<(d0, d1) -> (0, 0)>
#map1 = affine_map<(d0, d1) -> (0)>
module attributes {stable_mosaic.version = 14 : i64} {
  func.func @body(%arg0: i32, %arg1: i32, %arg2: memref<5120x64xf32, #tpu.memory_space<hbm>>, %arg3: memref<491520xi32, #tpu.memory_space<hbm>>, %arg4: memref<491520x64xf32, #tpu.memory_space<hbm>>, %arg5: memref<768xi32, #tpu.memory_space<vmem>>, %arg6: memref<768xi32, #tpu.memory_space<vmem>>, %arg7: memref<768x64xf32, #tpu.memory_space<vmem>>, %arg8: memref<768x64xf32, #tpu.memory_space<vmem>>, %arg9: memref<!tpu.dma_semaphore, #tpu.memory_space<semaphore_mem>>, %arg10: memref<!tpu.dma_semaphore, #tpu.memory_space<semaphore_mem>>, %arg11: memref<!tpu.dma_semaphore, #tpu.memory_space<semaphore_mem>>, %arg12: memref<!tpu.dma_semaphore, #tpu.memory_space<semaphore_mem>>, %arg13: memref<!tpu.dma_semaphore, #tpu.memory_space<semaphore_mem>>) attributes {dimension_semantics = [#tpu.dimension_semantics<core_parallel>, #tpu.dimension_semantics<subcore_parallel>], iteration_bounds = array<i64: 2, 16>, scalar_prefetch = 0 : i64, scratch_operands = 9 : i64, tpu.core_type = #tpu.core_type<sc_vector_subcore>, window_params = [{transform_indices = #map}, {transform_indices = #map1}, {transform_indices = #map}]} {
    %mul3A = arith.constant 2 : i32
    %mul3A_0 = arith.muli %arg1, %mul3A : i32
    %add3A = arith.addi %mul3A_0, %arg0 : i32
    %mul3A_1 = arith.constant 15360 : i32
    %mul3A_2 = arith.muli %add3A, %mul3A_1 : i32
    %add3A_3 = arith.constant 0 : i32
    %add3A_4 = arith.addi %mul3A_2, %add3A_3 : i32
    %dma_start3A = tpu.memref_slice %arg3[%add3A_4] : memref<491520xi32, #tpu.memory_space<hbm>> -> memref<768xi32, #tpu.memory_space<hbm>>
    %dma_start3A_5 = tpu.memref_slice %arg3[%add3A_4] : memref<491520xi32, #tpu.memory_space<hbm>> -> memref<768xi32, #tpu.memory_space<hbm>>
    tpu.enqueue_dma source(%dma_start3A_5 : memref<768xi32, #tpu.memory_space<hbm>>) target(%arg5 : memref<768xi32, #tpu.memory_space<vmem>>) target_semaphore(%arg12 : memref<!tpu.dma_semaphore, #tpu.memory_space<semaphore_mem>>)
    %add3A_6 = arith.constant 768 : i32
    %add3A_7 = arith.addi %mul3A_2, %add3A_6 : i32
    %dma_start3A_8 = tpu.memref_slice %arg3[%add3A_7] : memref<491520xi32, #tpu.memory_space<hbm>> -> memref<768xi32, #tpu.memory_space<hbm>>
    %dma_start3A_9 = tpu.memref_slice %arg3[%add3A_7] : memref<491520xi32, #tpu.memory_space<hbm>> -> memref<768xi32, #tpu.memory_space<hbm>>
    tpu.enqueue_dma source(%dma_start3A_9 : memref<768xi32, #tpu.memory_space<hbm>>) target(%arg6 : memref<768xi32, #tpu.memory_space<vmem>>) target_semaphore(%arg13 : memref<!tpu.dma_semaphore, #tpu.memory_space<semaphore_mem>>)
    %add3A_10 = arith.constant 0 : i32
    %add3A_11 = arith.addi %mul3A_2, %add3A_10 : i32
    %dma_wait3A = tpu.memref_slice %arg3[%mul3A_2] : memref<491520xi32, #tpu.memory_space<hbm>> -> memref<768xi32, #tpu.memory_space<hbm>>
    %dma_wait3A_12 = tpu.memref_slice %arg3[%mul3A_2] : memref<491520xi32, #tpu.memory_space<hbm>> -> memref<768xi32, #tpu.memory_space<hbm>>
    tpu.wait_dma2 semaphore(%arg12 : memref<!tpu.dma_semaphore, #tpu.memory_space<semaphore_mem>>) src(%dma_wait3A_12 : memref<768xi32, #tpu.memory_space<hbm>>) dst(%arg5 : memref<768xi32, #tpu.memory_space<vmem>>)
    %dma_start3A_13 = arith.constant 0 : i32
    %dma_start3A_14 = arith.constant 0 : i32
    %dma_start3A_15 = tpu.memref_slice %arg2[%dma_start3A_13, %dma_start3A_14] : memref<5120x64xf32, #tpu.memory_space<hbm>> -> memref<5120x64xf32, #tpu.memory_space<hbm>>
    tpu.enqueue_indirect_dma source(%dma_start3A_15 : memref<5120x64xf32, #tpu.memory_space<hbm>>) target(%arg7 : memref<768x64xf32, #tpu.memory_space<vmem>>) offsets(%arg5 : memref<768xi32, #tpu.memory_space<vmem>>) semaphore(%arg9 : memref<!tpu.dma_semaphore, #tpu.memory_space<semaphore_mem>>)
    %dma_wait3A_16 = arith.constant 0 : i32
    %dma_wait3A_17 = arith.constant 0 : i32
    %dma_wait3A_18 = tpu.memref_slice %arg2[%dma_wait3A_16, %dma_wait3A_17] : memref<5120x64xf32, #tpu.memory_space<hbm>> -> memref<5120x64xf32, #tpu.memory_space<hbm>>
    tpu.wait_indirect_dma semaphore(%arg9 : memref<!tpu.dma_semaphore, #tpu.memory_space<semaphore_mem>>) src(%dma_wait3A_18 : memref<5120x64xf32, #tpu.memory_space<hbm>>) dst(%arg7 : memref<768x64xf32, #tpu.memory_space<vmem>>)
    %add3A_19 = arith.constant 1536 : i32
    %add3A_20 = arith.addi %add3A_11, %add3A_19 : i32
    %min3A = arith.constant 490752 : i32
    %min3A_21 = arith.minsi %add3A_20, %min3A : i32
    %dma_start3A_22 = tpu.memref_slice %arg3[%min3A_21] : memref<491520xi32, #tpu.memory_space<hbm>> -> memref<768xi32, #tpu.memory_space<hbm>>
    %dma_start3A_23 = tpu.memref_slice %arg3[%min3A_21] : memref<491520xi32, #tpu.memory_space<hbm>> -> memref<768xi32, #tpu.memory_space<hbm>>
    tpu.enqueue_dma source(%dma_start3A_23 : memref<768xi32, #tpu.memory_space<hbm>>) target(%arg5 : memref<768xi32, #tpu.memory_space<vmem>>) target_semaphore(%arg12 : memref<!tpu.dma_semaphore, #tpu.memory_space<semaphore_mem>>)
    %dma_start3A_24 = arith.constant 0 : i32
    %dma_start3A_25 = tpu.memref_slice %arg4[%add3A_11, %dma_start3A_24] : memref<491520x64xf32, #tpu.memory_space<hbm>> -> memref<768x64xf32, #tpu.memory_space<hbm>>
    %dma_start3A_26 = arith.constant 0 : i32
    %dma_start3A_27 = tpu.memref_slice %arg4[%add3A_11, %dma_start3A_26] : memref<491520x64xf32, #tpu.memory_space<hbm>> -> memref<768x64xf32, #tpu.memory_space<hbm>>
    tpu.enqueue_dma source(%arg7 : memref<768x64xf32, #tpu.memory_space<vmem>>) target(%dma_start3A_27 : memref<768x64xf32, #tpu.memory_space<hbm>>) target_semaphore(%arg10 : memref<!tpu.dma_semaphore, #tpu.memory_space<semaphore_mem>>)
    %add3A_28 = arith.constant 768 : i32
    %add3A_29 = arith.addi %mul3A_2, %add3A_28 : i32
    %dma_wait3A_30 = tpu.memref_slice %arg3[%mul3A_2] : memref<491520xi32, #tpu.memory_space<hbm>> -> memref<768xi32, #tpu.memory_space<hbm>>
    %dma_wait3A_31 = tpu.memref_slice %arg3[%mul3A_2] : memref<491520xi32, #tpu.memory_space<hbm>> -> memref<768xi32, #tpu.memory_space<hbm>>
    tpu.wait_dma2 semaphore(%arg13 : memref<!tpu.dma_semaphore, #tpu.memory_space<semaphore_mem>>) src(%dma_wait3A_31 : memref<768xi32, #tpu.memory_space<hbm>>) dst(%arg6 : memref<768xi32, #tpu.memory_space<vmem>>)
    %dma_start3A_32 = arith.constant 0 : i32
    %dma_start3A_33 = arith.constant 0 : i32
    %dma_start3A_34 = tpu.memref_slice %arg2[%dma_start3A_32, %dma_start3A_33] : memref<5120x64xf32, #tpu.memory_space<hbm>> -> memref<5120x64xf32, #tpu.memory_space<hbm>>
    tpu.enqueue_indirect_dma source(%dma_start3A_34 : memref<5120x64xf32, #tpu.memory_space<hbm>>) target(%arg8 : memref<768x64xf32, #tpu.memory_space<vmem>>) offsets(%arg6 : memref<768xi32, #tpu.memory_space<vmem>>) semaphore(%arg9 : memref<!tpu.dma_semaphore, #tpu.memory_space<semaphore_mem>>)
    %dma_wait3A_35 = arith.constant 0 : i32
    %dma_wait3A_36 = arith.constant 0 : i32
    %dma_wait3A_37 = tpu.memref_slice %arg2[%dma_wait3A_35, %dma_wait3A_36] : memref<5120x64xf32, #tpu.memory_space<hbm>> -> memref<5120x64xf32, #tpu.memory_space<hbm>>
    tpu.wait_indirect_dma semaphore(%arg9 : memref<!tpu.dma_semaphore, #tpu.memory_space<semaphore_mem>>) src(%dma_wait3A_37 : memref<5120x64xf32, #tpu.memory_space<hbm>>) dst(%arg8 : memref<768x64xf32, #tpu.memory_space<vmem>>)
    %add3A_38 = arith.constant 1536 : i32
    %add3A_39 = arith.addi %add3A_29, %add3A_38 : i32
    %min3A_40 = arith.constant 490752 : i32
    %min3A_41 = arith.minsi %add3A_39, %min3A_40 : i32
    %dma_start3A_42 = tpu.memref_slice %arg3[%min3A_41] : memref<491520xi32, #tpu.memory_space<hbm>> -> memref<768xi32, #tpu.memory_space<hbm>>
    %dma_start3A_43 = tpu.memref_slice %arg3[%min3A_41] : memref<491520xi32, #tpu.memory_space<hbm>> -> memref<768xi32, #tpu.memory_space<hbm>>
    tpu.enqueue_dma source(%dma_start3A_43 : memref<768xi32, #tpu.memory_space<hbm>>) target(%arg6 : memref<768xi32, #tpu.memory_space<vmem>>) target_semaphore(%arg13 : memref<!tpu.dma_semaphore, #tpu.memory_space<semaphore_mem>>)
    %dma_start3A_44 = arith.constant 0 : i32
    %dma_start3A_45 = tpu.memref_slice %arg4[%add3A_29, %dma_start3A_44] : memref<491520x64xf32, #tpu.memory_space<hbm>> -> memref<768x64xf32, #tpu.memory_space<hbm>>
    %dma_start3A_46 = arith.constant 0 : i32
    %dma_start3A_47 = tpu.memref_slice %arg4[%add3A_29, %dma_start3A_46] : memref<491520x64xf32, #tpu.memory_space<hbm>> -> memref<768x64xf32, #tpu.memory_space<hbm>>
    tpu.enqueue_dma source(%arg8 : memref<768x64xf32, #tpu.memory_space<vmem>>) target(%dma_start3A_47 : memref<768x64xf32, #tpu.memory_space<hbm>>) target_semaphore(%arg11 : memref<!tpu.dma_semaphore, #tpu.memory_space<semaphore_mem>>)
    %scan3A = arith.constant 0 : i32
    %scan3A_48 = arith.constant 1 : i32
    %scan3A_49 = arith.constant 9 : i32
    %scan3A_50 = arith.addi %scan3A_48, %scan3A_49 : i32
    %scan3A_51 = arith.constant 1 : i32
    %scan3A_52 = scf.for %scan3A_66 = %scan3A_48 to %scan3A_50 step %scan3A_51 iter_args(%scan3A_67 = %scan3A) -> (i32)  : i32 {
      %mul3A_68 = arith.constant 2 : i32
      %mul3A_69 = arith.muli %scan3A_66, %mul3A_68 : i32
      %add3A_70 = arith.constant 0 : i32
      %add3A_71 = arith.addi %mul3A_69, %add3A_70 : i32
      %mul3A_72 = arith.constant 768 : i32
      %mul3A_73 = arith.muli %add3A_71, %mul3A_72 : i32
      %add3A_74 = arith.addi %mul3A_2, %mul3A_73 : i32
      %dma_wait3A_75 = tpu.memref_slice %arg3[%mul3A_2] : memref<491520xi32, #tpu.memory_space<hbm>> -> memref<768xi32, #tpu.memory_space<hbm>>
      %dma_wait3A_76 = tpu.memref_slice %arg3[%mul3A_2] : memref<491520xi32, #tpu.memory_space<hbm>> -> memref<768xi32, #tpu.memory_space<hbm>>
      tpu.wait_dma2 semaphore(%arg12 : memref<!tpu.dma_semaphore, #tpu.memory_space<semaphore_mem>>) src(%dma_wait3A_76 : memref<768xi32, #tpu.memory_space<hbm>>) dst(%arg5 : memref<768xi32, #tpu.memory_space<vmem>>)
      %dma_wait3A_77 = arith.constant 0 : i32
      %dma_wait3A_78 = tpu.memref_slice %arg4[%add3A_74, %dma_wait3A_77] : memref<491520x64xf32, #tpu.memory_space<hbm>> -> memref<768x64xf32, #tpu.memory_space<hbm>>
      %dma_wait3A_79 = arith.constant 0 : i32
      %dma_wait3A_80 = tpu.memref_slice %arg4[%add3A_74, %dma_wait3A_79] : memref<491520x64xf32, #tpu.memory_space<hbm>> -> memref<768x64xf32, #tpu.memory_space<hbm>>
      tpu.wait_dma2 semaphore(%arg10 : memref<!tpu.dma_semaphore, #tpu.memory_space<semaphore_mem>>) src(%arg7 : memref<768x64xf32, #tpu.memory_space<vmem>>) dst(%dma_wait3A_80 : memref<768x64xf32, #tpu.memory_space<hbm>>)
      %dma_start3A_81 = arith.constant 0 : i32
      %dma_start3A_82 = arith.constant 0 : i32
      %dma_start3A_83 = tpu.memref_slice %arg2[%dma_start3A_81, %dma_start3A_82] : memref<5120x64xf32, #tpu.memory_space<hbm>> -> memref<5120x64xf32, #tpu.memory_space<hbm>>
      tpu.enqueue_indirect_dma source(%dma_start3A_83 : memref<5120x64xf32, #tpu.memory_space<hbm>>) target(%arg7 : memref<768x64xf32, #tpu.memory_space<vmem>>) offsets(%arg5 : memref<768xi32, #tpu.memory_space<vmem>>) semaphore(%arg9 : memref<!tpu.dma_semaphore, #tpu.memory_space<semaphore_mem>>)
      %dma_wait3A_84 = arith.constant 0 : i32
      %dma_wait3A_85 = arith.constant 0 : i32
      %dma_wait3A_86 = tpu.memref_slice %arg2[%dma_wait3A_84, %dma_wait3A_85] : memref<5120x64xf32, #tpu.memory_space<hbm>> -> memref<5120x64xf32, #tpu.memory_space<hbm>>
      tpu.wait_indirect_dma semaphore(%arg9 : memref<!tpu.dma_semaphore, #tpu.memory_space<semaphore_mem>>) src(%dma_wait3A_86 : memref<5120x64xf32, #tpu.memory_space<hbm>>) dst(%arg7 : memref<768x64xf32, #tpu.memory_space<vmem>>)
      %add3A_87 = arith.constant 1536 : i32
      %add3A_88 = arith.addi %add3A_74, %add3A_87 : i32
      %min3A_89 = arith.constant 490752 : i32
      %min3A_90 = arith.minsi %add3A_88, %min3A_89 : i32
      %dma_start3A_91 = tpu.memref_slice %arg3[%min3A_90] : memref<491520xi32, #tpu.memory_space<hbm>> -> memref<768xi32, #tpu.memory_space<hbm>>
      %dma_start3A_92 = tpu.memref_slice %arg3[%min3A_90] : memref<491520xi32, #tpu.memory_space<hbm>> -> memref<768xi32, #tpu.memory_space<hbm>>
      tpu.enqueue_dma source(%dma_start3A_92 : memref<768xi32, #tpu.memory_space<hbm>>) target(%arg5 : memref<768xi32, #tpu.memory_space<vmem>>) target_semaphore(%arg12 : memref<!tpu.dma_semaphore, #tpu.memory_space<semaphore_mem>>)
      %dma_start3A_93 = arith.constant 0 : i32
      %dma_start3A_94 = tpu.memref_slice %arg4[%add3A_74, %dma_start3A_93] : memref<491520x64xf32, #tpu.memory_space<hbm>> -> memref<768x64xf32, #tpu.memory_space<hbm>>
      %dma_start3A_95 = arith.constant 0 : i32
      %dma_start3A_96 = tpu.memref_slice %arg4[%add3A_74, %dma_start3A_95] : memref<491520x64xf32, #tpu.memory_space<hbm>> -> memref<768x64xf32, #tpu.memory_space<hbm>>
      tpu.enqueue_dma source(%arg7 : memref<768x64xf32, #tpu.memory_space<vmem>>) target(%dma_start3A_96 : memref<768x64xf32, #tpu.memory_space<hbm>>) target_semaphore(%arg10 : memref<!tpu.dma_semaphore, #tpu.memory_space<semaphore_mem>>)
      %add3A_97 = arith.constant 1 : i32
      %add3A_98 = arith.addi %mul3A_69, %add3A_97 : i32
      %mul3A_99 = arith.constant 768 : i32
      %mul3A_100 = arith.muli %add3A_98, %mul3A_99 : i32
      %add3A_101 = arith.addi %mul3A_2, %mul3A_100 : i32
      %dma_wait3A_102 = tpu.memref_slice %arg3[%mul3A_2] : memref<491520xi32, #tpu.memory_space<hbm>> -> memref<768xi32, #tpu.memory_space<hbm>>
      %dma_wait3A_103 = tpu.memref_slice %arg3[%mul3A_2] : memref<491520xi32, #tpu.memory_space<hbm>> -> memref<768xi32, #tpu.memory_space<hbm>>
      tpu.wait_dma2 semaphore(%arg13 : memref<!tpu.dma_semaphore, #tpu.memory_space<semaphore_mem>>) src(%dma_wait3A_103 : memref<768xi32, #tpu.memory_space<hbm>>) dst(%arg6 : memref<768xi32, #tpu.memory_space<vmem>>)
      %dma_wait3A_104 = arith.constant 0 : i32
      %dma_wait3A_105 = tpu.memref_slice %arg4[%add3A_101, %dma_wait3A_104] : memref<491520x64xf32, #tpu.memory_space<hbm>> -> memref<768x64xf32, #tpu.memory_space<hbm>>
      %dma_wait3A_106 = arith.constant 0 : i32
      %dma_wait3A_107 = tpu.memref_slice %arg4[%add3A_101, %dma_wait3A_106] : memref<491520x64xf32, #tpu.memory_space<hbm>> -> memref<768x64xf32, #tpu.memory_space<hbm>>
      tpu.wait_dma2 semaphore(%arg11 : memref<!tpu.dma_semaphore, #tpu.memory_space<semaphore_mem>>) src(%arg8 : memref<768x64xf32, #tpu.memory_space<vmem>>) dst(%dma_wait3A_107 : memref<768x64xf32, #tpu.memory_space<hbm>>)
      %dma_start3A_108 = arith.constant 0 : i32
      %dma_start3A_109 = arith.constant 0 : i32
      %dma_start3A_110 = tpu.memref_slice %arg2[%dma_start3A_108, %dma_start3A_109] : memref<5120x64xf32, #tpu.memory_space<hbm>> -> memref<5120x64xf32, #tpu.memory_space<hbm>>
      tpu.enqueue_indirect_dma source(%dma_start3A_110 : memref<5120x64xf32, #tpu.memory_space<hbm>>) target(%arg8 : memref<768x64xf32, #tpu.memory_space<vmem>>) offsets(%arg6 : memref<768xi32, #tpu.memory_space<vmem>>) semaphore(%arg9 : memref<!tpu.dma_semaphore, #tpu.memory_space<semaphore_mem>>)
      %dma_wait3A_111 = arith.constant 0 : i32
      %dma_wait3A_112 = arith.constant 0 : i32
      %dma_wait3A_113 = tpu.memref_slice %arg2[%dma_wait3A_111, %dma_wait3A_112] : memref<5120x64xf32, #tpu.memory_space<hbm>> -> memref<5120x64xf32, #tpu.memory_space<hbm>>
      tpu.wait_indirect_dma semaphore(%arg9 : memref<!tpu.dma_semaphore, #tpu.memory_space<semaphore_mem>>) src(%dma_wait3A_113 : memref<5120x64xf32, #tpu.memory_space<hbm>>) dst(%arg8 : memref<768x64xf32, #tpu.memory_space<vmem>>)
      %add3A_114 = arith.constant 1536 : i32
      %add3A_115 = arith.addi %add3A_101, %add3A_114 : i32
      %min3A_116 = arith.constant 490752 : i32
      %min3A_117 = arith.minsi %add3A_115, %min3A_116 : i32
      %dma_start3A_118 = tpu.memref_slice %arg3[%min3A_117] : memref<491520xi32, #tpu.memory_space<hbm>> -> memref<768xi32, #tpu.memory_space<hbm>>
      %dma_start3A_119 = tpu.memref_slice %arg3[%min3A_117] : memref<491520xi32, #tpu.memory_space<hbm>> -> memref<768xi32, #tpu.memory_space<hbm>>
      tpu.enqueue_dma source(%dma_start3A_119 : memref<768xi32, #tpu.memory_space<hbm>>) target(%arg6 : memref<768xi32, #tpu.memory_space<vmem>>) target_semaphore(%arg13 : memref<!tpu.dma_semaphore, #tpu.memory_space<semaphore_mem>>)
      %dma_start3A_120 = arith.constant 0 : i32
      %dma_start3A_121 = tpu.memref_slice %arg4[%add3A_101, %dma_start3A_120] : memref<491520x64xf32, #tpu.memory_space<hbm>> -> memref<768x64xf32, #tpu.memory_space<hbm>>
      %dma_start3A_122 = arith.constant 0 : i32
      %dma_start3A_123 = tpu.memref_slice %arg4[%add3A_101, %dma_start3A_122] : memref<491520x64xf32, #tpu.memory_space<hbm>> -> memref<768x64xf32, #tpu.memory_space<hbm>>
      tpu.enqueue_dma source(%arg8 : memref<768x64xf32, #tpu.memory_space<vmem>>) target(%dma_start3A_123 : memref<768x64xf32, #tpu.memory_space<hbm>>) target_semaphore(%arg11 : memref<!tpu.dma_semaphore, #tpu.memory_space<semaphore_mem>>)
      %scan3A_124 = arith.constant 0 : i32
      scf.yield %scan3A_124 : i32
    }
    %scan3A_53 = arith.constant 9 : i32
    %dma_wait3A_54 = arith.constant 0 : i32
    %dma_wait3A_55 = tpu.memref_slice %arg4[%mul3A_2, %dma_wait3A_54] : memref<491520x64xf32, #tpu.memory_space<hbm>> -> memref<768x64xf32, #tpu.memory_space<hbm>>
    %dma_wait3A_56 = arith.constant 0 : i32
    %dma_wait3A_57 = tpu.memref_slice %arg4[%mul3A_2, %dma_wait3A_56] : memref<491520x64xf32, #tpu.memory_space<hbm>> -> memref<768x64xf32, #tpu.memory_space<hbm>>
    tpu.wait_dma2 semaphore(%arg10 : memref<!tpu.dma_semaphore, #tpu.memory_space<semaphore_mem>>) src(%arg7 : memref<768x64xf32, #tpu.memory_space<vmem>>) dst(%dma_wait3A_57 : memref<768x64xf32, #tpu.memory_space<hbm>>)
    %dma_wait3A_58 = tpu.memref_slice %arg3[%mul3A_2] : memref<491520xi32, #tpu.memory_space<hbm>> -> memref<768xi32, #tpu.memory_space<hbm>>
    %dma_wait3A_59 = tpu.memref_slice %arg3[%mul3A_2] : memref<491520xi32, #tpu.memory_space<hbm>> -> memref<768xi32, #tpu.memory_space<hbm>>
    tpu.wait_dma2 semaphore(%arg12 : memref<!tpu.dma_semaphore, #tpu.memory_space<semaphore_mem>>) src(%dma_wait3A_59 : memref<768xi32, #tpu.memory_space<hbm>>) dst(%arg5 : memref<768xi32, #tpu.memory_space<vmem>>)
    %dma_wait3A_60 = arith.constant 0 : i32
    %dma_wait3A_61 = tpu.memref_slice %arg4[%mul3A_2, %dma_wait3A_60] : memref<491520x64xf32, #tpu.memory_space<hbm>> -> memref<768x64xf32, #tpu.memory_space<hbm>>
    %dma_wait3A_62 = arith.constant 0 : i32
    %dma_wait3A_63 = tpu.memref_slice %arg4[%mul3A_2, %dma_wait3A_62] : memref<491520x64xf32, #tpu.memory_space<hbm>> -> memref<768x64xf32, #tpu.memory_space<hbm>>
    tpu.wait_dma2 semaphore(%arg11 : memref<!tpu.dma_semaphore, #tpu.memory_space<semaphore_mem>>) src(%arg8 : memref<768x64xf32, #tpu.memory_space<vmem>>) dst(%dma_wait3A_63 : memref<768x64xf32, #tpu.memory_space<hbm>>)
    %dma_wait3A_64 = tpu.memref_slice %arg3[%mul3A_2] : memref<491520xi32, #tpu.memory_space<hbm>> -> memref<768xi32, #tpu.memory_space<hbm>>
    %dma_wait3A_65 = tpu.memref_slice %arg3[%mul3A_2] : memref<491520xi32, #tpu.memory_space<hbm>> -> memref<768xi32, #tpu.memory_space<hbm>>
    tpu.wait_dma2 semaphore(%arg13 : memref<!tpu.dma_semaphore, #tpu.memory_space<semaphore_mem>>) src(%dma_wait3A_65 : memref<768xi32, #tpu.memory_space<hbm>>) dst(%arg6 : memref<768xi32, #tpu.memory_space<vmem>>)
    return
  }
}

module attributes {stable_mosaic.version = 14 : i64} {
  func.func @body(%arg0: memref<5000x65xf32, #tpu.memory_space<vmem>>, %arg1: memref<65x64xf32, #tpu.memory_space<vmem>>, %arg2: memref<1x64xf32, #tpu.memory_space<vmem>>, %arg3: memref<5000x64xf32, #tpu.memory_space<vmem>>) attributes {dimension_semantics = [], scalar_prefetch = 0 : i64, scratch_operands = 0 : i64, tpu.core_type = #tpu.core_type<tc>} {
    %get3A = arith.constant 0 : index
    %get3A_0 = arith.constant 0 : index
    %get3A_1 = vector.load %arg0[%get3A, %get3A_0] : memref<5000x65xf32, #tpu.memory_space<vmem>>, vector<5000x65xf32>
    %get3A_2 = arith.constant 0 : index
    %get3A_3 = arith.constant 0 : index
    %get3A_4 = vector.load %arg1[%get3A_2, %get3A_3] : memref<65x64xf32, #tpu.memory_space<vmem>>, vector<65x64xf32>
    %dot_general3A = arith.constant dense<0.000000e+00> : vector<5000x64xf32>
    %dot_general3A_5 = tpu.matmul %get3A_1, %get3A_4, %dot_general3A {dimension_numbers = #tpu.dot_dimension_numbers<[1], [0], [0], [1], [0, 0, 1, 1], [], []>, transpose_lhs_hint = false} : vector<5000x65xf32>, vector<65x64xf32>, vector<5000x64xf32> -> vector<5000x64xf32>
    %get3A_6 = arith.constant 0 : index
    %get3A_7 = arith.constant 0 : index
    %get3A_8 = vector.load %arg2[%get3A_6, %get3A_7] : memref<1x64xf32, #tpu.memory_space<vmem>>, vector<1x64xf32>
    %add3A = vector.broadcast %get3A_8 : vector<1x64xf32> to vector<5000x64xf32>
    %add3A_9 = arith.addf %dot_general3A_5, %add3A : vector<5000x64xf32>
    %swap3A = arith.constant 0 : index
    %swap3A_10 = arith.constant 0 : index
    %swap3A_11 = vector.load %arg3[%swap3A, %swap3A_10] : memref<5000x64xf32, #tpu.memory_space<vmem>>, vector<5000x64xf32>
    tpu.vector_store %arg3[%swap3A, %swap3A_10], %add3A_9 {strides = array<i32>} : memref<5000x64xf32, #tpu.memory_space<vmem>>, vector<5000x64xf32>,
    return
  }
}

module attributes {stable_mosaic.version = 14 : i64} {
  func.func @body(%arg0: i32, %arg1: memref<40x65xf32, #tpu.memory_space<vmem>>, %arg2: memref<3840x64xf32, #tpu.memory_space<vmem>>, %arg3: memref<40x96xf32, #tpu.memory_space<vmem>>, %arg4: memref<40x96xf32, #tpu.memory_space<vmem>>, %arg5: memref<40x96xf32, #tpu.memory_space<vmem>>, %arg6: memref<40x96xf32, #tpu.memory_space<vmem>>, %arg7: memref<40x96xf32, #tpu.memory_space<vmem>>, %arg8: memref<65x64xf32, #tpu.memory_space<vmem>>, %arg9: memref<8x64xf32, #tpu.memory_space<vmem>>, %arg10: memref<64x64xf32, #tpu.memory_space<vmem>>, %arg11: memref<1x64xf32, #tpu.memory_space<vmem>>, %arg12: memref<64x65xf32, #tpu.memory_space<vmem>>, %arg13: memref<1x65xf32, #tpu.memory_space<vmem>>, %arg14: memref<65x64xf32, #tpu.memory_space<vmem>>, %arg15: memref<1x64xf32, #tpu.memory_space<vmem>>, %arg16: memref<40x65xf32, #tpu.memory_space<vmem>>, %arg17: memref<40x64xf32, #tpu.memory_space<vmem>>) attributes {dimension_semantics = [#tpu.dimension_semantics<arbitrary>], iteration_bounds = array<i64: 125>, scalar_prefetch = 0 : i64, scratch_operands = 0 : i64, tpu.core_type = #tpu.core_type<tc>, window_params = [{transform_indices = @transform_0, window_bounds = array<i64: 40, 65>}, {transform_indices = @transform_1, window_bounds = array<i64: 3840, 64>}, {transform_indices = @transform_2, window_bounds = array<i64: 40, 96>}, {transform_indices = @transform_3, window_bounds = array<i64: 40, 96>}, {transform_indices = @transform_4, window_bounds = array<i64: 40, 96>}, {transform_indices = @transform_5, window_bounds = array<i64: 40, 96>}, {transform_indices = @transform_6, window_bounds = array<i64: 40, 96>}, {pipeline_mode = #tpu.pipeline_mode<synchronous>, transform_indices = @transform_7, window_bounds = array<i64: 65, 64>}, {pipeline_mode = #tpu.pipeline_mode<synchronous>, transform_indices = @transform_8, window_bounds = array<i64: 8, 64>}, {pipeline_mode = #tpu.pipeline_mode<synchronous>, transform_indices = @transform_9, window_bounds = array<i64: 64, 64>}, {pipeline_mode = #tpu.pipeline_mode<synchronous>, transform_indices = @transform_10, window_bounds = array<i64: 1, 64>}, {pipeline_mode = #tpu.pipeline_mode<synchronous>, transform_indices = @transform_11, window_bounds = array<i64: 64, 65>}, {pipeline_mode = #tpu.pipeline_mode<synchronous>, transform_indices = @transform_12, window_bounds = array<i64: 1, 65>}, {pipeline_mode = #tpu.pipeline_mode<synchronous>, transform_indices = @transform_13, window_bounds = array<i64: 65, 64>}, {pipeline_mode = #tpu.pipeline_mode<synchronous>, transform_indices = @transform_14, window_bounds = array<i64: 1, 64>}, {transform_indices = @transform_15, window_bounds = array<i64: 40, 65>}, {transform_indices = @transform_16, window_bounds = array<i64: 40, 64>}]} {
    %get3A = arith.constant 0 : index
    %get3A_0 = arith.constant 0 : index
    %get3A_1 = vector.load %arg1[%get3A, %get3A_0] : memref<40x65xf32, #tpu.memory_space<vmem>>, vector<40x65xf32>
    %get3A_2 = arith.constant 0 : index
    %get3A_3 = arith.constant 0 : index
    %get3A_4 = vector.load %arg8[%get3A_2, %get3A_3] : memref<65x64xf32, #tpu.memory_space<vmem>>, vector<65x64xf32>
    %dot_general3A = arith.constant dense<0.000000e+00> : vector<40x64xf32>
    %dot_general3A_5 = tpu.matmul %get3A_1, %get3A_4, %dot_general3A {dimension_numbers = #tpu.dot_dimension_numbers<[1], [0], [0], [1], [0, 0, 1, 1], [], []>, transpose_lhs_hint = false} : vector<40x65xf32>, vector<65x64xf32>, vector<40x64xf32> -> vector<40x64xf32>
    %get3A_6 = arith.constant 0 : index
    %get3A_7 = arith.constant 0 : index
    %get3A_8 = vector.load %arg2[%get3A_6, %get3A_7] : memref<3840x64xf32, #tpu.memory_space<vmem>>, vector<3840x64xf32>
    %reshape3A = vector.shape_cast %get3A_8 : vector<3840x64xf32> to vector<40x96x64xf32>
    %get3A_9 = arith.constant 0 : index
    %get3A_10 = arith.constant 0 : index
    %get3A_11 = vector.load %arg9[%get3A_9, %get3A_10] : memref<8x64xf32, #tpu.memory_space<vmem>>, vector<8x64xf32>
    %get3A_12 = arith.constant 0 : index
    %get3A_13 = arith.constant 0 : index
    %get3A_14 = vector.load %arg3[%get3A_12, %get3A_13] : memref<40x96xf32, #tpu.memory_space<vmem>>, vector<40x96xf32>
    %broadcast_in_dim3A = vector.shape_cast %get3A_14 : vector<40x96xf32> to vector<40x96x1xf32>
    %slice3A = vector.extract_strided_slice %get3A_11 {offsets = [0, 0], sizes = [1, 64], strides = [1, 1]} : vector<8x64xf32> to vector<1x64xf32>
    %squeeze3A = vector.shape_cast %slice3A : vector<1x64xf32> to vector<64xf32>
    %broadcast_in_dim3A_15 = vector.shape_cast %squeeze3A : vector<64xf32> to vector<1x1x64xf32>
    %mul3A = vector.broadcast %broadcast_in_dim3A : vector<40x96x1xf32> to vector<40x96x64xf32>
    %mul3A_16 = vector.broadcast %broadcast_in_dim3A_15 : vector<1x1x64xf32> to vector<40x96x64xf32>
    %mul3A_17 = arith.mulf %mul3A, %mul3A_16 : vector<40x96x64xf32>
    %get3A_18 = arith.constant 0 : index
    %get3A_19 = arith.constant 0 : index
    %get3A_20 = vector.load %arg4[%get3A_18, %get3A_19] : memref<40x96xf32, #tpu.memory_space<vmem>>, vector<40x96xf32>
    %broadcast_in_dim3A_21 = vector.shape_cast %get3A_20 : vector<40x96xf32> to vector<40x96x1xf32>
    %slice3A_22 = vector.extract_strided_slice %get3A_11 {offsets = [1, 0], sizes = [1, 64], strides = [1, 1]} : vector<8x64xf32> to vector<1x64xf32>
    %squeeze3A_23 = vector.shape_cast %slice3A_22 : vector<1x64xf32> to vector<64xf32>
    %broadcast_in_dim3A_24 = vector.shape_cast %squeeze3A_23 : vector<64xf32> to vector<1x1x64xf32>
    %mul3A_25 = vector.broadcast %broadcast_in_dim3A_21 : vector<40x96x1xf32> to vector<40x96x64xf32>
    %mul3A_26 = vector.broadcast %broadcast_in_dim3A_24 : vector<1x1x64xf32> to vector<40x96x64xf32>
    %mul3A_27 = arith.mulf %mul3A_25, %mul3A_26 : vector<40x96x64xf32>
    %add3A = arith.addf %mul3A_17, %mul3A_27 : vector<40x96x64xf32>
    %get3A_28 = arith.constant 0 : index
    %get3A_29 = arith.constant 0 : index
    %get3A_30 = vector.load %arg5[%get3A_28, %get3A_29] : memref<40x96xf32, #tpu.memory_space<vmem>>, vector<40x96xf32>
    %broadcast_in_dim3A_31 = vector.shape_cast %get3A_30 : vector<40x96xf32> to vector<40x96x1xf32>
    %slice3A_32 = vector.extract_strided_slice %get3A_11 {offsets = [2, 0], sizes = [1, 64], strides = [1, 1]} : vector<8x64xf32> to vector<1x64xf32>
    %squeeze3A_33 = vector.shape_cast %slice3A_32 : vector<1x64xf32> to vector<64xf32>
    %broadcast_in_dim3A_34 = vector.shape_cast %squeeze3A_33 : vector<64xf32> to vector<1x1x64xf32>
    %mul3A_35 = vector.broadcast %broadcast_in_dim3A_31 : vector<40x96x1xf32> to vector<40x96x64xf32>
    %mul3A_36 = vector.broadcast %broadcast_in_dim3A_34 : vector<1x1x64xf32> to vector<40x96x64xf32>
    %mul3A_37 = arith.mulf %mul3A_35, %mul3A_36 : vector<40x96x64xf32>
    %add3A_38 = arith.addf %add3A, %mul3A_37 : vector<40x96x64xf32>
    %get3A_39 = arith.constant 0 : index
    %get3A_40 = arith.constant 0 : index
    %get3A_41 = vector.load %arg6[%get3A_39, %get3A_40] : memref<40x96xf32, #tpu.memory_space<vmem>>, vector<40x96xf32>
    %broadcast_in_dim3A_42 = vector.shape_cast %get3A_41 : vector<40x96xf32> to vector<40x96x1xf32>
    %slice3A_43 = vector.extract_strided_slice %get3A_11 {offsets = [3, 0], sizes = [1, 64], strides = [1, 1]} : vector<8x64xf32> to vector<1x64xf32>
    %squeeze3A_44 = vector.shape_cast %slice3A_43 : vector<1x64xf32> to vector<64xf32>
    %broadcast_in_dim3A_45 = vector.shape_cast %squeeze3A_44 : vector<64xf32> to vector<1x1x64xf32>
    %mul3A_46 = vector.broadcast %broadcast_in_dim3A_42 : vector<40x96x1xf32> to vector<40x96x64xf32>
    %mul3A_47 = vector.broadcast %broadcast_in_dim3A_45 : vector<1x1x64xf32> to vector<40x96x64xf32>
    %mul3A_48 = arith.mulf %mul3A_46, %mul3A_47 : vector<40x96x64xf32>
    %add3A_49 = arith.addf %add3A_38, %mul3A_48 : vector<40x96x64xf32>
    %get3A_50 = arith.constant 0 : index
    %get3A_51 = arith.constant 0 : index
    %get3A_52 = vector.load %arg7[%get3A_50, %get3A_51] : memref<40x96xf32, #tpu.memory_space<vmem>>, vector<40x96xf32>
    %broadcast_in_dim3A_53 = vector.shape_cast %get3A_52 : vector<40x96xf32> to vector<40x96x1xf32>
    %slice3A_54 = vector.extract_strided_slice %get3A_11 {offsets = [4, 0], sizes = [1, 64], strides = [1, 1]} : vector<8x64xf32> to vector<1x64xf32>
    %squeeze3A_55 = vector.shape_cast %slice3A_54 : vector<1x64xf32> to vector<64xf32>
    %broadcast_in_dim3A_56 = vector.shape_cast %squeeze3A_55 : vector<64xf32> to vector<1x1x64xf32>
    %mul3A_57 = vector.broadcast %broadcast_in_dim3A_53 : vector<40x96x1xf32> to vector<40x96x64xf32>
    %mul3A_58 = vector.broadcast %broadcast_in_dim3A_56 : vector<1x1x64xf32> to vector<40x96x64xf32>
    %mul3A_59 = arith.mulf %mul3A_57, %mul3A_58 : vector<40x96x64xf32>
    %add3A_60 = arith.addf %add3A_49, %mul3A_59 : vector<40x96x64xf32>
    %broadcast_in_dim3A_61 = vector.shape_cast %dot_general3A_5 : vector<40x64xf32> to vector<40x1x64xf32>
    %add3A_62 = vector.broadcast %broadcast_in_dim3A_61 : vector<40x1x64xf32> to vector<40x96x64xf32>
    %add3A_63 = arith.addf %reshape3A, %add3A_62 : vector<40x96x64xf32>
    %add3A_64 = arith.addf %add3A_63, %add3A_60 : vector<40x96x64xf32>
    %max3A = arith.constant 0.000000e+00 : f32
    %max3A_65 = vector.broadcast %max3A : f32 to vector<40x96x64xf32>
    %max3A_66 = arith.maximumf %add3A_64, %max3A_65 : vector<40x96x64xf32>
    %reshape3A_67 = vector.shape_cast %max3A_66 : vector<40x96x64xf32> to vector<3840x64xf32>
    %get3A_68 = arith.constant 0 : index
    %get3A_69 = arith.constant 0 : index
    %get3A_70 = vector.load %arg10[%get3A_68, %get3A_69] : memref<64x64xf32, #tpu.memory_space<vmem>>, vector<64x64xf32>
    %dot_general3A_71 = arith.constant dense<0.000000e+00> : vector<3840x64xf32>
    %dot_general3A_72 = tpu.matmul %reshape3A_67, %get3A_70, %dot_general3A_71 {dimension_numbers = #tpu.dot_dimension_numbers<[1], [0], [0], [1], [0, 0, 1, 1], [], []>, transpose_lhs_hint = false} : vector<3840x64xf32>, vector<64x64xf32>, vector<3840x64xf32> -> vector<3840x64xf32>
    %get3A_73 = arith.constant 0 : index
    %get3A_74 = arith.constant 0 : index
    %get3A_75 = vector.load %arg11[%get3A_73, %get3A_74] : memref<1x64xf32, #tpu.memory_space<vmem>>, vector<1x64xf32>
    %add3A_76 = vector.broadcast %get3A_75 : vector<1x64xf32> to vector<3840x64xf32>
    %add3A_77 = arith.addf %dot_general3A_72, %add3A_76 : vector<3840x64xf32>
    %max3A_78 = arith.constant 0.000000e+00 : f32
    %max3A_79 = vector.broadcast %max3A_78 : f32 to vector<3840x64xf32>
    %max3A_80 = arith.maximumf %add3A_77, %max3A_79 : vector<3840x64xf32>
    %reshape3A_81 = vector.shape_cast %max3A_80 : vector<3840x64xf32> to vector<40x96x64xf32>
    %reduce_max3A = arith.constant dense<0xFF800000> : vector<40x64xf32>
    %reduce_max3A_82 = vector.multi_reduction <maximumf>, %reshape3A_81, %reduce_max3A [1] : vector<40x96x64xf32> to vector<40x64xf32>
    %get3A_83 = arith.constant 0 : index
    %get3A_84 = arith.constant 0 : index
    %get3A_85 = vector.load %arg12[%get3A_83, %get3A_84] : memref<64x65xf32, #tpu.memory_space<vmem>>, vector<64x65xf32>
    %dot_general3A_86 = arith.constant dense<0.000000e+00> : vector<40x65xf32>
    %dot_general3A_87 = tpu.matmul %reduce_max3A_82, %get3A_85, %dot_general3A_86 {dimension_numbers = #tpu.dot_dimension_numbers<[1], [0], [0], [1], [0, 0, 1, 1], [], []>, transpose_lhs_hint = false} : vector<40x64xf32>, vector<64x65xf32>, vector<40x65xf32> -> vector<40x65xf32>
    %get3A_88 = arith.constant 0 : index
    %get3A_89 = arith.constant 0 : index
    %get3A_90 = vector.load %arg13[%get3A_88, %get3A_89] : memref<1x65xf32, #tpu.memory_space<vmem>>, vector<1x65xf32>
    %add3A_91 = vector.broadcast %get3A_90 : vector<1x65xf32> to vector<40x65xf32>
    %add3A_92 = arith.addf %dot_general3A_87, %add3A_91 : vector<40x65xf32>
    %add3A_93 = arith.addf %get3A_1, %add3A_92 : vector<40x65xf32>
    %swap3A = arith.constant 0 : index
    %swap3A_94 = arith.constant 0 : index
    %swap3A_95 = vector.load %arg16[%swap3A, %swap3A_94] : memref<40x65xf32, #tpu.memory_space<vmem>>, vector<40x65xf32>
    tpu.vector_store %arg16[%swap3A, %swap3A_94], %add3A_93 {strides = array<i32>} : memref<40x65xf32, #tpu.memory_space<vmem>>, vector<40x65xf32>,
    %get3A_96 = arith.constant 0 : index
    %get3A_97 = arith.constant 0 : index
    %get3A_98 = vector.load %arg14[%get3A_96, %get3A_97] : memref<65x64xf32, #tpu.memory_space<vmem>>, vector<65x64xf32>
    %dot_general3A_99 = arith.constant dense<0.000000e+00> : vector<40x64xf32>
    %dot_general3A_100 = tpu.matmul %add3A_93, %get3A_98, %dot_general3A_99 {dimension_numbers = #tpu.dot_dimension_numbers<[1], [0], [0], [1], [0, 0, 1, 1], [], []>, transpose_lhs_hint = false} : vector<40x65xf32>, vector<65x64xf32>, vector<40x64xf32> -> vector<40x64xf32>
    %get3A_101 = arith.constant 0 : index
    %get3A_102 = arith.constant 0 : index
    %get3A_103 = vector.load %arg15[%get3A_101, %get3A_102] : memref<1x64xf32, #tpu.memory_space<vmem>>, vector<1x64xf32>
    %add3A_104 = vector.broadcast %get3A_103 : vector<1x64xf32> to vector<40x64xf32>
    %add3A_105 = arith.addf %dot_general3A_100, %add3A_104 : vector<40x64xf32>
    %swap3A_106 = arith.constant 0 : index
    %swap3A_107 = arith.constant 0 : index
    %swap3A_108 = vector.load %arg17[%swap3A_106, %swap3A_107] : memref<40x64xf32, #tpu.memory_space<vmem>>, vector<40x64xf32>
    tpu.vector_store %arg17[%swap3A_106, %swap3A_107], %add3A_105 {strides = array<i32>} : memref<40x64xf32, #tpu.memory_space<vmem>>, vector<40x64xf32>,
    return
  }
  func.func @transform_0(%arg0: i32) -> (i32, i32) {
    %c0_i32 = arith.constant 0 : i32
    %c0_i32_0 = arith.constant 0 : i32
    return %arg0, %c0_i32 : i32, i32
  }
  func.func @transform_1(%arg0: i32) -> (i32, i32) {
    %c0_i32 = arith.constant 0 : i32
    %c0_i32_0 = arith.constant 0 : i32
    return %arg0, %c0_i32 : i32, i32
  }
  func.func @transform_2(%arg0: i32) -> (i32, i32) {
    %c0_i32 = arith.constant 0 : i32
    %c0_i32_0 = arith.constant 0 : i32
    return %arg0, %c0_i32 : i32, i32
  }
  func.func @transform_3(%arg0: i32) -> (i32, i32) {
    %c0_i32 = arith.constant 0 : i32
    %c0_i32_0 = arith.constant 0 : i32
    return %arg0, %c0_i32 : i32, i32
  }
  func.func @transform_4(%arg0: i32) -> (i32, i32) {
    %c0_i32 = arith.constant 0 : i32
    %c0_i32_0 = arith.constant 0 : i32
    return %arg0, %c0_i32 : i32, i32
  }
  func.func @transform_5(%arg0: i32) -> (i32, i32) {
    %c0_i32 = arith.constant 0 : i32
    %c0_i32_0 = arith.constant 0 : i32
    return %arg0, %c0_i32 : i32, i32
  }
  func.func @transform_6(%arg0: i32) -> (i32, i32) {
    %c0_i32 = arith.constant 0 : i32
    %c0_i32_0 = arith.constant 0 : i32
    return %arg0, %c0_i32 : i32, i32
  }
  func.func @transform_7(%arg0: i32) -> (i32, i32) {
    %c0_i32 = arith.constant 0 : i32
    %c0_i32_0 = arith.constant 0 : i32
    %c0_i32_1 = arith.constant 0 : i32
    return %c0_i32, %c0_i32_0 : i32, i32
  }
  func.func @transform_8(%arg0: i32) -> (i32, i32) {
    %c0_i32 = arith.constant 0 : i32
    %c0_i32_0 = arith.constant 0 : i32
    %c0_i32_1 = arith.constant 0 : i32
    return %c0_i32, %c0_i32_0 : i32, i32
  }
  func.func @transform_9(%arg0: i32) -> (i32, i32) {
    %c0_i32 = arith.constant 0 : i32
    %c0_i32_0 = arith.constant 0 : i32
    %c0_i32_1 = arith.constant 0 : i32
    return %c0_i32, %c0_i32_0 : i32, i32
  }
  func.func @transform_10(%arg0: i32) -> (i32, i32) {
    %c0_i32 = arith.constant 0 : i32
    %c0_i32_0 = arith.constant 0 : i32
    %c0_i32_1 = arith.constant 0 : i32
    return %c0_i32, %c0_i32_0 : i32, i32
  }
  func.func @transform_11(%arg0: i32) -> (i32, i32) {
    %c0_i32 = arith.constant 0 : i32
    %c0_i32_0 = arith.constant 0 : i32
    %c0_i32_1 = arith.constant 0 : i32
    return %c0_i32, %c0_i32_0 : i32, i32
  }
  func.func @transform_12(%arg0: i32) -> (i32, i32) {
    %c0_i32 = arith.constant 0 : i32
    %c0_i32_0 = arith.constant 0 : i32
    %c0_i32_1 = arith.constant 0 : i32
    return %c0_i32, %c0_i32_0 : i32, i32
  }
  func.func @transform_13(%arg0: i32) -> (i32, i32) {
    %c0_i32 = arith.constant 0 : i32
    %c0_i32_0 = arith.constant 0 : i32
    %c0_i32_1 = arith.constant 0 : i32
    return %c0_i32, %c0_i32_0 : i32, i32
  }
  func.func @transform_14(%arg0: i32) -> (i32, i32) {
    %c0_i32 = arith.constant 0 : i32
    %c0_i32_0 = arith.constant 0 : i32
    %c0_i32_1 = arith.constant 0 : i32
    return %c0_i32, %c0_i32_0 : i32, i32
  }
  func.func @transform_15(%arg0: i32) -> (i32, i32) {
    %c0_i32 = arith.constant 0 : i32
    %c0_i32_0 = arith.constant 0 : i32
    return %arg0, %c0_i32 : i32, i32
  }
  func.func @transform_16(%arg0: i32) -> (i32, i32) {
    %c0_i32 = arith.constant 0 : i32
    %c0_i32_0 = arith.constant 0 : i32
    return %arg0, %c0_i32 : i32, i32
  }
}

module attributes {stable_mosaic.version = 14 : i64} {
  func.func @body(%arg0: i32, %arg1: memref<40x65xf32, #tpu.memory_space<vmem>>, %arg2: memref<3840x64xf32, #tpu.memory_space<vmem>>, %arg3: memref<40x96xf32, #tpu.memory_space<vmem>>, %arg4: memref<40x96xf32, #tpu.memory_space<vmem>>, %arg5: memref<40x96xf32, #tpu.memory_space<vmem>>, %arg6: memref<40x96xf32, #tpu.memory_space<vmem>>, %arg7: memref<40x96xf32, #tpu.memory_space<vmem>>, %arg8: memref<65x64xf32, #tpu.memory_space<vmem>>, %arg9: memref<8x64xf32, #tpu.memory_space<vmem>>, %arg10: memref<64x64xf32, #tpu.memory_space<vmem>>, %arg11: memref<1x64xf32, #tpu.memory_space<vmem>>, %arg12: memref<64x65xf32, #tpu.memory_space<vmem>>, %arg13: memref<1x65xf32, #tpu.memory_space<vmem>>, %arg14: memref<65x64xf32, #tpu.memory_space<vmem>>, %arg15: memref<1x64xf32, #tpu.memory_space<vmem>>, %arg16: memref<64x1xf32, #tpu.memory_space<vmem>>, %arg17: memref<1x1xf32, #tpu.memory_space<vmem>>, %arg18: memref<40x65xf32, #tpu.memory_space<vmem>>, %arg19: memref<40x1xf32, #tpu.memory_space<vmem>>) attributes {dimension_semantics = [#tpu.dimension_semantics<arbitrary>], iteration_bounds = array<i64: 125>, scalar_prefetch = 0 : i64, scratch_operands = 0 : i64, tpu.core_type = #tpu.core_type<tc>, window_params = [{transform_indices = @transform_0, window_bounds = array<i64: 40, 65>}, {transform_indices = @transform_1, window_bounds = array<i64: 3840, 64>}, {transform_indices = @transform_2, window_bounds = array<i64: 40, 96>}, {transform_indices = @transform_3, window_bounds = array<i64: 40, 96>}, {transform_indices = @transform_4, window_bounds = array<i64: 40, 96>}, {transform_indices = @transform_5, window_bounds = array<i64: 40, 96>}, {transform_indices = @transform_6, window_bounds = array<i64: 40, 96>}, {pipeline_mode = #tpu.pipeline_mode<synchronous>, transform_indices = @transform_7, window_bounds = array<i64: 65, 64>}, {pipeline_mode = #tpu.pipeline_mode<synchronous>, transform_indices = @transform_8, window_bounds = array<i64: 8, 64>}, {pipeline_mode = #tpu.pipeline_mode<synchronous>, transform_indices = @transform_9, window_bounds = array<i64: 64, 64>}, {pipeline_mode = #tpu.pipeline_mode<synchronous>, transform_indices = @transform_10, window_bounds = array<i64: 1, 64>}, {pipeline_mode = #tpu.pipeline_mode<synchronous>, transform_indices = @transform_11, window_bounds = array<i64: 64, 65>}, {pipeline_mode = #tpu.pipeline_mode<synchronous>, transform_indices = @transform_12, window_bounds = array<i64: 1, 65>}, {pipeline_mode = #tpu.pipeline_mode<synchronous>, transform_indices = @transform_13, window_bounds = array<i64: 65, 64>}, {pipeline_mode = #tpu.pipeline_mode<synchronous>, transform_indices = @transform_14, window_bounds = array<i64: 1, 64>}, {pipeline_mode = #tpu.pipeline_mode<synchronous>, transform_indices = @transform_15, window_bounds = array<i64: 64, 1>}, {pipeline_mode = #tpu.pipeline_mode<synchronous>, transform_indices = @transform_16, window_bounds = array<i64: 1, 1>}, {transform_indices = @transform_17, window_bounds = array<i64: 40, 65>}, {transform_indices = @transform_18, window_bounds = array<i64: 40, 1>}]} {
    %get3A = arith.constant 0 : index
    %get3A_0 = arith.constant 0 : index
    %get3A_1 = vector.load %arg1[%get3A, %get3A_0] : memref<40x65xf32, #tpu.memory_space<vmem>>, vector<40x65xf32>
    %get3A_2 = arith.constant 0 : index
    %get3A_3 = arith.constant 0 : index
    %get3A_4 = vector.load %arg8[%get3A_2, %get3A_3] : memref<65x64xf32, #tpu.memory_space<vmem>>, vector<65x64xf32>
    %dot_general3A = arith.constant dense<0.000000e+00> : vector<40x64xf32>
    %dot_general3A_5 = tpu.matmul %get3A_1, %get3A_4, %dot_general3A {dimension_numbers = #tpu.dot_dimension_numbers<[1], [0], [0], [1], [0, 0, 1, 1], [], []>, transpose_lhs_hint = false} : vector<40x65xf32>, vector<65x64xf32>, vector<40x64xf32> -> vector<40x64xf32>
    %get3A_6 = arith.constant 0 : index
    %get3A_7 = arith.constant 0 : index
    %get3A_8 = vector.load %arg2[%get3A_6, %get3A_7] : memref<3840x64xf32, #tpu.memory_space<vmem>>, vector<3840x64xf32>
    %reshape3A = vector.shape_cast %get3A_8 : vector<3840x64xf32> to vector<40x96x64xf32>
    %get3A_9 = arith.constant 0 : index
    %get3A_10 = arith.constant 0 : index
    %get3A_11 = vector.load %arg9[%get3A_9, %get3A_10] : memref<8x64xf32, #tpu.memory_space<vmem>>, vector<8x64xf32>
    %get3A_12 = arith.constant 0 : index
    %get3A_13 = arith.constant 0 : index
    %get3A_14 = vector.load %arg3[%get3A_12, %get3A_13] : memref<40x96xf32, #tpu.memory_space<vmem>>, vector<40x96xf32>
    %broadcast_in_dim3A = vector.shape_cast %get3A_14 : vector<40x96xf32> to vector<40x96x1xf32>
    %slice3A = vector.extract_strided_slice %get3A_11 {offsets = [0, 0], sizes = [1, 64], strides = [1, 1]} : vector<8x64xf32> to vector<1x64xf32>
    %squeeze3A = vector.shape_cast %slice3A : vector<1x64xf32> to vector<64xf32>
    %broadcast_in_dim3A_15 = vector.shape_cast %squeeze3A : vector<64xf32> to vector<1x1x64xf32>
    %mul3A = vector.broadcast %broadcast_in_dim3A : vector<40x96x1xf32> to vector<40x96x64xf32>
    %mul3A_16 = vector.broadcast %broadcast_in_dim3A_15 : vector<1x1x64xf32> to vector<40x96x64xf32>
    %mul3A_17 = arith.mulf %mul3A, %mul3A_16 : vector<40x96x64xf32>
    %get3A_18 = arith.constant 0 : index
    %get3A_19 = arith.constant 0 : index
    %get3A_20 = vector.load %arg4[%get3A_18, %get3A_19] : memref<40x96xf32, #tpu.memory_space<vmem>>, vector<40x96xf32>
    %broadcast_in_dim3A_21 = vector.shape_cast %get3A_20 : vector<40x96xf32> to vector<40x96x1xf32>
    %slice3A_22 = vector.extract_strided_slice %get3A_11 {offsets = [1, 0], sizes = [1, 64], strides = [1, 1]} : vector<8x64xf32> to vector<1x64xf32>
    %squeeze3A_23 = vector.shape_cast %slice3A_22 : vector<1x64xf32> to vector<64xf32>
    %broadcast_in_dim3A_24 = vector.shape_cast %squeeze3A_23 : vector<64xf32> to vector<1x1x64xf32>
    %mul3A_25 = vector.broadcast %broadcast_in_dim3A_21 : vector<40x96x1xf32> to vector<40x96x64xf32>
    %mul3A_26 = vector.broadcast %broadcast_in_dim3A_24 : vector<1x1x64xf32> to vector<40x96x64xf32>
    %mul3A_27 = arith.mulf %mul3A_25, %mul3A_26 : vector<40x96x64xf32>
    %add3A = arith.addf %mul3A_17, %mul3A_27 : vector<40x96x64xf32>
    %get3A_28 = arith.constant 0 : index
    %get3A_29 = arith.constant 0 : index
    %get3A_30 = vector.load %arg5[%get3A_28, %get3A_29] : memref<40x96xf32, #tpu.memory_space<vmem>>, vector<40x96xf32>
    %broadcast_in_dim3A_31 = vector.shape_cast %get3A_30 : vector<40x96xf32> to vector<40x96x1xf32>
    %slice3A_32 = vector.extract_strided_slice %get3A_11 {offsets = [2, 0], sizes = [1, 64], strides = [1, 1]} : vector<8x64xf32> to vector<1x64xf32>
    %squeeze3A_33 = vector.shape_cast %slice3A_32 : vector<1x64xf32> to vector<64xf32>
    %broadcast_in_dim3A_34 = vector.shape_cast %squeeze3A_33 : vector<64xf32> to vector<1x1x64xf32>
    %mul3A_35 = vector.broadcast %broadcast_in_dim3A_31 : vector<40x96x1xf32> to vector<40x96x64xf32>
    %mul3A_36 = vector.broadcast %broadcast_in_dim3A_34 : vector<1x1x64xf32> to vector<40x96x64xf32>
    %mul3A_37 = arith.mulf %mul3A_35, %mul3A_36 : vector<40x96x64xf32>
    %add3A_38 = arith.addf %add3A, %mul3A_37 : vector<40x96x64xf32>
    %get3A_39 = arith.constant 0 : index
    %get3A_40 = arith.constant 0 : index
    %get3A_41 = vector.load %arg6[%get3A_39, %get3A_40] : memref<40x96xf32, #tpu.memory_space<vmem>>, vector<40x96xf32>
    %broadcast_in_dim3A_42 = vector.shape_cast %get3A_41 : vector<40x96xf32> to vector<40x96x1xf32>
    %slice3A_43 = vector.extract_strided_slice %get3A_11 {offsets = [3, 0], sizes = [1, 64], strides = [1, 1]} : vector<8x64xf32> to vector<1x64xf32>
    %squeeze3A_44 = vector.shape_cast %slice3A_43 : vector<1x64xf32> to vector<64xf32>
    %broadcast_in_dim3A_45 = vector.shape_cast %squeeze3A_44 : vector<64xf32> to vector<1x1x64xf32>
    %mul3A_46 = vector.broadcast %broadcast_in_dim3A_42 : vector<40x96x1xf32> to vector<40x96x64xf32>
    %mul3A_47 = vector.broadcast %broadcast_in_dim3A_45 : vector<1x1x64xf32> to vector<40x96x64xf32>
    %mul3A_48 = arith.mulf %mul3A_46, %mul3A_47 : vector<40x96x64xf32>
    %add3A_49 = arith.addf %add3A_38, %mul3A_48 : vector<40x96x64xf32>
    %get3A_50 = arith.constant 0 : index
    %get3A_51 = arith.constant 0 : index
    %get3A_52 = vector.load %arg7[%get3A_50, %get3A_51] : memref<40x96xf32, #tpu.memory_space<vmem>>, vector<40x96xf32>
    %broadcast_in_dim3A_53 = vector.shape_cast %get3A_52 : vector<40x96xf32> to vector<40x96x1xf32>
    %slice3A_54 = vector.extract_strided_slice %get3A_11 {offsets = [4, 0], sizes = [1, 64], strides = [1, 1]} : vector<8x64xf32> to vector<1x64xf32>
    %squeeze3A_55 = vector.shape_cast %slice3A_54 : vector<1x64xf32> to vector<64xf32>
    %broadcast_in_dim3A_56 = vector.shape_cast %squeeze3A_55 : vector<64xf32> to vector<1x1x64xf32>
    %mul3A_57 = vector.broadcast %broadcast_in_dim3A_53 : vector<40x96x1xf32> to vector<40x96x64xf32>
    %mul3A_58 = vector.broadcast %broadcast_in_dim3A_56 : vector<1x1x64xf32> to vector<40x96x64xf32>
    %mul3A_59 = arith.mulf %mul3A_57, %mul3A_58 : vector<40x96x64xf32>
    %add3A_60 = arith.addf %add3A_49, %mul3A_59 : vector<40x96x64xf32>
    %broadcast_in_dim3A_61 = vector.shape_cast %dot_general3A_5 : vector<40x64xf32> to vector<40x1x64xf32>
    %add3A_62 = vector.broadcast %broadcast_in_dim3A_61 : vector<40x1x64xf32> to vector<40x96x64xf32>
    %add3A_63 = arith.addf %reshape3A, %add3A_62 : vector<40x96x64xf32>
    %add3A_64 = arith.addf %add3A_63, %add3A_60 : vector<40x96x64xf32>
    %max3A = arith.constant 0.000000e+00 : f32
    %max3A_65 = vector.broadcast %max3A : f32 to vector<40x96x64xf32>
    %max3A_66 = arith.maximumf %add3A_64, %max3A_65 : vector<40x96x64xf32>
    %reshape3A_67 = vector.shape_cast %max3A_66 : vector<40x96x64xf32> to vector<3840x64xf32>
    %get3A_68 = arith.constant 0 : index
    %get3A_69 = arith.constant 0 : index
    %get3A_70 = vector.load %arg10[%get3A_68, %get3A_69] : memref<64x64xf32, #tpu.memory_space<vmem>>, vector<64x64xf32>
    %dot_general3A_71 = arith.constant dense<0.000000e+00> : vector<3840x64xf32>
    %dot_general3A_72 = tpu.matmul %reshape3A_67, %get3A_70, %dot_general3A_71 {dimension_numbers = #tpu.dot_dimension_numbers<[1], [0], [0], [1], [0, 0, 1, 1], [], []>, transpose_lhs_hint = false} : vector<3840x64xf32>, vector<64x64xf32>, vector<3840x64xf32> -> vector<3840x64xf32>
    %get3A_73 = arith.constant 0 : index
    %get3A_74 = arith.constant 0 : index
    %get3A_75 = vector.load %arg11[%get3A_73, %get3A_74] : memref<1x64xf32, #tpu.memory_space<vmem>>, vector<1x64xf32>
    %add3A_76 = vector.broadcast %get3A_75 : vector<1x64xf32> to vector<3840x64xf32>
    %add3A_77 = arith.addf %dot_general3A_72, %add3A_76 : vector<3840x64xf32>
    %max3A_78 = arith.constant 0.000000e+00 : f32
    %max3A_79 = vector.broadcast %max3A_78 : f32 to vector<3840x64xf32>
    %max3A_80 = arith.maximumf %add3A_77, %max3A_79 : vector<3840x64xf32>
    %reshape3A_81 = vector.shape_cast %max3A_80 : vector<3840x64xf32> to vector<40x96x64xf32>
    %reduce_max3A = arith.constant dense<0xFF800000> : vector<40x64xf32>
    %reduce_max3A_82 = vector.multi_reduction <maximumf>, %reshape3A_81, %reduce_max3A [1] : vector<40x96x64xf32> to vector<40x64xf32>
    %get3A_83 = arith.constant 0 : index
    %get3A_84 = arith.constant 0 : index
    %get3A_85 = vector.load %arg12[%get3A_83, %get3A_84] : memref<64x65xf32, #tpu.memory_space<vmem>>, vector<64x65xf32>
    %dot_general3A_86 = arith.constant dense<0.000000e+00> : vector<40x65xf32>
    %dot_general3A_87 = tpu.matmul %reduce_max3A_82, %get3A_85, %dot_general3A_86 {dimension_numbers = #tpu.dot_dimension_numbers<[1], [0], [0], [1], [0, 0, 1, 1], [], []>, transpose_lhs_hint = false} : vector<40x64xf32>, vector<64x65xf32>, vector<40x65xf32> -> vector<40x65xf32>
    %get3A_88 = arith.constant 0 : index
    %get3A_89 = arith.constant 0 : index
    %get3A_90 = vector.load %arg13[%get3A_88, %get3A_89] : memref<1x65xf32, #tpu.memory_space<vmem>>, vector<1x65xf32>
    %add3A_91 = vector.broadcast %get3A_90 : vector<1x65xf32> to vector<40x65xf32>
    %add3A_92 = arith.addf %dot_general3A_87, %add3A_91 : vector<40x65xf32>
    %add3A_93 = arith.addf %get3A_1, %add3A_92 : vector<40x65xf32>
    %swap3A = arith.constant 0 : index
    %swap3A_94 = arith.constant 0 : index
    %swap3A_95 = vector.load %arg18[%swap3A, %swap3A_94] : memref<40x65xf32, #tpu.memory_space<vmem>>, vector<40x65xf32>
    tpu.vector_store %arg18[%swap3A, %swap3A_94], %add3A_93 {strides = array<i32>} : memref<40x65xf32, #tpu.memory_space<vmem>>, vector<40x65xf32>,
    %get3A_96 = arith.constant 0 : index
    %get3A_97 = arith.constant 0 : index
    %get3A_98 = vector.load %arg14[%get3A_96, %get3A_97] : memref<65x64xf32, #tpu.memory_space<vmem>>, vector<65x64xf32>
    %dot_general3A_99 = arith.constant dense<0.000000e+00> : vector<40x64xf32>
    %dot_general3A_100 = tpu.matmul %add3A_93, %get3A_98, %dot_general3A_99 {dimension_numbers = #tpu.dot_dimension_numbers<[1], [0], [0], [1], [0, 0, 1, 1], [], []>, transpose_lhs_hint = false} : vector<40x65xf32>, vector<65x64xf32>, vector<40x64xf32> -> vector<40x64xf32>
    %get3A_101 = arith.constant 0 : index
    %get3A_102 = arith.constant 0 : index
    %get3A_103 = vector.load %arg15[%get3A_101, %get3A_102] : memref<1x64xf32, #tpu.memory_space<vmem>>, vector<1x64xf32>
    %add3A_104 = vector.broadcast %get3A_103 : vector<1x64xf32> to vector<40x64xf32>
    %add3A_105 = arith.addf %dot_general3A_100, %add3A_104 : vector<40x64xf32>
    %max3A_106 = arith.constant 0.000000e+00 : f32
    %max3A_107 = vector.broadcast %max3A_106 : f32 to vector<40x64xf32>
    %max3A_108 = arith.maximumf %add3A_105, %max3A_107 : vector<40x64xf32>
    %get3A_109 = arith.constant 0 : index
    %get3A_110 = arith.constant 0 : index
    %get3A_111 = vector.load %arg16[%get3A_109, %get3A_110] : memref<64x1xf32, #tpu.memory_space<vmem>>, vector<64x1xf32>
    %dot_general3A_112 = arith.constant dense<0.000000e+00> : vector<40x1xf32>
    %dot_general3A_113 = tpu.matmul %max3A_108, %get3A_111, %dot_general3A_112 {dimension_numbers = #tpu.dot_dimension_numbers<[1], [0], [0], [1], [0, 0, 1, 1], [], []>, transpose_lhs_hint = false} : vector<40x64xf32>, vector<64x1xf32>, vector<40x1xf32> -> vector<40x1xf32>
    %get3A_114 = arith.constant 0 : index
    %get3A_115 = arith.constant 0 : index
    %get3A_116 = vector.load %arg17[%get3A_114, %get3A_115] : memref<1x1xf32, #tpu.memory_space<vmem>>, vector<1x1xf32>
    %add3A_117 = vector.broadcast %get3A_116 : vector<1x1xf32> to vector<40x1xf32>
    %add3A_118 = arith.addf %dot_general3A_113, %add3A_117 : vector<40x1xf32>
    %swap3A_119 = arith.constant 0 : index
    %swap3A_120 = arith.constant 0 : index
    %swap3A_121 = vector.load %arg19[%swap3A_119, %swap3A_120] : memref<40x1xf32, #tpu.memory_space<vmem>>, vector<40x1xf32>
    tpu.vector_store %arg19[%swap3A_119, %swap3A_120], %add3A_118 {strides = array<i32>} : memref<40x1xf32, #tpu.memory_space<vmem>>, vector<40x1xf32>,
    return
  }
  func.func @transform_0(%arg0: i32) -> (i32, i32) {
    %c0_i32 = arith.constant 0 : i32
    %c0_i32_0 = arith.constant 0 : i32
    return %arg0, %c0_i32 : i32, i32
  }
  func.func @transform_1(%arg0: i32) -> (i32, i32) {
    %c0_i32 = arith.constant 0 : i32
    %c0_i32_0 = arith.constant 0 : i32
    return %arg0, %c0_i32 : i32, i32
  }
  func.func @transform_2(%arg0: i32) -> (i32, i32) {
    %c0_i32 = arith.constant 0 : i32
    %c0_i32_0 = arith.constant 0 : i32
    return %arg0, %c0_i32 : i32, i32
  }
  func.func @transform_3(%arg0: i32) -> (i32, i32) {
    %c0_i32 = arith.constant 0 : i32
    %c0_i32_0 = arith.constant 0 : i32
    return %arg0, %c0_i32 : i32, i32
  }
  func.func @transform_4(%arg0: i32) -> (i32, i32) {
    %c0_i32 = arith.constant 0 : i32
    %c0_i32_0 = arith.constant 0 : i32
    return %arg0, %c0_i32 : i32, i32
  }
  func.func @transform_5(%arg0: i32) -> (i32, i32) {
    %c0_i32 = arith.constant 0 : i32
    %c0_i32_0 = arith.constant 0 : i32
    return %arg0, %c0_i32 : i32, i32
  }
  func.func @transform_6(%arg0: i32) -> (i32, i32) {
    %c0_i32 = arith.constant 0 : i32
    %c0_i32_0 = arith.constant 0 : i32
    return %arg0, %c0_i32 : i32, i32
  }
  func.func @transform_7(%arg0: i32) -> (i32, i32) {
    %c0_i32 = arith.constant 0 : i32
    %c0_i32_0 = arith.constant 0 : i32
    %c0_i32_1 = arith.constant 0 : i32
    return %c0_i32, %c0_i32_0 : i32, i32
  }
  func.func @transform_8(%arg0: i32) -> (i32, i32) {
    %c0_i32 = arith.constant 0 : i32
    %c0_i32_0 = arith.constant 0 : i32
    %c0_i32_1 = arith.constant 0 : i32
    return %c0_i32, %c0_i32_0 : i32, i32
  }
  func.func @transform_9(%arg0: i32) -> (i32, i32) {
    %c0_i32 = arith.constant 0 : i32
    %c0_i32_0 = arith.constant 0 : i32
    %c0_i32_1 = arith.constant 0 : i32
    return %c0_i32, %c0_i32_0 : i32, i32
  }
  func.func @transform_10(%arg0: i32) -> (i32, i32) {
    %c0_i32 = arith.constant 0 : i32
    %c0_i32_0 = arith.constant 0 : i32
    %c0_i32_1 = arith.constant 0 : i32
    return %c0_i32, %c0_i32_0 : i32, i32
  }
  func.func @transform_11(%arg0: i32) -> (i32, i32) {
    %c0_i32 = arith.constant 0 : i32
    %c0_i32_0 = arith.constant 0 : i32
    %c0_i32_1 = arith.constant 0 : i32
    return %c0_i32, %c0_i32_0 : i32, i32
  }
  func.func @transform_12(%arg0: i32) -> (i32, i32) {
    %c0_i32 = arith.constant 0 : i32
    %c0_i32_0 = arith.constant 0 : i32
    %c0_i32_1 = arith.constant 0 : i32
    return %c0_i32, %c0_i32_0 : i32, i32
  }
  func.func @transform_13(%arg0: i32) -> (i32, i32) {
    %c0_i32 = arith.constant 0 : i32
    %c0_i32_0 = arith.constant 0 : i32
    %c0_i32_1 = arith.constant 0 : i32
    return %c0_i32, %c0_i32_0 : i32, i32
  }
  func.func @transform_14(%arg0: i32) -> (i32, i32) {
    %c0_i32 = arith.constant 0 : i32
    %c0_i32_0 = arith.constant 0 : i32
    %c0_i32_1 = arith.constant 0 : i32
    return %c0_i32, %c0_i32_0 : i32, i32
  }
  func.func @transform_15(%arg0: i32) -> (i32, i32) {
    %c0_i32 = arith.constant 0 : i32
    %c0_i32_0 = arith.constant 0 : i32
    %c0_i32_1 = arith.constant 0 : i32
    return %c0_i32, %c0_i32_0 : i32, i32
  }
  func.func @transform_16(%arg0: i32) -> (i32, i32) {
    %c0_i32 = arith.constant 0 : i32
    %c0_i32_0 = arith.constant 0 : i32
    %c0_i32_1 = arith.constant 0 : i32
    return %c0_i32, %c0_i32_0 : i32, i32
  }
  func.func @transform_17(%arg0: i32) -> (i32, i32) {
    %c0_i32 = arith.constant 0 : i32
    %c0_i32_0 = arith.constant 0 : i32
    return %arg0, %c0_i32 : i32, i32
  }
  func.func @transform_18(%arg0: i32) -> (i32, i32) {
    %c0_i32 = arith.constant 0 : i32
    %c0_i32_0 = arith.constant 0 : i32
    return %arg0, %c0_i32 : i32, i32
  }
}

</mosaic_0001>

<sc_bundles>
// kernel: kernel.11.cloned.1.call-start
scs
__scs_entry_jumppad:
0x0: {  	(pc) =	sbr.rel $0x88, $3  }
0x1: {  	(tag) =	ssettag $0x0;
	lr =	simm.s32 $0x1  }
0x2: {  	[smem:$0x3F8F] =	sst lr;
	_ =	strace $0xD0000000  }
0x3: {  	_ = 	snop  }
0x4: {  	_ = 	snop  }
0x5: {  	_ = 	snop  }
0x6: {  	_ = 	snop  }
0x7: {  	_ = 	snop  }
__scs_overlays_trampoline_lowered:
0x8: {  	[smem:$0x3F9E] =	sst s0  }
0x9: {  	[smem:$0x3F9F] =	sst s1  }
0xa: {  	[smem:$0x3FA0] =	sst s2  }
0xb: {  	[smem:$0x3FA1] =	sst s3  }
0xc: {  	[smem:$0x3FA2] =	sst s4  }
0xd: {  	[smem:$0x3FA3] =	sst s5  }
0xe: {  	[smem:$0x3FA4] =	sst s6  }
0xf: {  	[smem:$0x3FA5] =	sst s7  }
0x10: {  	[smem:$0x3FA6] =	sst s8  }
0x11: {  	[smem:$0x3FA7] =	sst s9;
	s0 =	simm.s32 @!p0 $0x0  }
0x12: {  	s1 =	sld [smem:$0x3F8D];
	s0 =	simm.s32 @p0 $0x1  }
0x13: {  	[smem:$0x3FA8] =	sst s0;
	s0 =	simm.s32 @!p1 $0x0  }
0x14: {  	s2 =	sld [smem:$0x3F8C];
	s0 =	simm.s32 @p1 $0x1  }
0x15: {  	[smem:$0x3FA9] =	sst s0;
	s0 =	simm.s32 @!p2 $0x0  }
0x16: {  	s3 =	sld [smem:$0x3FDB];
	s0 =	simm.s32 @p2 $0x1  }
0x17: {  	s4 =	simm.s32 $0x1BF5;
	[smem:$0x3FAB] =	sst s0  }
0x18: {  	s0 =	sld [smem:$0x3F8E];
	_ =	swait.ge [sflag:s4], $0x0  }
0x19: {  	s7 =	sld [smem:$0x3F8F]  }
0x1a: {  	s8 =	sadd.s32 $0xFFFFE003, lr  }
0x1b: {  	s9 =	sadd.s32 $0xFFFFFEF7, lr;
	s5 =	simm.s32 $0xFFFFFFFF;
	p2 =	slt.u32 s8, $0xFFFFF086  }
0x1c: {  	p1 =	slt.u32 s9, $0xF7A;
	s5 =	simm.s32 @!p2 $0x0  }
0x1d: {  	s5 =	simm.s32 @p1 $0x1;
	p0 =	seq.s32 s7, s2  }
0x1e: {  	s7 =	smul.u32 @!p0 $0xF7A, s2;
	p2 =	seq.s32 @!p0 s5, $0x0  }
0x1f: {  	s9 =	smul.u32 $0xF7A, s1;
	s8 =	simm.s32 @!p0 $0x1BF5;
	p2 =	por !p2, p0  }
0x20: {  	[sflag:s8] =	ssyncset.s32 @!p0 $0xFFFFF086;
	s6 =	sadd.s32 @!p0 s3, s7;
	s7 =	simm.s32 @!p0 $0x108  }
0x21: {  	s3 =	sadd.s32 s3, s9;
	s6 =	sadd.s32 @!p0 $0x88, s6;
	s7 =	simm.s32 @p2 $0x1082  }
0x22: {  	[simem:s7], [sflag:s8] =	dma.local @!p0 [hbm:s6], $0xF7A  }
0x23: {  	s9 =	sor.u32 $0xD0000000, s2;
	s6 =	simm.s32 $0x108;
	_ =	swait.ge @!p0 [sflag:s8], $0x0  }
0x24: {  	s3 =	sadd.s32 $0x88, s3;
	s6 =	simm.s32 @!p1 $0x1082;
	[sflag:s4] =	ssyncset.s32 $0xFFFFF086  }
0x25: {  	[simem:s6], [sflag:s4] =	dma.local [hbm:s3], $0xF7A  }
0x26: {  	[smem:$0x3F8F] =	sst s1;
	(tag) =	ssettag s2;
	_ =	strace s9  }
0x27: {  	s1 =	sld [smem:$0x3F9F]  }
0x28: {  	s2 =	sld [smem:$0x3FA0]  }
0x29: {  	s4 =	sld [smem:$0x3FA2]  }
0x2a: {  	p0 =	seq.s32 s5, $0x0;
	s5 =	sld [smem:$0x3FA3]  }
0x2b: {  	s6 =	sld [smem:$0x3FA4]  }
0x2c: {  	s7 =	sld [smem:$0x3FA5]  }
0x2d: {  	s3 =	simm.s32 $0x108;
	s8 =	sld [smem:$0x3FA6]  }
0x2e: {  	s3 =	simm.s32 @!p0 $0x1082;
	s9 =	sld [smem:$0x3FA7]  }
0x2f: {  	lr =	sadd.s32 s0, s3;
	s0 =	sld [smem:$0x3F9E]  }
0x30: {  	s3 =	sld [smem:$0x3FA1]  }
0x31: {  	[smem:$0x3FAA] =	sst s10  }
0x32: {  	s10 =	sld [smem:$0x3FA8];
	_ =	sdelay $0x3  }
0x33: {  	p0 =	seq.s32 s10, $0x1;
	s10 =	sld [smem:$0x3FAA];
	_ =	sdelay $0x3  }
0x34: {  	[smem:$0x3FAA] =	sst s10  }
0x35: {  	s10 =	sld [smem:$0x3FA9];
	_ =	sdelay $0x3  }
0x36: {  	p1 =	seq.s32 s10, $0x1;
	s10 =	sld [smem:$0x3FAA];
	_ =	sdelay $0x3  }
0x37: {  	[smem:$0x3FAA] =	sst s10  }
0x38: {  	s10 =	sld [smem:$0x3FAB]  }
0x39: {  	_ = 	snop;
	(pc) =	sbr.ind lr, $3  }
0x3a: {  	_ = 	snop  }
0x3b: {  	_ = 	snop  }
0x3c: {  	p2 =	seq.s32 s10, $0x1;
	s10 =	sld [smem:$0x3FAA]  }
0x3d: {  	_ =	shalt  }
0x3e: {  	_ =	shalt  }
0x3f: {  	_ =	shalt  }
0x40: {  	_ =	shalt  }
0x41: {  	_ =	shalt  }
0x42: {  	_ =	shalt  }
0x43: {  	_ =	shalt  }
0x44: {  	_ =	shalt  }
0x45: {  	_ =	shalt  }
0x46: {  	_ =	shalt  }
0x47: {  	_ =	shalt  }
0x48: {  	_ =	shalt  }
0x49: {  	_ =	shalt  }
0x4a: {  	_ =	shalt  }
0x4b: {  	_ =	shalt  }
0x4c: {  	_ =	shalt  }
0x4d: {  	_ =	shalt  }
0x4e: {  	_ =	shalt  }
0x4f: {  	_ =	shalt  }
0x50: {  	_ =	shalt  }
0x51: {  	_ =	shalt  }
0x52: {  	_ =	shalt  }
0x53: {  	_ =	shalt  }
0x54: {  	_ =	shalt  }
0x55: {  	_ =	shalt  }
0x56: {  	_ =	shalt  }
0x57: {  	_ =	shalt  }
0x58: {  	_ =	shalt  }
0x59: {  	_ =	shalt  }
0x5a: {  	_ =	shalt  }
0x5b: {  	_ =	shalt  }
0x5c: {  	_ =	shalt  }
0x5d: {  	_ =	shalt  }
0x5e: {  	_ =	shalt  }
0x5f: {  	_ =	shalt  }
0x60: {  	_ =	shalt  }
0x61: {  	_ =	shalt  }
0x62: {  	_ =	shalt  }
0x63: {  	_ =	shalt  }
0x64: {  	_ =	shalt  }
0x65: {  	_ =	shalt  }
0x66: {  	_ =	shalt  }
0x67: {  	_ =	shalt  }
0x68: {  	_ =	shalt  }
0x69: {  	_ =	shalt  }
0x6a: {  	_ =	shalt  }
0x6b: {  	_ =	shalt  }
0x6c: {  	_ =	shalt  }
0x6d: {  	_ =	shalt  }
0x6e: {  	_ =	shalt  }
0x6f: {  	_ =	shalt  }
0x70: {  	_ =	shalt  }
0x71: {  	_ =	shalt  }
0x72: {  	_ =	shalt  }
0x73: {  	_ =	shalt  }
0x74: {  	_ =	shalt  }
0x75: {  	_ =	shalt  }
0x76: {  	_ =	shalt  }
0x77: {  	_ =	shalt  }
0x78: {  	_ =	shalt  }
0x79: {  	_ =	shalt  }
0x7a: {  	_ =	shalt  }
0x7b: {  	_ =	shalt  }
0x7c: {  	_ =	shalt  }
0x7d: {  	_ =	shalt  }
0x7e: {  	_ =	shalt  }
0x7f: {  	_ =	shalt  }
0x80: {  	_ =	shalt  }
0x81: {  	_ =	shalt  }
0x82: {  	_ =	shalt  }
0x83: {  	_ =	shalt  }
0x84: {  	_ =	shalt  }
0x85: {  	_ =	shalt  }
0x86: {  	_ =	shalt  }
0x87: {  	_ =	shalt  }
.Lfunc_end0:
.L_simem_size_0:
called_computation.1_lowered:
.L_overlay_start_0:
0x88: {  	s2 =	sld [smem:$0x3FD9]  }
0x89: {  	s3 =	sld [smem:$0x3FFE];
	_ =	sdelay $0x1  }
0x8a: {  	s1 =	srdreg.scid  }
0x8b: {  	s0 =	sand.u32 $0x1, s1  }
0x8c: {  	s16 =	sshll.u32 s0, $0xA;
	s2 =	sadd.s32 s3, s2  }
0x8d: {  	s2 =	sadd.s32 s2, s16  }
0x8e: {  	[smem:$0x3FB6] =	sst s2  }
0x8f: {  	_ = 	snop  }
0x90: {  	(tm) =	ssettm $0x1  }
0x91: {  	s17 =	sld [smem:$0x3FFB];
	_ =	sdelay $0x3  }
0x92: {  	_ =	strace s17  }
0x93: {  	s2 =	sld [smem:$0x3FFC];
	_ =	sdelay $0x3  }
0x94: {  	_ =	strace s2  }
0x95: {  	s2 =	sld [smem:$0x3FFD];
	_ =	sdelay $0x3  }
0x96: {  	_ =	strace s2  }
0x97: {  	_ =	strace $0x8FFFFFFF  }
0x98: {  	s18 =	sld [smem:$0x3FDB];
	_ =	sdelay $0x1  }
0x99: {  	s19 =	simm.s32 $_scs_section_size  }
0x9a: {  	s4 =	simm.s32 $_size__tile_overlayer_lowered;
	s5 =	simm.s32 $_tile_overlayer_lowered  }
0x9b: {  	s22 =	simm.s32 $0x1BFF;
	s21 =	sshll.u32 s5, $0x1;
	s2 =	sadd.s32 s19, s18  }
0x9c: {  	s6 =	simm.s32 $0x0;
	s20 =	sshll.u32 s4, $0x1;
	s4 =	sadd.s32 s21, s2  }
0x9d: {  	[timem:s6], [sflag:s22] =	dma.local [hbm:s4], s20  }
0x9e: {  	_ =	swait.ge [sflag:s22], s20  }
0x9f: {  	s3 =	ssub.s32 $0x0, s20;
	[sflag:s22] =	ssyncset.done $0x0  }
0xa0: {  	[sflag:s22] =	ssyncadd.s32 s3;
	_ =	sdelay $0x1  }
0xa1: {  	s23 =	simm.s32 $0x1B8B  }
0xa2: {  	_ =	swait.ge [sflag:s23], $0x1  }
0xa3: {  	[sflag:s23] =	ssyncset.done $0x0  }
0xa4: {  	s25 =	simm.s32 $0x1B8E;
	s24 =	sld [smem:$0x3FFE];
	[sflag:s23] =	ssyncadd.s32 $0xFFFFFFFF  }
0xa5: {  	s26 =	simm.s32 $execute0_lowered;
	[smem:$0x3FD2] =	sst s25  }
0xa6: {  	s4 =	sshll.u32 s26, $0x1;
	_ =	strace $0x80000049;
	[dreg:$0x1] =	wrdreg $0xFFFFFFFF  }
0xa7: {  	s28 =	simm.s32 $_size_execute0_lowered;
	s2 =	sadd.s32 s2, s4;
	[dreg:$0x0] =	wrdreg $0x0  }
0xa8: {  	s4 =	sshll.u32 s28, $0x1;
	[dreg:$0x2] =	wrdreg s2  }
0xa9: {  	[dreg:$0x3] =	wrdreg s4  }
0xaa: {  	[dreg:$0x4] =	wrdreg $0xC0  }
0xab: {  	_ =	task [dreg:s6], $0x5FFFF  }
0xac: {  	[dreg:$0x1] =	wrdreg $0xFFFFFFFF  }
0xad: {  	[dreg:$0x0] =	wrdreg $0x60  }
0xae: {  	[dreg:$0x2] =	wrdreg s24  }
0xaf: {  	[dreg:$0x3] =	wrdreg $0x9  }
0xb0: {  	_ =	task.clear_ibuf [dreg:s6], $0x4FFFF;
	_ =	strace $0x90000049  }
0xb1: {  	s29 =	simm.s32 $0x9;
	_ =	strace $0x8000004B  }
0xb2: {  	_ =	swait.ge [sflag:s29], $0x1  }
0xb3: {  	[sflag:s29] =	ssyncadd.s32 $0xFFFFFFFF  }
0xb4: {  	_ =	strace $0x9000004B  }
0xb5: {  	_ =	sfence  }
0xb6: {  	s30 =	sld [smem:$0x0];
	_ =	sdelay $0x2  }
0xb7: {  	s31 =	sshll.u32 s1, $0xD;
	s1 =	sshrl.u32 s1, $0x2  }
0xb8: {  	s3 =	sand.u32 $0x4000, s31;
	s1 =	sadd.s32 s1, s30  }
0xb9: {  	s0 =	sor.u32 s3, s0;
	s1 =	sshll.u32 s1, $0x11  }
0xba: {  	s0 =	sor.u32 s1, s0  }
0xbb: {  	s0 =	sadd.s32 $0x8F2B, s0  }
0xbc: {  	[sflag:s0] =	ssyncadd.remote.s32 $0x1  }
0xbd: {  	_ =	sfence.sel $0xFFFF  }
0xbe: {  	[dreg:$0x0] =	wrdreg $0xFFFFFFFF;
	(pc) =	sbr.abs _section_cstart, $3  }
0xbf: {  	[dreg:$0x1] =	wrdreg $0xFFFFFFFF  }
0xc0: {  	_ =	task.clear_ibuf [dreg:s6], $0x2FFFF;
	_ =	strace $0x9FFFFFFF  }
0xc1: {  	(tm) =	ssettm $0x7FFFFFFF  }
tec
execute0_lowered:
.L_overlay_start_1:
0x0: {  	(tag) =	ssettag $0x1  }
0x1: {  	s5 =	rddreg [dreg:$0x0]  }
0x2: {  	s0 =	rddreg [dreg:$0x1]  }
0x3: {  	s2 =	simm.s32 $0x0;
	s3 =	srdreg.scid;
	s1 =	stileid.u32  }
0x4: {  	s17 =	simm.s32 $0x600;
	s18 =	simm.s32 $0x1;
	s19 =	simm.s32 $0x5  }
0x5: {  	s20 =	simm.s32 $0xC600;
	s21 =	simm.s32 $0x2;
	s22 =	simm.s32 $0x3  }
0x6: {  	s23 =	simm.s32 $0x0;
	[smem:$0x7FF] =	sst s2;
	s6 =	sand.u32 $0x1, s3  }
0x7: {  	s4 =	sshll.u32 s1, $0x1;
	s3 =	sadd.s32 $0x76800, s5;
	s14 =	smul.u32 $0x7800, s1  }
0x8: {  	s13 =	sadd.s32 $0x80800, s5;
	s7 =	sor.u32 s6, s4;
	s15 =	smul.u32 $0x3C00, s6  }
0x9: {  	_ =	strace $0x8000004A;
	s8 =	ssub.s32 $0x2, s6;
	s9 =	smul.u32 $0x3C00, s7  }
0xa: {  	s4 =	sadd.s32 $0x53E00, s5;
	s10 =	sshrl.u32 s8, $0x1;
	s11 =	smul.u32 $0x1E000, s7  }
0xb: {  	s16 =	ssub.s32 s8, s10;
	s30 =	sadd.s32 s15, s14;
	s15 =	simm.s32 $0x300  }
0xc: {  	s28 =	sshrl.u32 s9, $0x3;
	s12 =	sor.u32 $0x300, s9;
	s8 =	sadd.s32 s13, s11  }
0xd: {  	s10 =	sadd.s32 $0x900, s30;
	s14 =	sshll.u32 s30, $0x3;
	s5 =	sadd.s32 s4, s28  }
0xe: {  	s29 =	sshrl.u32 s12, $0x3;
	s12 =	sshll.u32 s12, $0x3;
	s31 =	sshll.u32 s10, $0x3  }
0xf: {  	s14 =	sadd.s32 s13, s14;
	s6 =	sadd.s32 s4, s29;
	s7 =	sadd.s32 $0xC0, s5  }
0x10: {  	s9 =	sadd.s32 $0x120, s5;
	s11 =	sadd.s32 s13, s12;
	s12 =	smax.u32 s16, $0x1  }
0x11: {  	s13 =	sadd.s32 s31, s13;
	s14 =	sadd.s32 $0x3000, s14;
	s16 =	simm.s32 $0x4  }
.LBB2_1:
0x12: {  	[tilespmem:s2], [sflag:$0x4] =	stream.linear.gather [hbm4b:s5+s2], $0x300, $0x38;
	[tilespmem:$0x18600] =	vst v63  }
0x13: {  	_ = 	snop  }
0x14: {  	[tilespmem:s15], [sflag:$0x5] =	stream.linear.gather [hbm4b:s6+s2], $0x300, $0x38;
	[tilespmem:$0x18600] =	vst v63  }
0x15: {  	_ =	swait.ge [sflag:s16], $0x300  }
0x16: {  	[sflag:s16] =	ssyncset.done $0x0  }
0x17: {  	[sflag:s16] =	ssyncadd.s32 $0xFFFFFD00  }
0x18: {  	[tilespmem:s17], [sflag:$0x1] =	stream.indirect.gather [hbm4b:s3+s15], $0x40, s2, s15, $0xb8;
	[tilespmem:$0x18600] =	vst v63  }
0x19: {  	_ =	swait.ge [sflag:s18], $0xC000  }
0x1a: {  	[sflag:s18] =	ssyncset.done $0x0  }
0x1b: {  	[sflag:s18] =	ssyncadd.s32 $0xFFFF4000  }
0x1c: {  	[tilespmem:s2], [sflag:$0x4] =	stream.linear.gather [hbm4b:s7+s2], $0x300, $0x38;
	[tilespmem:$0x18600] =	vst v63  }
0x1d: {  	_ = 	snop  }
0x1e: {  	[hbm4b:s8+s2] =	stream.linear.scatter [tilespmem:s17], [sflag:$0x2], $0xC000, $0x38;
	[tilespmem:$0x18600] =	vst v63  }
0x1f: {  	_ =	swait.ge [sflag:s19], $0x300  }
0x20: {  	[sflag:s19] =	ssyncset.done $0x0  }
0x21: {  	[sflag:s19] =	ssyncadd.s32 $0xFFFFFD00  }
0x22: {  	[tilespmem:s20], [sflag:$0x1] =	stream.indirect.gather [hbm4b:s3+s15], $0x40, s15, s15, $0xb8;
	[tilespmem:$0x18600] =	vst v63  }
0x23: {  	_ =	swait.ge [sflag:s18], $0xC000  }
0x24: {  	[sflag:s18] =	ssyncset.done $0x0  }
0x25: {  	[sflag:s18] =	ssyncadd.s32 $0xFFFF4000  }
0x26: {  	[tilespmem:s15], [sflag:$0x5] =	stream.linear.gather [hbm4b:s9+s2], $0x300, $0x38;
	[tilespmem:$0x18600] =	vst v63  }
0x27: {  	_ = 	snop  }
0x28: {  	[hbm4b:s11+s2] =	stream.linear.scatter [tilespmem:s20], [sflag:$0x3], $0xC000, $0x38;
	[tilespmem:$0x18600] =	vst v63  }
0x29: {  	_ =	swait.ge [sflag:s16], $0x300  }
0x2a: {  	[sflag:s16] =	ssyncset.done $0x0  }
0x2b: {  	[sflag:s16] =	ssyncadd.s32 $0xFFFFFD00  }
0x2c: {  	s24 =	sadd.s32 $0xFFFFFD00, s10;
	_ =	swait.ge [sflag:s21], $0xC000  }
0x2d: {  	p0 =	slt.s32 s24, $0x77700;
	[sflag:s21] =	ssyncset.done $0x0  }
0x2e: {  	s24 =	simm.s32 @!p0 $0x77700;
	[sflag:s21] =	ssyncadd.s32 $0xFFFF4000  }
0x2f: {  	[tilespmem:s17], [sflag:$0x1] =	stream.indirect.gather [hbm4b:s3+s15], $0x40, s2, s15, $0xb8;
	[tilespmem:$0x18600] =	vst v63  }
0x30: {  	s24 =	sshrl.u32 s24, $0x3;
	_ =	swait.ge [sflag:s18], $0xC000  }
0x31: {  	s24 =	sadd.s32 s4, s24;
	[sflag:s18] =	ssyncset.done $0x0  }
0x32: {  	s24 =	sadd.s32 $0xC0, s24;
	[sflag:s18] =	ssyncadd.s32 $0xFFFF4000  }
0x33: {  	[tilespmem:s2], [sflag:$0x4] =	stream.linear.gather [hbm4b:s24+s2], $0x300, $0x38;
	[tilespmem:$0x18600] =	vst v63  }
0x34: {  	s31 =	sadd.s32 $0x0, s14  }
0x35: {  	[hbm4b:s31+s2] =	stream.linear.scatter [tilespmem:s17], [sflag:$0x2], $0xC000, $0x38;
	[tilespmem:$0x18600] =	vst v63  }
0x36: {  	_ =	swait.ge [sflag:s19], $0x300  }
0x37: {  	[sflag:s19] =	ssyncset.done $0x0  }
0x38: {  	[sflag:s19] =	ssyncadd.s32 $0xFFFFFD00  }
0x39: {  	_ =	swait.ge [sflag:s22], $0xC000  }
0x3a: {  	p0 =	slt.s32 s10, $0x77700;
	s24 =	smov.u32 s10;
	[sflag:s22] =	ssyncset.done $0x0  }
0x3b: {  	s24 =	simm.s32 @!p0 $0x77700;
	[sflag:s22] =	ssyncadd.s32 $0xFFFF4000  }
0x3c: {  	[tilespmem:s20], [sflag:$0x1] =	stream.indirect.gather [hbm4b:s3+s15], $0x40, s15, s15, $0xb8;
	[tilespmem:$0x18600] =	vst v63  }
0x3d: {  	s24 =	sshrl.u32 s24, $0x3;
	_ =	swait.ge [sflag:s18], $0xC000  }
0x3e: {  	s24 =	sadd.s32 s4, s24;
	[sflag:s18] =	ssyncset.done $0x0  }
0x3f: {  	s24 =	sadd.s32 $0xC0, s24;
	[sflag:s18] =	ssyncadd.s32 $0xFFFF4000  }
0x40: {  	[tilespmem:s15], [sflag:$0x5] =	stream.linear.gather [hbm4b:s24+s2], $0x300, $0x38;
	[tilespmem:$0x18600] =	vst v63  }
0x41: {  	s25 =	sadd.s32 $0x0, s13;
	s28 =	simm.s32 $0x3000;
	s24 =	smov.u32 s10  }
.LBB2_2:
0x42: {  	s29 =	sadd.s32 s28, s13  }
0x43: {  	s24 =	sadd.s32 $0x600, s24;
	s30 =	smov.u32 s28;
	s26 =	sadd.s32 $0x3000, s28  }
0x44: {  	[hbm4b:s25+s2] =	stream.linear.scatter [tilespmem:s20], [sflag:$0x3], $0xC000, $0x38;
	[tilespmem:$0x18600] =	vst v63  }
0x45: {  	p0 =	sne.s32 s28, $0x18000;
	s25 =	smov.u32 s29;
	_ =	swait.ge [sflag:s16], $0x300  }
0x46: {  	[sflag:s16] =	ssyncset.done $0x0  }
0x47: {  	[sflag:s16] =	ssyncadd.s32 $0xFFFFFD00  }
0x48: {  	_ =	swait.ge [sflag:s21], $0xC000  }
0x49: {  	s28 =	sadd.s32 $0xFFFFFD00, s24;
	[sflag:s21] =	ssyncset.done $0x0  }
0x4a: {  	p1 =	slt.s32 s28, $0x77700;
	[sflag:s21] =	ssyncadd.s32 $0xFFFF4000  }
0x4b: {  	[tilespmem:s17], [sflag:$0x1] =	stream.indirect.gather [hbm4b:s3+s15], $0x40, s2, s15, $0xb8;
	[tilespmem:$0x18600] =	vst v63  }
0x4c: {  	s28 =	simm.s32 @!p1 $0x77700;
	_ =	swait.ge [sflag:s18], $0xC000  }
0x4d: {  	s28 =	sshrl.u32 s28, $0x3;
	[sflag:s18] =	ssyncset.done $0x0  }
0x4e: {  	s28 =	sadd.s32 s4, s28;
	[sflag:s18] =	ssyncadd.s32 $0xFFFF4000  }
0x4f: {  	s29 =	sadd.s32 s30, s14;
	s28 =	sadd.s32 $0xC0, s28  }
0x50: {  	[tilespmem:s2], [sflag:$0x4] =	stream.linear.gather [hbm4b:s28+s2], $0x300, $0x38;
	[tilespmem:$0x18600] =	vst v63  }
0x51: {  	_ = 	snop  }
0x52: {  	[hbm4b:s29+s2] =	stream.linear.scatter [tilespmem:s17], [sflag:$0x2], $0xC000, $0x38;
	[tilespmem:$0x18600] =	vst v63  }
0x53: {  	_ =	swait.ge [sflag:s19], $0x300  }
0x54: {  	[sflag:s19] =	ssyncset.done $0x0  }
0x55: {  	[sflag:s19] =	ssyncadd.s32 $0xFFFFFD00  }
0x56: {  	_ =	swait.ge [sflag:s22], $0xC000  }
0x57: {  	p1 =	slt.s32 s24, $0x77700;
	s28 =	smov.u32 s24;
	[sflag:s22] =	ssyncset.done $0x0  }
0x58: {  	s28 =	simm.s32 @!p1 $0x77700;
	[sflag:s22] =	ssyncadd.s32 $0xFFFF4000  }
0x59: {  	[tilespmem:s20], [sflag:$0x1] =	stream.indirect.gather [hbm4b:s3+s15], $0x40, s15, s15, $0xb8;
	[tilespmem:$0x18600] =	vst v63  }
.Ltmp0:
0x5a: {  	s28 =	sshrl.u32 s28, $0x3;
	_ =	swait.ge [sflag:s18], $0xC000;
	(pc) =	sbr.rel @p0 .LBB2_2-.Ltmp0, $4  }
0x5b: {  	s28 =	sadd.s32 s4, s28;
	[sflag:s18] =	ssyncset.done $0x0  }
0x5c: {  	s28 =	sadd.s32 $0xC0, s28;
	[sflag:s18] =	ssyncadd.s32 $0xFFFF4000  }
0x5d: {  	[tilespmem:s15], [sflag:$0x5] =	stream.linear.gather [hbm4b:s28+s2], $0x300, $0x38;
	[tilespmem:$0x18600] =	vst v63  }
0x5e: {  	s28 =	smov.u32 s26  }
0x5f: {  	[hbm4b:s25+s2] =	stream.linear.scatter [tilespmem:s20], [sflag:$0x3], $0xC000, $0x38;
	[tilespmem:$0x18600] =	vst v63  }
0x60: {  	_ =	swait.ge [sflag:s21], $0xC000  }
0x61: {  	[sflag:s21] =	ssyncset.done $0x0  }
0x62: {  	[sflag:s21] =	ssyncadd.s32 $0xFFFF4000  }
0x63: {  	_ =	swait.ge [sflag:s16], $0x300  }
0x64: {  	[sflag:s16] =	ssyncset.done $0x0  }
0x65: {  	s23 =	sadd.s32 $0x1, s23;
	[sflag:s16] =	ssyncadd.s32 $0xFFFFFD00  }
0x66: {  	p0 =	sne.s32 s23, s12;
	_ =	swait.ge [sflag:s22], $0xC000  }
.Ltmp1:
0x67: {  	[sflag:s22] =	ssyncset.done $0x0;
	(pc) =	sbr.rel @p0 .LBB2_1-.Ltmp1, $4  }
0x68: {  	[sflag:s22] =	ssyncadd.s32 $0xFFFF4000  }
0x69: {  	_ =	swait.ge [sflag:s19], $0x300  }
0x6a: {  	[sflag:s19] =	ssyncset.done $0x0  }
0x6b: {  	[sflag:s19] =	ssyncadd.s32 $0xFFFFFD00  }
0x6c: {  	_ =	sfence.sel $0x180000  }
0x6d: {  	[bflag:$0x0] =	sbarrier.arrive $0xFFFF  }
0x6e: {  	p0 =	sne.s32 s1, $0x0;
	_ =	strace $0x9000004A  }
0x6f: {  	s0 =	sadd.s32 @!p0 $0x100000, s0;
	[bflag:$0x2] =	sbarrier.arrive $0xFFFF  }
0x70: {  	[sflag:s0] =	ssyncadd.tile.s32 @!p0 $0x1;
	_ =	shalt  }
.Lfunc_end2:
_tile_overlayer_lowered:
.L_overlay_start_2:
0x71: {  	(tag) =	ssettag $0x2  }
0x72: {  	s0 =	rddreg [dreg:$0x0];
	s2 =	stileid.u32  }
0x73: {  	s1 =	rddreg [dreg:$0x1];
	p0 =	sne.s32 s2, $0x0  }
0x74: {  	s3 =	rddreg [dreg:$0x2];
	[bflag:$0x3] =	sbarrier.arrive $0xFFFF;
	s2 =	simm.s32 @!p0 $0x1C06  }
0x75: {  	[timem:s3], [sflag:s2] =	dma.local @!p0 [hbm:s0], s1  }
0x76: {  	s0 =	simm.s32 @!p0 $0x6  }
0x77: {  	_ =	swait.ge @!p0 [sflag:s0], s1  }
0x78: {  	s1 =	ssub.s32 @!p0 $0x0, s1;
	[sflag:s0] =	ssyncset.done @!p0 $0x0  }
0x79: {  	[sflag:s0] =	ssyncadd.s32 @!p0 s1  }
0x7a: {  	[bflag:$0x3] =	sbarrier.arrive $0xFFFF  }
0x7b: {  	_ =	shalt  }

// kernel: kernel.14.cloned.1.call-start
scs
__scs_entry_jumppad:
0x0: {  	(pc) =	sbr.rel $0x88, $3  }
0x1: {  	(tag) =	ssettag $0x0;
	lr =	simm.s32 $0x1  }
0x2: {  	[smem:$0x3F8F] =	sst lr;
	_ =	strace $0xD0000000  }
0x3: {  	_ = 	snop  }
0x4: {  	_ = 	snop  }
0x5: {  	_ = 	snop  }
0x6: {  	_ = 	snop  }
0x7: {  	_ = 	snop  }
__scs_overlays_trampoline_lowered:
0x8: {  	[smem:$0x3F9E] =	sst s0  }
0x9: {  	[smem:$0x3F9F] =	sst s1  }
0xa: {  	[smem:$0x3FA0] =	sst s2  }
0xb: {  	[smem:$0x3FA1] =	sst s3  }
0xc: {  	[smem:$0x3FA2] =	sst s4  }
0xd: {  	[smem:$0x3FA3] =	sst s5  }
0xe: {  	[smem:$0x3FA4] =	sst s6  }
0xf: {  	[smem:$0x3FA5] =	sst s7  }
0x10: {  	[smem:$0x3FA6] =	sst s8  }
0x11: {  	[smem:$0x3FA7] =	sst s9;
	s0 =	simm.s32 @!p0 $0x0  }
0x12: {  	s1 =	sld [smem:$0x3F8D];
	s0 =	simm.s32 @p0 $0x1  }
0x13: {  	[smem:$0x3FA8] =	sst s0;
	s0 =	simm.s32 @!p1 $0x0  }
0x14: {  	s2 =	sld [smem:$0x3F8C];
	s0 =	simm.s32 @p1 $0x1  }
0x15: {  	[smem:$0x3FA9] =	sst s0;
	s0 =	simm.s32 @!p2 $0x0  }
0x16: {  	s3 =	sld [smem:$0x3FDB];
	s0 =	simm.s32 @p2 $0x1  }
0x17: {  	s4 =	simm.s32 $0x1BF5;
	[smem:$0x3FAB] =	sst s0  }
0x18: {  	s0 =	sld [smem:$0x3F8E];
	_ =	swait.ge [sflag:s4], $0x0  }
0x19: {  	s7 =	sld [smem:$0x3F8F]  }
0x1a: {  	s8 =	sadd.s32 $0xFFFFE003, lr  }
0x1b: {  	s9 =	sadd.s32 $0xFFFFFEF7, lr;
	s5 =	simm.s32 $0xFFFFFFFF;
	p2 =	slt.u32 s8, $0xFFFFF086  }
0x1c: {  	p1 =	slt.u32 s9, $0xF7A;
	s5 =	simm.s32 @!p2 $0x0  }
0x1d: {  	s5 =	simm.s32 @p1 $0x1;
	p0 =	seq.s32 s7, s2  }
0x1e: {  	s7 =	smul.u32 @!p0 $0xF7A, s2;
	p2 =	seq.s32 @!p0 s5, $0x0  }
0x1f: {  	s9 =	smul.u32 $0xF7A, s1;
	s8 =	simm.s32 @!p0 $0x1BF5;
	p2 =	por !p2, p0  }
0x20: {  	[sflag:s8] =	ssyncset.s32 @!p0 $0xFFFFF086;
	s6 =	sadd.s32 @!p0 s3, s7;
	s7 =	simm.s32 @!p0 $0x108  }
0x21: {  	s3 =	sadd.s32 s3, s9;
	s6 =	sadd.s32 @!p0 $0x88, s6;
	s7 =	simm.s32 @p2 $0x1082  }
0x22: {  	[simem:s7], [sflag:s8] =	dma.local @!p0 [hbm:s6], $0xF7A  }
0x23: {  	s9 =	sor.u32 $0xD0000000, s2;
	s6 =	simm.s32 $0x108;
	_ =	swait.ge @!p0 [sflag:s8], $0x0  }
0x24: {  	s3 =	sadd.s32 $0x88, s3;
	s6 =	simm.s32 @!p1 $0x1082;
	[sflag:s4] =	ssyncset.s32 $0xFFFFF086  }
0x25: {  	[simem:s6], [sflag:s4] =	dma.local [hbm:s3], $0xF7A  }
0x26: {  	[smem:$0x3F8F] =	sst s1;
	(tag) =	ssettag s2;
	_ =	strace s9  }
0x27: {  	s1 =	sld [smem:$0x3F9F]  }
0x28: {  	s2 =	sld [smem:$0x3FA0]  }
0x29: {  	s4 =	sld [smem:$0x3FA2]  }
0x2a: {  	p0 =	seq.s32 s5, $0x0;
	s5 =	sld [smem:$0x3FA3]  }
0x2b: {  	s6 =	sld [smem:$0x3FA4]  }
0x2c: {  	s7 =	sld [smem:$0x3FA5]  }
0x2d: {  	s3 =	simm.s32 $0x108;
	s8 =	sld [smem:$0x3FA6]  }
0x2e: {  	s3 =	simm.s32 @!p0 $0x1082;
	s9 =	sld [smem:$0x3FA7]  }
0x2f: {  	lr =	sadd.s32 s0, s3;
	s0 =	sld [smem:$0x3F9E]  }
0x30: {  	s3 =	sld [smem:$0x3FA1]  }
0x31: {  	[smem:$0x3FAA] =	sst s10  }
0x32: {  	s10 =	sld [smem:$0x3FA8];
	_ =	sdelay $0x3  }
0x33: {  	p0 =	seq.s32 s10, $0x1;
	s10 =	sld [smem:$0x3FAA];
	_ =	sdelay $0x3  }
0x34: {  	[smem:$0x3FAA] =	sst s10  }
0x35: {  	s10 =	sld [smem:$0x3FA9];
	_ =	sdelay $0x3  }
0x36: {  	p1 =	seq.s32 s10, $0x1;
	s10 =	sld [smem:$0x3FAA];
	_ =	sdelay $0x3  }
0x37: {  	[smem:$0x3FAA] =	sst s10  }
0x38: {  	s10 =	sld [smem:$0x3FAB]  }
0x39: {  	_ = 	snop;
	(pc) =	sbr.ind lr, $3  }
0x3a: {  	_ = 	snop  }
0x3b: {  	_ = 	snop  }
0x3c: {  	p2 =	seq.s32 s10, $0x1;
	s10 =	sld [smem:$0x3FAA]  }
0x3d: {  	_ =	shalt  }
0x3e: {  	_ =	shalt  }
0x3f: {  	_ =	shalt  }
0x40: {  	_ =	shalt  }
0x41: {  	_ =	shalt  }
0x42: {  	_ =	shalt  }
0x43: {  	_ =	shalt  }
0x44: {  	_ =	shalt  }
0x45: {  	_ =	shalt  }
0x46: {  	_ =	shalt  }
0x47: {  	_ =	shalt  }
0x48: {  	_ =	shalt  }
0x49: {  	_ =	shalt  }
0x4a: {  	_ =	shalt  }
0x4b: {  	_ =	shalt  }
0x4c: {  	_ =	shalt  }
0x4d: {  	_ =	shalt  }
0x4e: {  	_ =	shalt  }
0x4f: {  	_ =	shalt  }
0x50: {  	_ =	shalt  }
0x51: {  	_ =	shalt  }
0x52: {  	_ =	shalt  }
0x53: {  	_ =	shalt  }
0x54: {  	_ =	shalt  }
0x55: {  	_ =	shalt  }
0x56: {  	_ =	shalt  }
0x57: {  	_ =	shalt  }
0x58: {  	_ =	shalt  }
0x59: {  	_ =	shalt  }
0x5a: {  	_ =	shalt  }
0x5b: {  	_ =	shalt  }
0x5c: {  	_ =	shalt  }
0x5d: {  	_ =	shalt  }
0x5e: {  	_ =	shalt  }
0x5f: {  	_ =	shalt  }
0x60: {  	_ =	shalt  }
0x61: {  	_ =	shalt  }
0x62: {  	_ =	shalt  }
0x63: {  	_ =	shalt  }
0x64: {  	_ =	shalt  }
0x65: {  	_ =	shalt  }
0x66: {  	_ =	shalt  }
0x67: {  	_ =	shalt  }
0x68: {  	_ =	shalt  }
0x69: {  	_ =	shalt  }
0x6a: {  	_ =	shalt  }
0x6b: {  	_ =	shalt  }
0x6c: {  	_ =	shalt  }
0x6d: {  	_ =	shalt  }
0x6e: {  	_ =	shalt  }
0x6f: {  	_ =	shalt  }
0x70: {  	_ =	shalt  }
0x71: {  	_ =	shalt  }
0x72: {  	_ =	shalt  }
0x73: {  	_ =	shalt  }
0x74: {  	_ =	shalt  }
0x75: {  	_ =	shalt  }
0x76: {  	_ =	shalt  }
0x77: {  	_ =	shalt  }
0x78: {  	_ =	shalt  }
0x79: {  	_ =	shalt  }
0x7a: {  	_ =	shalt  }
0x7b: {  	_ =	shalt  }
0x7c: {  	_ =	shalt  }
0x7d: {  	_ =	shalt  }
0x7e: {  	_ =	shalt  }
0x7f: {  	_ =	shalt  }
0x80: {  	_ =	shalt  }
0x81: {  	_ =	shalt  }
0x82: {  	_ =	shalt  }
0x83: {  	_ =	shalt  }
0x84: {  	_ =	shalt  }
0x85: {  	_ =	shalt  }
0x86: {  	_ =	shalt  }
0x87: {  	_ =	shalt  }
.Lfunc_end0:
.L_simem_size_0:
called_computation.2_lowered:
.L_overlay_start_0:
0x88: {  	s2 =	sld [smem:$0x3FD9]  }
0x89: {  	s3 =	sld [smem:$0x3FFE];
	_ =	sdelay $0x1  }
0x8a: {  	s1 =	srdreg.scid  }
0x8b: {  	s0 =	sand.u32 $0x1, s1  }
0x8c: {  	s16 =	sshll.u32 s0, $0xA;
	s2 =	sadd.s32 s3, s2  }
0x8d: {  	s2 =	sadd.s32 s2, s16  }
0x8e: {  	[smem:$0x3FB6] =	sst s2  }
0x8f: {  	_ = 	snop  }
0x90: {  	(tm) =	ssettm $0x1  }
0x91: {  	s17 =	sld [smem:$0x3FFB];
	_ =	sdelay $0x3  }
0x92: {  	_ =	strace s17  }
0x93: {  	s2 =	sld [smem:$0x3FFC];
	_ =	sdelay $0x3  }
0x94: {  	_ =	strace s2  }
0x95: {  	s2 =	sld [smem:$0x3FFD];
	_ =	sdelay $0x3  }
0x96: {  	_ =	strace s2  }
0x97: {  	_ =	strace $0x8FFFFFFF  }
0x98: {  	s18 =	sld [smem:$0x3FDB];
	_ =	sdelay $0x1  }
0x99: {  	s19 =	simm.s32 $_scs_section_size  }
0x9a: {  	s4 =	simm.s32 $_size__tile_overlayer_lowered;
	s5 =	simm.s32 $_tile_overlayer_lowered  }
0x9b: {  	s22 =	simm.s32 $0x1BFF;
	s21 =	sshll.u32 s5, $0x1;
	s2 =	sadd.s32 s19, s18  }
0x9c: {  	s6 =	simm.s32 $0x0;
	s20 =	sshll.u32 s4, $0x1;
	s4 =	sadd.s32 s21, s2  }
0x9d: {  	[timem:s6], [sflag:s22] =	dma.local [hbm:s4], s20  }
0x9e: {  	_ =	swait.ge [sflag:s22], s20  }
0x9f: {  	s3 =	ssub.s32 $0x0, s20;
	[sflag:s22] =	ssyncset.done $0x0  }
0xa0: {  	[sflag:s22] =	ssyncadd.s32 s3;
	_ =	sdelay $0x1  }
0xa1: {  	s23 =	simm.s32 $0x1B8B  }
0xa2: {  	_ =	swait.ge [sflag:s23], $0x1  }
0xa3: {  	[sflag:s23] =	ssyncset.done $0x0  }
0xa4: {  	s25 =	simm.s32 $0x1B8E;
	s24 =	sld [smem:$0x3FFE];
	[sflag:s23] =	ssyncadd.s32 $0xFFFFFFFF  }
0xa5: {  	s26 =	simm.s32 $execute0_lowered;
	[smem:$0x3FD2] =	sst s25  }
0xa6: {  	s4 =	sshll.u32 s26, $0x1;
	_ =	strace $0x8000004C;
	[dreg:$0x1] =	wrdreg $0xFFFFFFFF  }
0xa7: {  	s28 =	simm.s32 $_size_execute0_lowered;
	s2 =	sadd.s32 s2, s4;
	[dreg:$0x0] =	wrdreg $0x0  }
0xa8: {  	s4 =	sshll.u32 s28, $0x1;
	[dreg:$0x2] =	wrdreg s2  }
0xa9: {  	[dreg:$0x3] =	wrdreg s4  }
0xaa: {  	[dreg:$0x4] =	wrdreg $0xC0  }
0xab: {  	_ =	task [dreg:s6], $0x5FFFF  }
0xac: {  	[dreg:$0x1] =	wrdreg $0xFFFFFFFF  }
0xad: {  	[dreg:$0x0] =	wrdreg $0x60  }
0xae: {  	[dreg:$0x2] =	wrdreg s24  }
0xaf: {  	[dreg:$0x3] =	wrdreg $0x9  }
0xb0: {  	_ =	task.clear_ibuf [dreg:s6], $0x4FFFF;
	_ =	strace $0x9000004C  }
0xb1: {  	s29 =	simm.s32 $0x9;
	_ =	strace $0x8000004E  }
0xb2: {  	_ =	swait.ge [sflag:s29], $0x1  }
0xb3: {  	[sflag:s29] =	ssyncadd.s32 $0xFFFFFFFF  }
0xb4: {  	_ =	strace $0x9000004E  }
0xb5: {  	_ =	sfence  }
0xb6: {  	s30 =	sld [smem:$0x0];
	_ =	sdelay $0x2  }
0xb7: {  	s31 =	sshll.u32 s1, $0xD;
	s1 =	sshrl.u32 s1, $0x2  }
0xb8: {  	s3 =	sand.u32 $0x4000, s31;
	s1 =	sadd.s32 s1, s30  }
0xb9: {  	s0 =	sor.u32 s3, s0;
	s1 =	sshll.u32 s1, $0x11  }
0xba: {  	s0 =	sor.u32 s1, s0  }
0xbb: {  	s0 =	sadd.s32 $0x8F2B, s0  }
0xbc: {  	[sflag:s0] =	ssyncadd.remote.s32 $0x1  }
0xbd: {  	_ =	sfence.sel $0xFFFF  }
0xbe: {  	[dreg:$0x0] =	wrdreg $0xFFFFFFFF;
	(pc) =	sbr.abs _section_cstart, $3  }
0xbf: {  	[dreg:$0x1] =	wrdreg $0xFFFFFFFF  }
0xc0: {  	_ =	task.clear_ibuf [dreg:s6], $0x2FFFF;
	_ =	strace $0x9FFFFFFF  }
0xc1: {  	(tm) =	ssettm $0x7FFFFFFF  }
tec
execute0_lowered:
.L_overlay_start_1:
0x0: {  	(tag) =	ssettag $0x1  }
0x1: {  	s5 =	rddreg [dreg:$0x0]  }
0x2: {  	s0 =	rddreg [dreg:$0x1]  }
0x3: {  	s2 =	simm.s32 $0x0;
	s3 =	srdreg.scid;
	s1 =	stileid.u32  }
0x4: {  	s17 =	simm.s32 $0x600;
	s18 =	simm.s32 $0x1;
	s19 =	simm.s32 $0x5  }
0x5: {  	s20 =	simm.s32 $0xC600;
	s21 =	simm.s32 $0x2;
	s22 =	simm.s32 $0x3  }
0x6: {  	s23 =	simm.s32 $0x0;
	[smem:$0x7FF] =	sst s2;
	s6 =	sand.u32 $0x1, s3  }
0x7: {  	s4 =	sshll.u32 s1, $0x1;
	s3 =	sadd.s32 $0x43200, s5;
	s14 =	smul.u32 $0x7800, s1  }
0x8: {  	s13 =	sadd.s32 $0x76800, s5;
	s7 =	sor.u32 s6, s4;
	s15 =	smul.u32 $0x3C00, s6  }
0x9: {  	_ =	strace $0x8000004D;
	s8 =	ssub.s32 $0x2, s6;
	s9 =	smul.u32 $0x3C00, s7  }
0xa: {  	s4 =	sadd.s32 $0x53E00, s5;
	s10 =	sshrl.u32 s8, $0x1;
	s11 =	smul.u32 $0x1E000, s7  }
0xb: {  	s16 =	ssub.s32 s8, s10;
	s30 =	sadd.s32 s15, s14;
	s15 =	simm.s32 $0x300  }
0xc: {  	s28 =	sshrl.u32 s9, $0x3;
	s12 =	sor.u32 $0x300, s9;
	s8 =	sadd.s32 s13, s11  }
0xd: {  	s10 =	sadd.s32 $0x900, s30;
	s14 =	sshll.u32 s30, $0x3;
	s5 =	sadd.s32 s4, s28  }
0xe: {  	s29 =	sshrl.u32 s12, $0x3;
	s12 =	sshll.u32 s12, $0x3;
	s31 =	sshll.u32 s10, $0x3  }
0xf: {  	s14 =	sadd.s32 s13, s14;
	s6 =	sadd.s32 s4, s29;
	s7 =	sadd.s32 $0xC0, s5  }
0x10: {  	s9 =	sadd.s32 $0x120, s5;
	s11 =	sadd.s32 s13, s12;
	s12 =	smax.u32 s16, $0x1  }
0x11: {  	s13 =	sadd.s32 s31, s13;
	s14 =	sadd.s32 $0x3000, s14;
	s16 =	simm.s32 $0x4  }
.LBB2_1:
0x12: {  	[tilespmem:s2], [sflag:$0x4] =	stream.linear.gather [hbm4b:s5+s2], $0x300, $0x38;
	[tilespmem:$0x18600] =	vst v63  }
0x13: {  	_ = 	snop  }
0x14: {  	[tilespmem:s15], [sflag:$0x5] =	stream.linear.gather [hbm4b:s6+s2], $0x300, $0x38;
	[tilespmem:$0x18600] =	vst v63  }
0x15: {  	_ =	swait.ge [sflag:s16], $0x300  }
0x16: {  	[sflag:s16] =	ssyncset.done $0x0  }
0x17: {  	[sflag:s16] =	ssyncadd.s32 $0xFFFFFD00  }
0x18: {  	[tilespmem:s17], [sflag:$0x1] =	stream.indirect.gather [hbm4b:s3+s15], $0x40, s2, s15, $0xb8;
	[tilespmem:$0x18600] =	vst v63  }
0x19: {  	_ =	swait.ge [sflag:s18], $0xC000  }
0x1a: {  	[sflag:s18] =	ssyncset.done $0x0  }
0x1b: {  	[sflag:s18] =	ssyncadd.s32 $0xFFFF4000  }
0x1c: {  	[tilespmem:s2], [sflag:$0x4] =	stream.linear.gather [hbm4b:s7+s2], $0x300, $0x38;
	[tilespmem:$0x18600] =	vst v63  }
0x1d: {  	_ = 	snop  }
0x1e: {  	[hbm4b:s8+s2] =	stream.linear.scatter [tilespmem:s17], [sflag:$0x2], $0xC000, $0x38;
	[tilespmem:$0x18600] =	vst v63  }
0x1f: {  	_ =	swait.ge [sflag:s19], $0x300  }
0x20: {  	[sflag:s19] =	ssyncset.done $0x0  }
0x21: {  	[sflag:s19] =	ssyncadd.s32 $0xFFFFFD00  }
0x22: {  	[tilespmem:s20], [sflag:$0x1] =	stream.indirect.gather [hbm4b:s3+s15], $0x40, s15, s15, $0xb8;
	[tilespmem:$0x18600] =	vst v63  }
0x23: {  	_ =	swait.ge [sflag:s18], $0xC000  }
0x24: {  	[sflag:s18] =	ssyncset.done $0x0  }
0x25: {  	[sflag:s18] =	ssyncadd.s32 $0xFFFF4000  }
0x26: {  	[tilespmem:s15], [sflag:$0x5] =	stream.linear.gather [hbm4b:s9+s2], $0x300, $0x38;
	[tilespmem:$0x18600] =	vst v63  }
0x27: {  	_ = 	snop  }
0x28: {  	[hbm4b:s11+s2] =	stream.linear.scatter [tilespmem:s20], [sflag:$0x3], $0xC000, $0x38;
	[tilespmem:$0x18600] =	vst v63  }
0x29: {  	_ =	swait.ge [sflag:s16], $0x300  }
0x2a: {  	[sflag:s16] =	ssyncset.done $0x0  }
0x2b: {  	[sflag:s16] =	ssyncadd.s32 $0xFFFFFD00  }
0x2c: {  	s24 =	sadd.s32 $0xFFFFFD00, s10;
	_ =	swait.ge [sflag:s21], $0xC000  }
0x2d: {  	p0 =	slt.s32 s24, $0x77700;
	[sflag:s21] =	ssyncset.done $0x0  }
0x2e: {  	s24 =	simm.s32 @!p0 $0x77700;
	[sflag:s21] =	ssyncadd.s32 $0xFFFF4000  }
0x2f: {  	[tilespmem:s17], [sflag:$0x1] =	stream.indirect.gather [hbm4b:s3+s15], $0x40, s2, s15, $0xb8;
	[tilespmem:$0x18600] =	vst v63  }
0x30: {  	s24 =	sshrl.u32 s24, $0x3;
	_ =	swait.ge [sflag:s18], $0xC000  }
0x31: {  	s24 =	sadd.s32 s4, s24;
	[sflag:s18] =	ssyncset.done $0x0  }
0x32: {  	s24 =	sadd.s32 $0xC0, s24;
	[sflag:s18] =	ssyncadd.s32 $0xFFFF4000  }
0x33: {  	[tilespmem:s2], [sflag:$0x4] =	stream.linear.gather [hbm4b:s24+s2], $0x300, $0x38;
	[tilespmem:$0x18600] =	vst v63  }
0x34: {  	s31 =	sadd.s32 $0x0, s14  }
0x35: {  	[hbm4b:s31+s2] =	stream.linear.scatter [tilespmem:s17], [sflag:$0x2], $0xC000, $0x38;
	[tilespmem:$0x18600] =	vst v63  }
0x36: {  	_ =	swait.ge [sflag:s19], $0x300  }
0x37: {  	[sflag:s19] =	ssyncset.done $0x0  }
0x38: {  	[sflag:s19] =	ssyncadd.s32 $0xFFFFFD00  }
0x39: {  	_ =	swait.ge [sflag:s22], $0xC000  }
0x3a: {  	p0 =	slt.s32 s10, $0x77700;
	s24 =	smov.u32 s10;
	[sflag:s22] =	ssyncset.done $0x0  }
0x3b: {  	s24 =	simm.s32 @!p0 $0x77700;
	[sflag:s22] =	ssyncadd.s32 $0xFFFF4000  }
0x3c: {  	[tilespmem:s20], [sflag:$0x1] =	stream.indirect.gather [hbm4b:s3+s15], $0x40, s15, s15, $0xb8;
	[tilespmem:$0x18600] =	vst v63  }
0x3d: {  	s24 =	sshrl.u32 s24, $0x3;
	_ =	swait.ge [sflag:s18], $0xC000  }
0x3e: {  	s24 =	sadd.s32 s4, s24;
	[sflag:s18] =	ssyncset.done $0x0  }
0x3f: {  	s24 =	sadd.s32 $0xC0, s24;
	[sflag:s18] =	ssyncadd.s32 $0xFFFF4000  }
0x40: {  	[tilespmem:s15], [sflag:$0x5] =	stream.linear.gather [hbm4b:s24+s2], $0x300, $0x38;
	[tilespmem:$0x18600] =	vst v63  }
0x41: {  	s25 =	sadd.s32 $0x0, s13;
	s28 =	simm.s32 $0x3000;
	s24 =	smov.u32 s10  }
.LBB2_2:
0x42: {  	s29 =	sadd.s32 s28, s13  }
0x43: {  	s24 =	sadd.s32 $0x600, s24;
	s30 =	smov.u32 s28;
	s26 =	sadd.s32 $0x3000, s28  }
0x44: {  	[hbm4b:s25+s2] =	stream.linear.scatter [tilespmem:s20], [sflag:$0x3], $0xC000, $0x38;
	[tilespmem:$0x18600] =	vst v63  }
0x45: {  	p0 =	sne.s32 s28, $0x18000;
	s25 =	smov.u32 s29;
	_ =	swait.ge [sflag:s16], $0x300  }
0x46: {  	[sflag:s16] =	ssyncset.done $0x0  }
0x47: {  	[sflag:s16] =	ssyncadd.s32 $0xFFFFFD00  }
0x48: {  	_ =	swait.ge [sflag:s21], $0xC000  }
0x49: {  	s28 =	sadd.s32 $0xFFFFFD00, s24;
	[sflag:s21] =	ssyncset.done $0x0  }
0x4a: {  	p1 =	slt.s32 s28, $0x77700;
	[sflag:s21] =	ssyncadd.s32 $0xFFFF4000  }
0x4b: {  	[tilespmem:s17], [sflag:$0x1] =	stream.indirect.gather [hbm4b:s3+s15], $0x40, s2, s15, $0xb8;
	[tilespmem:$0x18600] =	vst v63  }
0x4c: {  	s28 =	simm.s32 @!p1 $0x77700;
	_ =	swait.ge [sflag:s18], $0xC000  }
0x4d: {  	s28 =	sshrl.u32 s28, $0x3;
	[sflag:s18] =	ssyncset.done $0x0  }
0x4e: {  	s28 =	sadd.s32 s4, s28;
	[sflag:s18] =	ssyncadd.s32 $0xFFFF4000  }
0x4f: {  	s29 =	sadd.s32 s30, s14;
	s28 =	sadd.s32 $0xC0, s28  }
0x50: {  	[tilespmem:s2], [sflag:$0x4] =	stream.linear.gather [hbm4b:s28+s2], $0x300, $0x38;
	[tilespmem:$0x18600] =	vst v63  }
0x51: {  	_ = 	snop  }
0x52: {  	[hbm4b:s29+s2] =	stream.linear.scatter [tilespmem:s17], [sflag:$0x2], $0xC000, $0x38;
	[tilespmem:$0x18600] =	vst v63  }
0x53: {  	_ =	swait.ge [sflag:s19], $0x300  }
0x54: {  	[sflag:s19] =	ssyncset.done $0x0  }
0x55: {  	[sflag:s19] =	ssyncadd.s32 $0xFFFFFD00  }
0x56: {  	_ =	swait.ge [sflag:s22], $0xC000  }
0x57: {  	p1 =	slt.s32 s24, $0x77700;
	s28 =	smov.u32 s24;
	[sflag:s22] =	ssyncset.done $0x0  }
0x58: {  	s28 =	simm.s32 @!p1 $0x77700;
	[sflag:s22] =	ssyncadd.s32 $0xFFFF4000  }
0x59: {  	[tilespmem:s20], [sflag:$0x1] =	stream.indirect.gather [hbm4b:s3+s15], $0x40, s15, s15, $0xb8;
	[tilespmem:$0x18600] =	vst v63  }
.Ltmp0:
0x5a: {  	s28 =	sshrl.u32 s28, $0x3;
	_ =	swait.ge [sflag:s18], $0xC000;
	(pc) =	sbr.rel @p0 .LBB2_2-.Ltmp0, $4  }
0x5b: {  	s28 =	sadd.s32 s4, s28;
	[sflag:s18] =	ssyncset.done $0x0  }
0x5c: {  	s28 =	sadd.s32 $0xC0, s28;
	[sflag:s18] =	ssyncadd.s32 $0xFFFF4000  }
0x5d: {  	[tilespmem:s15], [sflag:$0x5] =	stream.linear.gather [hbm4b:s28+s2], $0x300, $0x38;
	[tilespmem:$0x18600] =	vst v63  }
0x5e: {  	s28 =	smov.u32 s26  }
0x5f: {  	[hbm4b:s25+s2] =	stream.linear.scatter [tilespmem:s20], [sflag:$0x3], $0xC000, $0x38;
	[tilespmem:$0x18600] =	vst v63  }
0x60: {  	_ =	swait.ge [sflag:s21], $0xC000  }
0x61: {  	[sflag:s21] =	ssyncset.done $0x0  }
0x62: {  	[sflag:s21] =	ssyncadd.s32 $0xFFFF4000  }
0x63: {  	_ =	swait.ge [sflag:s16], $0x300  }
0x64: {  	[sflag:s16] =	ssyncset.done $0x0  }
0x65: {  	s23 =	sadd.s32 $0x1, s23;
	[sflag:s16] =	ssyncadd.s32 $0xFFFFFD00  }
0x66: {  	p0 =	sne.s32 s23, s12;
	_ =	swait.ge [sflag:s22], $0xC000  }
.Ltmp1:
0x67: {  	[sflag:s22] =	ssyncset.done $0x0;
	(pc) =	sbr.rel @p0 .LBB2_1-.Ltmp1, $4  }
0x68: {  	[sflag:s22] =	ssyncadd.s32 $0xFFFF4000  }
0x69: {  	_ =	swait.ge [sflag:s19], $0x300  }
0x6a: {  	[sflag:s19] =	ssyncset.done $0x0  }
0x6b: {  	[sflag:s19] =	ssyncadd.s32 $0xFFFFFD00  }
0x6c: {  	_ =	sfence.sel $0x180000  }
0x6d: {  	[bflag:$0x0] =	sbarrier.arrive $0xFFFF  }
0x6e: {  	p0 =	sne.s32 s1, $0x0;
	_ =	strace $0x9000004D  }
0x6f: {  	s0 =	sadd.s32 @!p0 $0x100000, s0;
	[bflag:$0x2] =	sbarrier.arrive $0xFFFF  }
0x70: {  	[sflag:s0] =	ssyncadd.tile.s32 @!p0 $0x1;
	_ =	shalt  }
.Lfunc_end2:
_tile_overlayer_lowered:
.L_overlay_start_2:
0x71: {  	(tag) =	ssettag $0x2  }
0x72: {  	s0 =	rddreg [dreg:$0x0];
	s2 =	stileid.u32  }
0x73: {  	s1 =	rddreg [dreg:$0x1];
	p0 =	sne.s32 s2, $0x0  }
0x74: {  	s3 =	rddreg [dreg:$0x2];
	[bflag:$0x3] =	sbarrier.arrive $0xFFFF;
	s2 =	simm.s32 @!p0 $0x1C06  }
0x75: {  	[timem:s3], [sflag:s2] =	dma.local @!p0 [hbm:s0], s1  }
0x76: {  	s0 =	simm.s32 @!p0 $0x6  }
0x77: {  	_ =	swait.ge @!p0 [sflag:s0], s1  }
0x78: {  	s1 =	ssub.s32 @!p0 $0x0, s1;
	[sflag:s0] =	ssyncset.done @!p0 $0x0  }
0x79: {  	[sflag:s0] =	ssyncadd.s32 @!p0 s1  }
0x7a: {  	[bflag:$0x3] =	sbarrier.arrive $0xFFFF  }
0x7b: {  	_ =	shalt  }

// kernel: kernel.8.cloned.1.call-start
scs
__scs_entry_jumppad:
0x0: {  	(pc) =	sbr.rel $0x88, $3  }
0x1: {  	(tag) =	ssettag $0x0;
	lr =	simm.s32 $0x1  }
0x2: {  	[smem:$0x3F8F] =	sst lr;
	_ =	strace $0xD0000000  }
0x3: {  	_ = 	snop  }
0x4: {  	_ = 	snop  }
0x5: {  	_ = 	snop  }
0x6: {  	_ = 	snop  }
0x7: {  	_ = 	snop  }
__scs_overlays_trampoline_lowered:
0x8: {  	[smem:$0x3F9E] =	sst s0  }
0x9: {  	[smem:$0x3F9F] =	sst s1  }
0xa: {  	[smem:$0x3FA0] =	sst s2  }
0xb: {  	[smem:$0x3FA1] =	sst s3  }
0xc: {  	[smem:$0x3FA2] =	sst s4  }
0xd: {  	[smem:$0x3FA3] =	sst s5  }
0xe: {  	[smem:$0x3FA4] =	sst s6  }
0xf: {  	[smem:$0x3FA5] =	sst s7  }
0x10: {  	[smem:$0x3FA6] =	sst s8  }
0x11: {  	[smem:$0x3FA7] =	sst s9;
	s0 =	simm.s32 @!p0 $0x0  }
0x12: {  	s1 =	sld [smem:$0x3F8D];
	s0 =	simm.s32 @p0 $0x1  }
0x13: {  	[smem:$0x3FA8] =	sst s0;
	s0 =	simm.s32 @!p1 $0x0  }
0x14: {  	s2 =	sld [smem:$0x3F8C];
	s0 =	simm.s32 @p1 $0x1  }
0x15: {  	[smem:$0x3FA9] =	sst s0;
	s0 =	simm.s32 @!p2 $0x0  }
0x16: {  	s3 =	sld [smem:$0x3FDB];
	s0 =	simm.s32 @p2 $0x1  }
0x17: {  	s4 =	simm.s32 $0x1BF5;
	[smem:$0x3FAB] =	sst s0  }
0x18: {  	s0 =	sld [smem:$0x3F8E];
	_ =	swait.ge [sflag:s4], $0x0  }
0x19: {  	s7 =	sld [smem:$0x3F8F]  }
0x1a: {  	s8 =	sadd.s32 $0xFFFFE003, lr  }
0x1b: {  	s9 =	sadd.s32 $0xFFFFFEF7, lr;
	s5 =	simm.s32 $0xFFFFFFFF;
	p2 =	slt.u32 s8, $0xFFFFF086  }
0x1c: {  	p1 =	slt.u32 s9, $0xF7A;
	s5 =	simm.s32 @!p2 $0x0  }
0x1d: {  	s5 =	simm.s32 @p1 $0x1;
	p0 =	seq.s32 s7, s2  }
0x1e: {  	s7 =	smul.u32 @!p0 $0xF7A, s2;
	p2 =	seq.s32 @!p0 s5, $0x0  }
0x1f: {  	s9 =	smul.u32 $0xF7A, s1;
	s8 =	simm.s32 @!p0 $0x1BF5;
	p2 =	por !p2, p0  }
0x20: {  	[sflag:s8] =	ssyncset.s32 @!p0 $0xFFFFF086;
	s6 =	sadd.s32 @!p0 s3, s7;
	s7 =	simm.s32 @!p0 $0x108  }
0x21: {  	s3 =	sadd.s32 s3, s9;
	s6 =	sadd.s32 @!p0 $0x88, s6;
	s7 =	simm.s32 @p2 $0x1082  }
0x22: {  	[simem:s7], [sflag:s8] =	dma.local @!p0 [hbm:s6], $0xF7A  }
0x23: {  	s9 =	sor.u32 $0xD0000000, s2;
	s6 =	simm.s32 $0x108;
	_ =	swait.ge @!p0 [sflag:s8], $0x0  }
0x24: {  	s3 =	sadd.s32 $0x88, s3;
	s6 =	simm.s32 @!p1 $0x1082;
	[sflag:s4] =	ssyncset.s32 $0xFFFFF086  }
0x25: {  	[simem:s6], [sflag:s4] =	dma.local [hbm:s3], $0xF7A  }
0x26: {  	[smem:$0x3F8F] =	sst s1;
	(tag) =	ssettag s2;
	_ =	strace s9  }
0x27: {  	s1 =	sld [smem:$0x3F9F]  }
0x28: {  	s2 =	sld [smem:$0x3FA0]  }
0x29: {  	s4 =	sld [smem:$0x3FA2]  }
0x2a: {  	p0 =	seq.s32 s5, $0x0;
	s5 =	sld [smem:$0x3FA3]  }
0x2b: {  	s6 =	sld [smem:$0x3FA4]  }
0x2c: {  	s7 =	sld [smem:$0x3FA5]  }
0x2d: {  	s3 =	simm.s32 $0x108;
	s8 =	sld [smem:$0x3FA6]  }
0x2e: {  	s3 =	simm.s32 @!p0 $0x1082;
	s9 =	sld [smem:$0x3FA7]  }
0x2f: {  	lr =	sadd.s32 s0, s3;
	s0 =	sld [smem:$0x3F9E]  }
0x30: {  	s3 =	sld [smem:$0x3FA1]  }
0x31: {  	[smem:$0x3FAA] =	sst s10  }
0x32: {  	s10 =	sld [smem:$0x3FA8];
	_ =	sdelay $0x3  }
0x33: {  	p0 =	seq.s32 s10, $0x1;
	s10 =	sld [smem:$0x3FAA];
	_ =	sdelay $0x3  }
0x34: {  	[smem:$0x3FAA] =	sst s10  }
0x35: {  	s10 =	sld [smem:$0x3FA9];
	_ =	sdelay $0x3  }
0x36: {  	p1 =	seq.s32 s10, $0x1;
	s10 =	sld [smem:$0x3FAA];
	_ =	sdelay $0x3  }
0x37: {  	[smem:$0x3FAA] =	sst s10  }
0x38: {  	s10 =	sld [smem:$0x3FAB]  }
0x39: {  	_ = 	snop;
	(pc) =	sbr.ind lr, $3  }
0x3a: {  	_ = 	snop  }
0x3b: {  	_ = 	snop  }
0x3c: {  	p2 =	seq.s32 s10, $0x1;
	s10 =	sld [smem:$0x3FAA]  }
0x3d: {  	_ =	shalt  }
0x3e: {  	_ =	shalt  }
0x3f: {  	_ =	shalt  }
0x40: {  	_ =	shalt  }
0x41: {  	_ =	shalt  }
0x42: {  	_ =	shalt  }
0x43: {  	_ =	shalt  }
0x44: {  	_ =	shalt  }
0x45: {  	_ =	shalt  }
0x46: {  	_ =	shalt  }
0x47: {  	_ =	shalt  }
0x48: {  	_ =	shalt  }
0x49: {  	_ =	shalt  }
0x4a: {  	_ =	shalt  }
0x4b: {  	_ =	shalt  }
0x4c: {  	_ =	shalt  }
0x4d: {  	_ =	shalt  }
0x4e: {  	_ =	shalt  }
0x4f: {  	_ =	shalt  }
0x50: {  	_ =	shalt  }
0x51: {  	_ =	shalt  }
0x52: {  	_ =	shalt  }
0x53: {  	_ =	shalt  }
0x54: {  	_ =	shalt  }
0x55: {  	_ =	shalt  }
0x56: {  	_ =	shalt  }
0x57: {  	_ =	shalt  }
0x58: {  	_ =	shalt  }
0x59: {  	_ =	shalt  }
0x5a: {  	_ =	shalt  }
0x5b: {  	_ =	shalt  }
0x5c: {  	_ =	shalt  }
0x5d: {  	_ =	shalt  }
0x5e: {  	_ =	shalt  }
0x5f: {  	_ =	shalt  }
0x60: {  	_ =	shalt  }
0x61: {  	_ =	shalt  }
0x62: {  	_ =	shalt  }
0x63: {  	_ =	shalt  }
0x64: {  	_ =	shalt  }
0x65: {  	_ =	shalt  }
0x66: {  	_ =	shalt  }
0x67: {  	_ =	shalt  }
0x68: {  	_ =	shalt  }
0x69: {  	_ =	shalt  }
0x6a: {  	_ =	shalt  }
0x6b: {  	_ =	shalt  }
0x6c: {  	_ =	shalt  }
0x6d: {  	_ =	shalt  }
0x6e: {  	_ =	shalt  }
0x6f: {  	_ =	shalt  }
0x70: {  	_ =	shalt  }
0x71: {  	_ =	shalt  }
0x72: {  	_ =	shalt  }
0x73: {  	_ =	shalt  }
0x74: {  	_ =	shalt  }
0x75: {  	_ =	shalt  }
0x76: {  	_ =	shalt  }
0x77: {  	_ =	shalt  }
0x78: {  	_ =	shalt  }
0x79: {  	_ =	shalt  }
0x7a: {  	_ =	shalt  }
0x7b: {  	_ =	shalt  }
0x7c: {  	_ =	shalt  }
0x7d: {  	_ =	shalt  }
0x7e: {  	_ =	shalt  }
0x7f: {  	_ =	shalt  }
0x80: {  	_ =	shalt  }
0x81: {  	_ =	shalt  }
0x82: {  	_ =	shalt  }
0x83: {  	_ =	shalt  }
0x84: {  	_ =	shalt  }
0x85: {  	_ =	shalt  }
0x86: {  	_ =	shalt  }
0x87: {  	_ =	shalt  }
.Lfunc_end0:
.L_simem_size_0:
called_computation_lowered:
.L_overlay_start_0:
0x88: {  	s2 =	sld [smem:$0x3FD9]  }
0x89: {  	s3 =	sld [smem:$0x3FFE];
	_ =	sdelay $0x1  }
0x8a: {  	s1 =	srdreg.scid  }
0x8b: {  	s0 =	sand.u32 $0x1, s1  }
0x8c: {  	s17 =	sshll.u32 s0, $0xA;
	s2 =	sadd.s32 s3, s2  }
0x8d: {  	s2 =	sadd.s32 s2, s17  }
0x8e: {  	[smem:$0x3FB6] =	sst s2  }
0x8f: {  	_ = 	snop  }
0x90: {  	s2 =	sld [smem:$0x3FD0];
	(tm) =	ssettm $0x1  }
0x91: {  	s18 =	sld [smem:$0x3FFB];
	_ =	sdelay $0x3  }
0x92: {  	_ =	strace s18  }
0x93: {  	s3 =	sld [smem:$0x3FFC];
	_ =	sdelay $0x3  }
0x94: {  	_ =	strace s3  }
0x95: {  	s3 =	sld [smem:$0x3FFD];
	_ =	sdelay $0x3  }
0x96: {  	_ =	strace s3  }
0x97: {  	_ =	strace $0x8FFFFFFF  }
0x98: {  	s19 =	sld [smem:$0x3FDB];
	_ =	sdelay $0x1  }
0x99: {  	s4 =	simm.s32 $_scs_section_size  }
0x9a: {  	s5 =	simm.s32 $_size__tile_overlayer_lowered;
	s6 =	simm.s32 $_tile_overlayer_lowered  }
0x9b: {  	s22 =	simm.s32 $0x1BFF;
	s21 =	sshll.u32 s6, $0x1;
	s3 =	sadd.s32 s4, s19  }
0x9c: {  	s7 =	simm.s32 $0x0;
	s20 =	sshll.u32 s5, $0x1;
	s5 =	sadd.s32 s21, s3  }
0x9d: {  	[timem:s7], [sflag:s22] =	dma.local [hbm:s5], s20  }
0x9e: {  	_ =	swait.ge [sflag:s22], s20  }
0x9f: {  	s4 =	ssub.s32 $0x0, s20;
	[sflag:s22] =	ssyncset.done $0x0  }
0xa0: {  	[sflag:s22] =	ssyncadd.s32 s4;
	_ =	sdelay $0x1  }
0xa1: {  	s23 =	simm.s32 $0x1B8B  }
0xa2: {  	_ =	swait.ge [sflag:s23], $0x1  }
0xa3: {  	[sflag:s23] =	ssyncset.done $0x0  }
0xa4: {  	s25 =	simm.s32 $0x1B8E;
	s24 =	sld [smem:$0x3FFE];
	[sflag:s23] =	ssyncadd.s32 $0xFFFFFFFF  }
0xa5: {  	s26 =	simm.s32 $execute0_lowered;
	[smem:$0x3FD2] =	sst s25  }
0xa6: {  	s5 =	sshll.u32 s26, $0x1;
	_ =	strace $0x80000046;
	[dreg:$0x1] =	wrdreg $0xFFFFFFFF  }
0xa7: {  	s28 =	simm.s32 $_size_execute0_lowered;
	s3 =	sadd.s32 s3, s5;
	[dreg:$0x0] =	wrdreg $0x0  }
0xa8: {  	s5 =	sshll.u32 s28, $0x1;
	[dreg:$0x2] =	wrdreg s3  }
0xa9: {  	[dreg:$0x3] =	wrdreg s5  }
0xaa: {  	[dreg:$0x4] =	wrdreg $0xC0  }
0xab: {  	_ =	task [dreg:s7], $0x5FFFF  }
0xac: {  	[dreg:$0x1] =	wrdreg $0xFFFFFFFF  }
0xad: {  	[dreg:$0x0] =	wrdreg $0x60  }
0xae: {  	[dreg:$0x2] =	wrdreg s24  }
0xaf: {  	[dreg:$0x3] =	wrdreg s2  }
0xb0: {  	[dreg:$0x4] =	wrdreg $0x9  }
0xb1: {  	_ =	task.clear_ibuf [dreg:s7], $0x5FFFF;
	_ =	strace $0x90000046  }
0xb2: {  	s29 =	simm.s32 $0x9;
	_ =	strace $0x80000048  }
0xb3: {  	_ =	swait.ge [sflag:s29], $0x1  }
0xb4: {  	[sflag:s29] =	ssyncadd.s32 $0xFFFFFFFF  }
0xb5: {  	_ =	strace $0x90000048  }
0xb6: {  	_ =	sfence  }
0xb7: {  	s30 =	sld [smem:$0x0];
	_ =	sdelay $0x2  }
0xb8: {  	s31 =	sshll.u32 s1, $0xD;
	s1 =	sshrl.u32 s1, $0x2  }
0xb9: {  	s3 =	sand.u32 $0x4000, s31;
	s1 =	sadd.s32 s1, s30  }
0xba: {  	s0 =	sor.u32 s3, s0;
	s1 =	sshll.u32 s1, $0x11  }
0xbb: {  	s0 =	sor.u32 s1, s0  }
0xbc: {  	s0 =	sadd.s32 $0x8F2B, s0  }
0xbd: {  	[sflag:s0] =	ssyncadd.remote.s32 $0x1  }
0xbe: {  	_ =	sfence.sel $0xFFFF  }
0xbf: {  	[dreg:$0x0] =	wrdreg $0xFFFFFFFF;
	(pc) =	sbr.abs _section_cstart, $3  }
0xc0: {  	[dreg:$0x1] =	wrdreg $0xFFFFFFFF  }
0xc1: {  	_ =	task.clear_ibuf [dreg:s7], $0x2FFFF;
	_ =	strace $0x9FFFFFFF  }
0xc2: {  	(tm) =	ssettm $0x7FFFFFFF  }
0xc3: {  	_ =	shalt  }
tec
execute0_lowered:
.L_overlay_start_1:
0x0: {  	(tag) =	ssettag $0x1  }
0x1: {  	s0 =	rddreg [dreg:$0x0]  }
0x2: {  	s2 =	simm.s32 $0x0;
	s28 =	srdreg.scid;
	s4 =	stileid.u32  }
0x3: {  	s20 =	simm.s32 $0x1;
	s30 =	simm.s32 $0xB880;
	[smem:$0x7FF] =	sst s2  }
0x4: {  	v0 =	vimm.f32 $2.240000000e+02;
	s31 =	simm.s32 $0xBE80;
	s21 =	simm.s32 $0xD680;
	_ =	strace $0x80000047  }
0x5: {  	s22 =	simm.s32 $0x0;
	s1 =	sadd.s32 $0x7200, s0;
	s25 =	sadd.s32 $0x7A00, s0;
	(erf) = vrcp.f32 v0  }
0x6: {  	s26 =	sadd.s32 $0x7E00, s0;
	s6 =	sadd.s32 $0x7600, s0;
	s7 =	sadd.s32 $0x8200, s0  }
0x7: {  	s8 =	sadd.s32 $0x6E00, s0;
	s9 =	sadd.s32 $0x8A00, s0;
	s10 =	sadd.s32 $0x8600, s0  }
0x8: {  	s11 =	sadd.s32 $0x53E00, s0;
	s12 =	sadd.s32 $0x8E00, s0;
	s14 =	sadd.s32 $0x17E00, s0  }
0x9: {  	s15 =	sadd.s32 $0x26E00, s0;
	s16 =	sadd.s32 $0x35E00, s0;
	s18 =	sshll.u32 s4, $0x1  }
.Ltmp0:
0xa: {  	[dreg:$0x3] =	wrdreg s1;
	s1 =	sand.u32 $0x1, s28;
	(pc) =	sbr.rel .LBB2_1-.Ltmp0, $4  }
0xb: {  	s17 =	sadd.s32 $0x44E00, s0;
	s0 =	simm.s32 $0xC480;
	s3 =	ssub.s32 $0x2, s1  }
0xc: {  	[dreg:$0x4] =	wrdreg s25;
	s1 =	sor.u32 s1, s18;
	s13 =	sshrl.u32 s3, $0x1  }
0xd: {  	[dreg:$0x5] =	wrdreg s26;
	s18 =	smul.u32 $0xA0, s1;
	s29 =	ssub.s32 s3, s13  }
0xe: {  	v1 =	vimm.f32 $0.0e+00;
	s1 =	simm.s32 $0xD080;
	s13 =	simm.s32 $0xCA80;
	s19 =	smax.u32 s29, $0x1;
	v0 =	vpop (erf)  }
.LBB2_9:
0xf: {  	s22 =	sadd.s32 $0x1, s22  }
0x10: {  	p0 =	sne.s32 s22, s19  }
.Ltmp1:
0x11: {  	_ = 	snop;
	(pc) =	sbr.rel @!p0 .LBB2_10-.Ltmp1, $1  }
0x12: {  	_ =	sdelay $0x3  }
.LBB2_1:
0x13: {  	s3 =	rddreg [dreg:$0x3]  }
0x14: {  	[tilespmem:s2], [sflag:$0x1] =	stream.linear.gather [hbm4b:s3+s2], $0x1400, $0x38;
	[tilespmem:$0xDC80] =	vst v63  }
0x15: {  	_ =	swait.ge [sflag:s20], $0x1400  }
0x16: {  	[sflag:s20] =	ssyncset.done $0x0  }
0x17: {  	s4 =	simm.s32 $0x1480;
	s26 =	rddreg [dreg:$0x4];
	[sflag:s20] =	ssyncadd.s32 $0xFFFFEC00  }
0x18: {  	[tilespmem:s4], [sflag:$0x1] =	stream.linear.gather [hbm4b:s26+s2], $0x1400, $0x38;
	[tilespmem:$0xDC80] =	vst v63  }
0x19: {  	_ =	swait.ge [sflag:s20], $0x1400  }
0x1a: {  	[sflag:s20] =	ssyncset.done $0x0  }
0x1b: {  	s29 =	simm.s32 $0x2900;
	s28 =	rddreg [dreg:$0x5];
	[sflag:s20] =	ssyncadd.s32 $0xFFFFEC00  }
0x1c: {  	[tilespmem:s29], [sflag:$0x1] =	stream.linear.gather [hbm4b:s28+s2], $0x1400, $0x38;
	[tilespmem:$0xDC80] =	vst v63  }
0x1d: {  	_ =	swait.ge [sflag:s20], $0x1400  }
0x1e: {  	[sflag:s20] =	ssyncset.done $0x0  }
0x1f: {  	s5 =	simm.s32 $0x3D80;
	[sflag:s20] =	ssyncadd.s32 $0xFFFFEC00  }
0x20: {  	[tilespmem:s5], [sflag:$0x1] =	stream.linear.gather [hbm4b:s6+s2], $0x1400, $0x38;
	[tilespmem:$0xDC80] =	vst v63  }
0x21: {  	_ =	swait.ge [sflag:s20], $0x1400  }
0x22: {  	[sflag:s20] =	ssyncset.done $0x0  }
0x23: {  	s23 =	simm.s32 $0x5200;
	[sflag:s20] =	ssyncadd.s32 $0xFFFFEC00  }
0x24: {  	[tilespmem:s23], [sflag:$0x1] =	stream.linear.gather [hbm4b:s7+s2], $0x1400, $0x38;
	[tilespmem:$0xDC80] =	vst v63  }
0x25: {  	_ =	swait.ge [sflag:s20], $0x1400  }
0x26: {  	[sflag:s20] =	ssyncset.done $0x0  }
0x27: {  	s24 =	simm.s32 $0x6680;
	[sflag:s20] =	ssyncadd.s32 $0xFFFFEC00  }
0x28: {  	[tilespmem:s24], [sflag:$0x1] =	stream.linear.gather [hbm4b:s8+s2], $0x1400, $0x38;
	[tilespmem:$0xDC80] =	vst v63  }
0x29: {  	_ =	swait.ge [sflag:s20], $0x1400  }
0x2a: {  	[sflag:s20] =	ssyncset.done $0x0  }
0x2b: {  	[sflag:s20] =	ssyncadd.s32 $0xFFFFEC00  }
0x2c: {  	s26 =	simm.s32 $0x7B00;
	s25 =	rddreg [dreg:$0x1]  }
0x2d: {  	[tilespmem:s26], [sflag:$0x1] =	stream.linear.gather [hbm4b:s25+s2], $0x1400, $0x38;
	[tilespmem:$0xDC80] =	vst v63  }
0x2e: {  	_ =	swait.ge [sflag:s20], $0x1400  }
0x2f: {  	[sflag:s20] =	ssyncset.done $0x0  }
0x30: {  	s28 =	simm.s32 $0x8F80;
	[sflag:s20] =	ssyncadd.s32 $0xFFFFEC00  }
0x31: {  	[tilespmem:s28], [sflag:$0x1] =	stream.linear.gather [hbm4b:s9+s2], $0x1400, $0x38;
	[tilespmem:$0xDC80] =	vst v63  }
0x32: {  	_ =	swait.ge [sflag:s20], $0x1400  }
0x33: {  	[sflag:s20] =	ssyncset.done $0x0  }
.Ltmp2:
0x34: {  	s29 =	simm.s32 $0xA400;
	[sflag:s20] =	ssyncadd.s32 $0xFFFFEC00;
	(pc) =	sbr.rel .LBB2_2-.Ltmp2, $4  }
0x35: {  	[tilespmem:s29], [sflag:$0x1] =	stream.linear.gather [hbm4b:s10+s2], $0x1400, $0x38;
	[tilespmem:$0xDC80] =	vst v63  }
0x36: {  	_ =	swait.ge [sflag:s20], $0x1400  }
0x37: {  	[sflag:s20] =	ssyncset.done $0x0  }
0x38: {  	s23 =	simm.s32 $0x0;
	[sflag:s20] =	ssyncadd.s32 $0xFFFFEC00  }
.LBB2_8:
0x39: {  	s3 =	smul.u32 $0xC, s24;
	_ =	sdelay $0x1  }
0x3a: {  	s4 =	sadd.s32 s11, s3  }
0x3b: {  	[hbm4b:s4+s2] =	stream.linear.scatter [tilespmem:s30], [sflag:$0x1], $0x600, $0x38;
	[tilespmem:$0xDC80] =	vst v63  }
0x3c: {  	_ =	swait.ge [sflag:s20], $0x600  }
0x3d: {  	[sflag:s20] =	ssyncset.done $0x0  }
0x3e: {  	s25 =	sadd.s32 s12, s3;
	[sflag:s20] =	ssyncadd.s32 $0xFFFFFA00  }
0x3f: {  	[hbm4b:s25+s2] =	stream.linear.scatter [tilespmem:s31], [sflag:$0x1], $0x600, $0x38;
	[tilespmem:$0xDC80] =	vst v63  }
0x40: {  	_ =	swait.ge [sflag:s20], $0x600  }
0x41: {  	[sflag:s20] =	ssyncset.done $0x0  }
0x42: {  	s26 =	sadd.s32 s14, s3;
	[sflag:s20] =	ssyncadd.s32 $0xFFFFFA00  }
0x43: {  	[hbm4b:s26+s2] =	stream.linear.scatter [tilespmem:s0], [sflag:$0x1], $0x600, $0x38;
	[tilespmem:$0xDC80] =	vst v63  }
0x44: {  	_ =	swait.ge [sflag:s20], $0x600  }
0x45: {  	[sflag:s20] =	ssyncset.done $0x0  }
0x46: {  	s28 =	sadd.s32 s15, s3;
	[sflag:s20] =	ssyncadd.s32 $0xFFFFFA00  }
0x47: {  	[hbm4b:s28+s2] =	stream.linear.scatter [tilespmem:s13], [sflag:$0x1], $0x600, $0x38;
	[tilespmem:$0xDC80] =	vst v63  }
0x48: {  	_ =	swait.ge [sflag:s20], $0x600  }
0x49: {  	[sflag:s20] =	ssyncset.done $0x0  }
0x4a: {  	s29 =	sadd.s32 s16, s3;
	[sflag:s20] =	ssyncadd.s32 $0xFFFFFA00  }
0x4b: {  	[hbm4b:s29+s2] =	stream.linear.scatter [tilespmem:s1], [sflag:$0x1], $0x600, $0x38;
	[tilespmem:$0xDC80] =	vst v63  }
0x4c: {  	s23 =	sadd.s32 $0x1, s23;
	_ =	swait.ge [sflag:s20], $0x600  }
0x4d: {  	p0 =	sne.s32 s23, $0xA;
	[sflag:s20] =	ssyncset.done $0x0  }
.Ltmp3:
0x4e: {  	s3 =	sadd.s32 s17, s3;
	[sflag:s20] =	ssyncadd.s32 $0xFFFFFA00;
	(pc) =	sbr.rel @!p0 .LBB2_9-.Ltmp3, $4  }
0x4f: {  	[hbm4b:s3+s2] =	stream.linear.scatter [tilespmem:s21], [sflag:$0x1], $0x600, $0x38;
	[tilespmem:$0xDC80] =	vst v63  }
0x50: {  	_ =	swait.ge [sflag:s20], $0x600  }
0x51: {  	[sflag:s20] =	ssyncset.done $0x0  }
0x52: {  	[sflag:s20] =	ssyncadd.s32 $0xFFFFFA00  }
.LBB2_2:
.Ltmp4:
0x53: {  	(pc) =	sbr.rel .LBB2_3-.Ltmp4, $3  }
0x54: {  	_ =	sdelay $0x1  }
0x55: {  	s3 =	sshll.u32 s23, $0x4  }
0x56: {  	s25 =	simm.s32 $0x0;
	s24 =	sadd.s32 s18, s3  }
.LBB2_7:
0x57: {  	s25 =	sadd.s32 $0x1, s25  }
0x58: {  	p0 =	sne.s32 s25, $0x10  }
.Ltmp5:
0x59: {  	_ = 	snop;
	(pc) =	sbr.rel @!p0 .LBB2_8-.Ltmp5, $1  }
0x5a: {  	_ =	sdelay $0x3  }
.LBB2_3:
0x5b: {  	s3 =	sor.u32 s24, s25  }
0x5c: {  	v2 =	vld.msk [tilespmem:s3+$0x5200 ss:$0x0], $0xffff;
	_ =	sdelay $0x4  }
0x5d: {  	v10 =	vadd.f32 $0.0e+00, v2;
	_ =	sdelay $0x1  }
0x5e: {  	v3 =	vadd.f32 $9.999999930e-09, v10;
	_ =	sdelay $0x1  }
0x5f: {  	(erf) = vrcp.f32 v3;
	_ =	sdelay $0x2  }
0x60: {  	v4 =	vld.msk [tilespmem:s3+$0x0 ss:$0x0], $0xffff  }
0x61: {  	v5 =	vld.msk [tilespmem:s3+$0x3D80 ss:$0x0], $0xffff  }
0x62: {  	v6 =	vld.msk [tilespmem:s3+$0x1480 ss:$0x0], $0xffff  }
0x63: {  	v7 =	vld.msk [tilespmem:s3+$0x6680 ss:$0x0], $0xffff  }
0x64: {  	v8 =	vld.msk [tilespmem:s3+$0x7B00 ss:$0x0], $0xffff  }
0x65: {  	s26 =	smul.u32 $0x60, s25;
	v9 =	vld.msk [tilespmem:s3+$0x8F80 ss:$0x0], $0xffff  }
0x66: {  	v12 =	vmov s3;
	v3 =	vld.msk [tilespmem:s3+$0x2900 ss:$0x0], $0xffff;
	v11 =	vpop (erf)  }
0x67: {  	v11 =	vmul.f32 v11, v10;
	v10 =	vld.msk [tilespmem:s3+$0xA400 ss:$0x0], $0xffff;
	[tilespmem:s26+$0xB880] =	vst v12  }
0x68: {  	[tilespmem:s26+$0xC480] =	vst v1  }
0x69: {  	[tilespmem:s26+$0xCA80] =	vst v1  }
0x6a: {  	[tilespmem:s26+$0xD080] =	vst v1  }
0x6b: {  	[tilespmem:s26+$0xD680] =	vst v1  }
0x6c: {  	[tilespmem:s26+$0xB890] =	vst v12  }
0x6d: {  	[tilespmem:s26+$0xC490] =	vst v1  }
0x6e: {  	[tilespmem:s26+$0xCA90] =	vst v1  }
0x6f: {  	[tilespmem:s26+$0xD090] =	vst v1  }
0x70: {  	[tilespmem:s26+$0xD690] =	vst v1  }
0x71: {  	[tilespmem:s26+$0xB8A0] =	vst v12  }
0x72: {  	[tilespmem:s26+$0xC4A0] =	vst v1  }
0x73: {  	[tilespmem:s26+$0xCAA0] =	vst v1  }
0x74: {  	[tilespmem:s26+$0xD0A0] =	vst v1  }
0x75: {  	[tilespmem:s26+$0xD6A0] =	vst v1  }
0x76: {  	[tilespmem:s26+$0xB8B0] =	vst v12  }
0x77: {  	[tilespmem:s26+$0xC4B0] =	vst v1  }
0x78: {  	[tilespmem:s26+$0xCAB0] =	vst v1  }
0x79: {  	[tilespmem:s26+$0xD0B0] =	vst v1  }
0x7a: {  	[tilespmem:s26+$0xD6B0] =	vst v1  }
0x7b: {  	[tilespmem:s26+$0xB8C0] =	vst v12  }
0x7c: {  	[tilespmem:s26+$0xC4C0] =	vst v1  }
0x7d: {  	[tilespmem:s26+$0xCAC0] =	vst v1  }
0x7e: {  	[tilespmem:s26+$0xD0C0] =	vst v1  }
0x7f: {  	[tilespmem:s26+$0xD6C0] =	vst v1  }
0x80: {  	[tilespmem:s26+$0xB8D0] =	vst v12  }
0x81: {  	[tilespmem:s26+$0xC4D0] =	vst v1  }
0x82: {  	[tilespmem:s26+$0xCAD0] =	vst v1  }
0x83: {  	[tilespmem:s26+$0xD0D0] =	vst v1  }
0x84: {  	[tilespmem:s26+$0xD6D0] =	vst v1  }
0x85: {  	[tilespmem:s26+$0xBE80] =	vst v11  }
.Ltmp6:
0x86: {  	[tilespmem:s26+$0xBE90] =	vst v11;
	(pc) =	sbr.rel .LBB2_4-.Ltmp6, $4  }
0x87: {  	[tilespmem:s26+$0xBEA0] =	vst v11  }
0x88: {  	[tilespmem:s26+$0xBEB0] =	vst v11  }
0x89: {  	[tilespmem:s26+$0xBEC0] =	vst v11  }
0x8a: {  	s28 =	simm.s32 $0x0;
	s29 =	simm.s32 $0x0;
	[tilespmem:s26+$0xBED0] =	vst v11;
	v11 =	vmov s26;
	s26 =	simm.s32 $0x0  }
.LBB2_6:
0x8b: {  	s28 =	sadd.s32 $0x100, s28  }
0x8c: {  	p0 =	sne.s32 s28, $0x5000  }
.Ltmp7:
0x8d: {  	_ = 	snop;
	(pc) =	sbr.rel @!p0 .LBB2_7-.Ltmp7, $2  }
0x8e: {  	_ =	sdelay $0x2  }
0x8f: {  	s26 =	sadd.s32 $0x40, s26  }
.LBB2_4:
0x90: {  	s3 =	sshra.s32 s28, $0x2  }
0x91: {  	v12 =	vld [tilespmem:s3+$0x0]  }
0x92: {  	v13 =	vld [tilespmem:s3+$0x1480]  }
0x93: {  	v14 =	vld [tilespmem:s3+$0x2900]  }
0x94: {  	v15 =	vld [tilespmem:s3+$0x3D80]  }
0x95: {  	v16 =	vld [tilespmem:s3+$0x5200]  }
0x96: {  	v17 =	vld [tilespmem:s3+$0x10]  }
0x97: {  	v18 =	vld [tilespmem:s3+$0x1490]  }
0x98: {  	v19 =	vld [tilespmem:s3+$0x2910]  }
0x99: {  	v20 =	vld [tilespmem:s3+$0x3D90]  }
0x9a: {  	v21 =	vld [tilespmem:s3+$0x20]  }
0x9b: {  	v22 =	vld [tilespmem:s3+$0x14A0]  }
0x9c: {  	v23 =	vld [tilespmem:s3+$0x30];
	v14 =	vmin.f32 v14, v3;
	v12 =	vmax.f32 v12, v4  }
0x9d: {  	v15 =	vmin.f32 v15, v5;
	v13 =	vmax.f32 v13, v6;
	v12 =	vsub.f32 v14, v12;
	v14 =	vld [tilespmem:s3+$0x2920]  }
0x9e: {  	v24 =	vld [tilespmem:s3+$0x2930];
	v19 =	vmin.f32 v19, v3;
	v17 =	vmax.f32 v17, v4;
	v13 =	vsub.f32 v15, v13  }
0x9f: {  	v18 =	vmax.f32 v18, v6;
	v15 =	vld [tilespmem:s3+$0x3DA0];
	v17 =	vsub.f32 v19, v17  }
0xa0: {  	v19 =	vmin.f32 v20, v5;
	v20 =	vld [tilespmem:s3+$0x3DB0];
	v12 =	vmax.f32 v12, $0.0e+00;
	v13 =	vmax.f32 v13, $0.0e+00  }
0xa1: {  	v16 =	vadd.f32 v16, v2;
	v18 =	vsub.f32 v19, v18;
	v13 =	vmul.f32 v13, v12;
	v12 =	vld [tilespmem:s3+$0x14B0]  }
0xa2: {  	v19 =	vmax.f32 v21, v4;
	v14 =	vmin.f32 v14, v3  }
0xa3: {  	v25 =	vld [tilespmem:s3+$0x5210];
	v57 =	vsub.f32 v16, v13;
	v16 =	vmax.f32 v17, $0.0e+00;
	v17 =	vmax.f32 v18, $0.0e+00  }
0xa4: {  	v18 =	vld [tilespmem:s3+$0x5220];
	v15 =	vmin.f32 v15, v5;
	v14 =	vsub.f32 v14, v19;
	v19 =	vmax.f32 v22, v6  }
0xa5: {  	v58 =	vmin.f32 v24, v3;
	v23 =	vmax.f32 v23, v4;
	v15 =	vsub.f32 v15, v19;
	v19 =	vld [tilespmem:s3+$0x5230]  }
0xa6: {  	v20 =	vmin.f32 v20, v5;
	v22 =	vsub.f32 v58, v23;
	v12 =	vmax.f32 v12, v6  }
0xa7: {  	v14 =	vmax.f32 v14, $0.0e+00;
	v15 =	vmax.f32 v15, $0.0e+00;
	v12 =	vsub.f32 v20, v12  }
0xa8: {  	v16 =	vmul.f32 v17, v16;
	v17 =	vadd.f32 v25, v2;
	v14 =	vmul.f32 v15, v14  }
0xa9: {  	v15 =	vadd.f32 v18, v2;
	v18 =	vmax.f32 v22, $0.0e+00;
	v12 =	vmax.f32 v12, $0.0e+00  }
0xaa: {  	v17 =	vsub.f32 v17, v16;
	v12 =	vmul.f32 v12, v18;
	v20 =	vadd.f32 v19, v2  }
0xab: {  	v59 =	vmul.f32 $2.200000050e+00, v13;
	v19 =	vadd.f32 $9.999999930e-09, v57;
	v15 =	vsub.f32 v15, v14  }
0xac: {  	v60 =	vmul.f32 $2.200000050e+00, v16;
	v18 =	vadd.f32 $9.999999930e-09, v17;
	v20 =	vsub.f32 v20, v12  }
0xad: {  	v61 =	vmul.f32 $2.200000050e+00, v14;
	vm0 =	vgt.f32 v59, v19;
	v17 =	vadd.f32 $9.999999930e-09, v15  }
0xae: {  	vm1 =	vgt.f32 v60, v18;
	v15 =	vadd.f32 $9.999999930e-09, v20;
	v20 =	vmul.f32 $2.200000050e+00, v12  }
0xaf: {  	v62 =	vmpcnt.ones.xlane vm0;
	v63 =	vmpcnt.ones.xlane vm1;
	vm14 =	vgt.f32 v61, v17  }
0xb0: {  	v21 =	vmpcnt.ones.xlane vm14;
	vm15 =	vgt.f32 v20, v15  }
0xb1: {  	v22 =	vadd.s32 v62, v63;
	v20 =	vmpcnt.ones.xlane vm15  }
0xb2: {  	v21 =	vadd.s32 v21, v22  }
0xb3: {  	v20 =	vadd.s32 v20, v21  }
0xb4: {  	(v2sf) =	vpush v20, $0x0;
	_ =	sdelay $0xe  }
0xb5: {  	s5 =	spop (v2sf)  }
0xb6: {  	p0 =	slt.s32 s5, $0x1  }
.Ltmp8:
0xb7: {  	_ = 	snop;
	(pc) =	sbr.rel @p0 .LBB2_6-.Ltmp8, $1  }
0xb8: {  	_ =	sdelay $0x3  }
0xb9: {  	(erf) = vrcp.f32 v19;
	_ =	sdelay $0x8  }
0xba: {  	v19 =	vpop (erf)  }
0xbb: {  	v13 =	vmul.f32 v19, v13;
	_ =	sdelay $0x1  }
0xbc: {  	vm0 =	vgt.f32 v13, $5.000000000e-01  }
0xbd: {  	v58 =	vmpcnt.ones.xlane vm0;
	_ =	sdelay $0x1  }
0xbe: {  	(erf) = vrcp.f32 v18;
	(v2sf) =	vpush v58, $0x0;
	_ =	sdelay $0x8  }
0xbf: {  	v18 =	vpop (erf)  }
0xc0: {  	v16 =	vmul.f32 v18, v16;
	_ =	sdelay $0x1  }
0xc1: {  	vm0 =	vgt.f32 v16, $5.000000000e-01  }
0xc2: {  	v59 =	vmpcnt.ones.xlane vm0;
	_ =	sdelay $0x1  }
0xc3: {  	(erf) = vrcp.f32 v17;
	s3 =	spop (v2sf);
	(v2sf) =	vpush v59, $0x0  }
0xc4: {  	p1 =	slt.s32 s3, $0x1  }
0xc5: {  	p0 =	slt.s32 @!p1 s29, $0x51  }
0xc6: {  	vm0 =	vmxor @!p1 vm0, vm0;
	p0 =	por !p0, p1  }
0xc7: {  	vm1 =	vgt.f32 @!p1 v13, $5.000000000e-01;
	vm0 =	vmneg @!p0 vm0  }
0xc8: {  	vm1 =	vmand @!p1 vm0, vm1;
	_ =	sdelay $0x3  }
0xc9: {  	v60 =	vpop (erf);
	v17 =	vlaneseq.u32 @!p1  }
0xca: {  	v14 =	vmul.f32 v60, v14;
	v17 =	vor.u32 @!p1 s26, v17  }
0xcb: {  	[tilespmem:v11+s29+$0xB880 ss:$0x1] =	vst.idx.msk @!p1 vm1, v17  }
0xcc: {  	s4 =	sshra.s32 @!p1 s28, $0x2;
	vm0 =	vgt.f32 v14, $5.000000000e-01;
	[tilespmem:v11+s29+$0xBE80 ss:$0x1] =	vst.idx.msk @!p1 vm1, v13  }
0xcd: {  	v61 =	vmpcnt.ones.xlane vm0;
	v13 =	vld @!p1 [tilespmem:s4+$0x6680]  }
0xce: {  	s3 =	simm.s32 @p0 $0x0;
	v18 =	vld @!p1 [tilespmem:s4+$0x7B00]  }
0xcf: {  	(erf) = vrcp.f32 v15;
	s3 =	sadd.s32 @!p1 s29, s3;
	v19 =	vld @!p1 [tilespmem:s4+$0x8F80];
	s5 =	spop (v2sf);
	(v2sf) =	vpush v61, $0x0  }
0xd0: {  	s3 =	smov.u32 @p1 s29;
	v15 =	vld @!p1 [tilespmem:s4+$0xA400];
	p0 =	slt.s32 s5, $0x1  }
0xd1: {  	p2 =	slt.s32 @!p0 s3, $0x51  }
0xd2: {  	vm0 =	vmxor @!p0 vm0, vm0;
	v13 =	vsub.f32 @!p1 v13, v7;
	p2 =	por !p2, p0  }
0xd3: {  	vm2 =	vgt.f32 @!p0 v16, $5.000000000e-01;
	v17 =	vsub.f32 @!p1 v18, v8;
	vm0 =	vmneg @!p2 vm0  }
0xd4: {  	v18 =	vsub.f32 @!p1 v19, v9;
	v13 =	vmul.f32 @!p1 v13, v0;
	vm0 =	vmand @!p0 vm2, vm0  }
0xd5: {  	v15 =	vsub.f32 @!p1 v15, v10;
	v17 =	vmul.f32 @!p1 v17, v0  }
0xd6: {  	v18 =	vmul.f32 @!p1 v18, v0;
	[tilespmem:v11+s29+$0xC480 ss:$0x1] =	vst.idx.msk @!p1 vm1, v13  }
0xd7: {  	v13 =	vmul.f32 @!p1 v15, v0;
	[tilespmem:v11+s29+$0xCA80 ss:$0x1] =	vst.idx.msk @!p1 vm1, v17  }
0xd8: {  	v62 =	vpop (erf);
	s4 =	sadd.s32 $0x10, s26;
	v15 =	vlaneseq.u32 @!p0;
	[tilespmem:v11+s29+$0xD080 ss:$0x1] =	vst.idx.msk @!p1 vm1, v18  }
0xd9: {  	v12 =	vmul.f32 v62, v12;
	[tilespmem:v11+s29+$0xD680 ss:$0x1] =	vst.idx.msk @!p1 vm1, v13;
	v13 =	vor.u32 @!p0 s4, v15  }
0xda: {  	[tilespmem:v11+s3+$0xB880 ss:$0x1] =	vst.idx.msk @!p0 vm0, v13  }
0xdb: {  	s4 =	sshra.s32 @!p0 s28, $0x2;
	vm1 =	vgt.f32 v12, $5.000000000e-01;
	[tilespmem:v11+s3+$0xBE80 ss:$0x1] =	vst.idx.msk @!p0 vm0, v16  }
0xdc: {  	v63 =	vmpcnt.ones.xlane vm1;
	v13 =	vld @!p0 [tilespmem:s4+$0x6690]  }
0xdd: {  	s5 =	simm.s32 @p2 $0x0;
	v16 =	vld @!p0 [tilespmem:s4+$0x7B10]  }
0xde: {  	s5 =	sadd.s32 @!p0 s3, s5;
	v17 =	vld @!p0 [tilespmem:s4+$0x8F90];
	s29 =	spop (v2sf);
	(v2sf) =	vpush v63, $0x0  }
0xdf: {  	s5 =	smov.u32 @p0 s3;
	v15 =	vld @!p0 [tilespmem:s4+$0xA410];
	p1 =	slt.s32 s29, $0x1  }
0xe0: {  	p2 =	slt.s32 @!p1 s5, $0x51  }
0xe1: {  	vm1 =	vmxor @!p1 vm1, vm1;
	v13 =	vsub.f32 @!p0 v13, v7;
	p2 =	por !p2, p1  }
0xe2: {  	vm2 =	vgt.f32 @!p1 v14, $5.000000000e-01;
	v16 =	vsub.f32 @!p0 v16, v8;
	vm1 =	vmneg @!p2 vm1  }
0xe3: {  	v17 =	vsub.f32 @!p0 v17, v9;
	v13 =	vmul.f32 @!p0 v13, v0;
	vm1 =	vmand @!p1 vm2, vm1  }
0xe4: {  	v15 =	vsub.f32 @!p0 v15, v10;
	v16 =	vmul.f32 @!p0 v16, v0  }
0xe5: {  	v17 =	vmul.f32 @!p0 v17, v0;
	[tilespmem:v11+s3+$0xC480 ss:$0x1] =	vst.idx.msk @!p0 vm0, v13  }
0xe6: {  	v13 =	vmul.f32 @!p0 v15, v0;
	[tilespmem:v11+s3+$0xCA80 ss:$0x1] =	vst.idx.msk @!p0 vm0, v16  }
0xe7: {  	s4 =	sadd.s32 $0x20, s26;
	v15 =	vlaneseq.u32 @!p1;
	[tilespmem:v11+s3+$0xD080 ss:$0x1] =	vst.idx.msk @!p0 vm0, v17  }
0xe8: {  	[tilespmem:v11+s3+$0xD680 ss:$0x1] =	vst.idx.msk @!p0 vm0, v13;
	v13 =	vor.u32 @!p1 s4, v15  }
0xe9: {  	[tilespmem:v11+s5+$0xB880 ss:$0x1] =	vst.idx.msk @!p1 vm1, v13  }
0xea: {  	s3 =	sshra.s32 @!p1 s28, $0x2;
	[tilespmem:v11+s5+$0xBE80 ss:$0x1] =	vst.idx.msk @!p1 vm1, v14  }
0xeb: {  	v13 =	vld @!p1 [tilespmem:s3+$0x66A0]  }
0xec: {  	s29 =	simm.s32 @p2 $0x0;
	v14 =	vld @!p1 [tilespmem:s3+$0x7B20]  }
0xed: {  	s4 =	sadd.s32 @!p1 s5, s29;
	v15 =	vld @!p1 [tilespmem:s3+$0x8FA0];
	s29 =	spop (v2sf)  }
0xee: {  	s4 =	smov.u32 @p1 s5;
	v16 =	vld @!p1 [tilespmem:s3+$0xA420];
	p0 =	slt.s32 s29, $0x1  }
0xef: {  	p2 =	slt.s32 @!p0 s4, $0x51  }
0xf0: {  	vm0 =	vmxor @!p0 vm0, vm0;
	v13 =	vsub.f32 @!p1 v13, v7;
	p2 =	por !p2, p0  }
0xf1: {  	vm2 =	vgt.f32 @!p0 v12, $5.000000000e-01;
	v14 =	vsub.f32 @!p1 v14, v8;
	vm0 =	vmneg @!p2 vm0  }
0xf2: {  	v15 =	vsub.f32 @!p1 v15, v9;
	vm0 =	vmand @!p0 vm2, vm0;
	v13 =	vmul.f32 @!p1 v13, v0  }
0xf3: {  	v16 =	vsub.f32 @!p1 v16, v10;
	v14 =	vmul.f32 @!p1 v14, v0  }
0xf4: {  	v15 =	vmul.f32 @!p1 v15, v0;
	[tilespmem:v11+s5+$0xC480 ss:$0x1] =	vst.idx.msk @!p1 vm1, v13  }
0xf5: {  	v13 =	vmul.f32 @!p1 v16, v0;
	[tilespmem:v11+s5+$0xCA80 ss:$0x1] =	vst.idx.msk @!p1 vm1, v14  }
0xf6: {  	s3 =	sadd.s32 $0x30, s26;
	v14 =	vlaneseq.u32 @!p0;
	[tilespmem:v11+s5+$0xD080 ss:$0x1] =	vst.idx.msk @!p1 vm1, v15  }
0xf7: {  	[tilespmem:v11+s5+$0xD680 ss:$0x1] =	vst.idx.msk @!p1 vm1, v13;
	v13 =	vor.u32 @!p0 s3, v14  }
0xf8: {  	[tilespmem:v11+s4+$0xB880 ss:$0x1] =	vst.idx.msk @!p0 vm0, v13  }
0xf9: {  	s3 =	sshra.s32 @!p0 s28, $0x2;
	[tilespmem:v11+s4+$0xBE80 ss:$0x1] =	vst.idx.msk @!p0 vm0, v12  }
0xfa: {  	v12 =	vld @!p0 [tilespmem:s3+$0x66B0]  }
0xfb: {  	v13 =	vld @!p0 [tilespmem:s3+$0x7B30]  }
0xfc: {  	v14 =	vld @!p0 [tilespmem:s3+$0x8FB0]  }
0xfd: {  	v15 =	vld @!p0 [tilespmem:s3+$0xA430];
	_ =	sdelay $0x1  }
0xfe: {  	v12 =	vsub.f32 @!p0 v12, v7  }
0xff: {  	v13 =	vsub.f32 @!p0 v13, v8  }
0x100: {  	v14 =	vsub.f32 @!p0 v14, v9;
	v12 =	vmul.f32 @!p0 v12, v0  }
.Ltmp9:
0x101: {  	v15 =	vsub.f32 @!p0 v15, v10;
	v13 =	vmul.f32 @!p0 v13, v0;
	(pc) =	sbr.rel .LBB2_6-.Ltmp9, $4  }
0x102: {  	v14 =	vmul.f32 @!p0 v14, v0;
	[tilespmem:v11+s4+$0xC480 ss:$0x1] =	vst.idx.msk @!p0 vm0, v12  }
0x103: {  	s29 =	simm.s32 @p2 $0x0;
	v12 =	vmul.f32 @!p0 v15, v0;
	[tilespmem:v11+s4+$0xCA80 ss:$0x1] =	vst.idx.msk @!p0 vm0, v13  }
0x104: {  	s29 =	sadd.s32 @!p0 s4, s29;
	[tilespmem:v11+s4+$0xD080 ss:$0x1] =	vst.idx.msk @!p0 vm0, v14  }
0x105: {  	s29 =	smov.u32 @p0 s4;
	[tilespmem:v11+s4+$0xD680 ss:$0x1] =	vst.idx.msk @!p0 vm0, v12  }
.LBB2_10:
0x106: {  	_ =	sfence.sel $0x180000  }
0x107: {  	[bflag:$0x0] =	sbarrier.arrive $0xFFFF  }
0x108: {  	_ =	strace $0x90000047  }
0x109: {  	s0 =	stileid.u32;
	[bflag:$0x2] =	sbarrier.arrive $0xFFFF  }
0x10a: {  	p0 =	sne.s32 s0, $0x0;
	s0 =	rddreg [dreg:$0x2]  }
0x10b: {  	s0 =	sadd.s32 @!p0 $0x100000, s0  }
0x10c: {  	[sflag:s0] =	ssyncadd.tile.s32 @!p0 $0x1;
	_ =	shalt  }
.Lfunc_end2:
_tile_overlayer_lowered:
.L_overlay_start_2:
0x10d: {  	(tag) =	ssettag $0x2  }
0x10e: {  	s0 =	rddreg [dreg:$0x0];
	s2 =	stileid.u32  }
0x10f: {  	s1 =	rddreg [dreg:$0x1];
	p0 =	sne.s32 s2, $0x0  }
0x110: {  	s3 =	rddreg [dreg:$0x2];
	[bflag:$0x3] =	sbarrier.arrive $0xFFFF;
	s2 =	simm.s32 @!p0 $0x1C01  }
0x111: {  	[timem:s3], [sflag:s2] =	dma.local @!p0 [hbm:s0], s1  }
0x112: {  	s0 =	simm.s32 @!p0 $0x1  }
0x113: {  	_ =	swait.ge @!p0 [sflag:s0], s1  }
0x114: {  	s1 =	ssub.s32 @!p0 $0x0, s1;
	[sflag:s0] =	ssyncset.done @!p0 $0x0  }
0x115: {  	[sflag:s0] =	ssyncadd.s32 @!p0 s1  }
0x116: {  	[bflag:$0x3] =	sbarrier.arrive $0xFFFF  }
0x117: {  	_ =	shalt  }

</sc_bundles>
